<compile_context>
chip_gen: v7x
topology: tpu7x:2x2x1
jax: 0.10.2.dev20260603
libtpu: 0.0.44.dev20260713+nightly
codegen_flags: <defaults>
</compile_context>

<pallas_src>
import math

import jax
import jax.numpy as jnp
from jax import lax
from jax.experimental import pallas as pl
from jax.experimental.pallas import tpu as pltpu
from jax.experimental.pallas import tpu_sc as plsc

N = 10000
E = 320000
D = 128
OUT = 128
H = 4
C = OUT // H

NC, NS = 2, 16
NW = NC * NS
EPW = E // NW
G = 80
NCH = EPW // G
KB = 5
N2 = 10240
STR = N2 // NS
ZCH = 64
SROW = N2 // 32
EB = 2560
NB = 2000
FB = 2048


def _q_body(x_ref, wq_ref, q_ref):
    q_ref[...] = jnp.dot(x_ref[...], wq_ref[...],
                         preferred_element_type=jnp.float32)


def _gather_body(x_hbm, q_hbm, dst_hbm, src_hbm, xg_hbm, qg_hbm,
                 dsti_v, srci_v, rx_v, rq_v, sg, sw):
    wid = lax.axis_index("s") * NC + lax.axis_index("c")
    base = wid * EPW
    pltpu.sync_copy(dst_hbm.at[pl.ds(base, EPW)], dsti_v)
    pltpu.sync_copy(src_hbm.at[pl.ds(base, EPW)], srci_v)

    def drain_writebacks():
        for b in range(KB):
            pltpu.make_async_copy(x_hbm.at[pl.ds(0, G)], rx_v.at[b],
                                  sw).wait()
            pltpu.make_async_copy(q_hbm.at[pl.ds(0, G)], rq_v.at[b],
                                  sw).wait()

    def group(g, carry):
        @pl.when(g > 0)
        def _():
            drain_writebacks()

        descs = []
        for b in range(KB):
            j = g * KB + b
            descs.append(pltpu.async_copy(
                x_hbm.at[dsti_v.at[pl.ds(j * G, G)]], rx_v.at[b], sg))
            descs.append(pltpu.async_copy(
                q_hbm.at[srci_v.at[pl.ds(j * G, G)]], rq_v.at[b], sg))
        for d_ in descs:
            d_.wait()
        for b in range(KB):
            off = base + (g * KB + b) * G
            pltpu.async_copy(rx_v.at[b], xg_hbm.at[pl.ds(off, G)], sw)
            pltpu.async_copy(rq_v.at[b], qg_hbm.at[pl.ds(off, G)], sw)
        return carry

    lax.fori_loop(0, NCH // KB, group, 0)
    drain_writebacks()


def _unpack(pk_ref):
    pk = pk_ref[...]
    lo = jax.lax.bitcast_convert_type(jax.lax.shift_left(pk, 16),
                                      jnp.float32)
    hi = jax.lax.bitcast_convert_type(
        jnp.bitwise_and(pk, jnp.int32(-65536)), jnp.float32)
    return lo, hi


def _edge_body(ea_ref, xg_ref, qg_ref, src_ref, src32t_ref, wk_ref, wv_ref,
               we_ref, be_ref, s_ref, r_ref, t4_ref, p_ref, eo_ref, sacc_ref):
    f32 = jnp.float32
    xlo, xhi = _unpack(xg_ref)
    qlo, qhi = _unpack(qg_ref)
    zlo = ea_ref[:, :64] * xlo
    zhi = ea_ref[:, 64:] * xhi
    k = (jnp.dot(zlo, wk_ref[:64, :], preferred_element_type=f32)
         + jnp.dot(zhi, wk_ref[64:, :], preferred_element_type=f32))
    tlo = qlo * k[:, :64]
    thi = qhi * k[:, 64:]
    att = (jnp.dot(tlo, s_ref[:64, :], preferred_element_type=f32)
           + jnp.dot(thi, s_ref[64:, :], preferred_element_type=f32))
    ex = jnp.exp(jnp.minimum(att, 80.0))
    exb = jnp.dot(ex, r_ref[...], preferred_element_type=f32)
    v = (jnp.dot(zlo, wv_ref[:64, :], preferred_element_type=f32)
         + jnp.dot(zhi, wv_ref[64:, :], preferred_element_type=f32))
    p_ref[...] = v * exb
    eo_ref[...] = (jnp.dot(zlo, we_ref[:64, :], preferred_element_type=f32)
                   + jnp.dot(zhi, we_ref[64:, :], preferred_element_type=f32)
                   + be_ref[...])
    ext = jnp.dot(ex, t4_ref[...], preferred_element_type=jnp.float32)
    m32 = jnp.bitwise_and(src_ref[...], 31)
    lane_grp = jax.lax.broadcasted_iota(jnp.int32, (1, OUT), 1) // H
    p2row = ext * (m32 == lane_grp).astype(jnp.float32)
    g320 = jax.lax.broadcasted_iota(jnp.int32, (SROW, 1), 0)
    oht = (g320 == src32t_ref[...]).astype(jnp.float32)
    sblk = jnp.dot(oht, p2row, preferred_element_type=jnp.float32)

    @pl.when(pl.program_id(0) == 0)
    def _init():
        sacc_ref[...] = sblk

    @pl.when(pl.program_id(0) > 0)
    def _acc():
        sacc_ref[...] = sacc_ref[...] + sblk


def _scatter_body(p_hbm, src_hbm, vout_hbm,
                  idx_v, rows_v, zb_v, acc_sh, sl0, sl1, ss0, ss1, sw):
    cid = lax.axis_index("c")
    sid = lax.axis_index("s")
    wid = sid * NC + cid
    zero16 = jnp.zeros((16,), jnp.float32)

    def zb_zero(i, carry):
        zb_v[0, i // 8, pl.ds((i % 8) * 16, 16)] = zero16
        return carry

    lax.fori_loop(0, ZCH * 8, zb_zero, 0)
    for j in range(STR // ZCH):
        pltpu.async_copy(zb_v.at[0], acc_sh.at[pl.ds(sid * STR + j * ZCH,
                                                     ZCH)], sw)
    for j in range(STR // ZCH):
        pltpu.make_async_copy(acc_sh.at[pl.ds(0, ZCH)], zb_v.at[0],
                              sw).wait()
    plsc.subcore_barrier()

    base = wid * EPW

    def load_chunk(j, b, sem):
        off = base + j * G
        pltpu.async_copy(src_hbm.at[pl.ds(off, G)], idx_v.at[b], sem)
        pltpu.async_copy(p_hbm.at[pl.ds(off, G)], rows_v.at[b], sem)

    def drain_loads(b, sem):
        pltpu.make_async_copy(src_hbm.at[pl.ds(0, G)], idx_v.at[b],
                              sem).wait()
        pltpu.make_async_copy(p_hbm.at[pl.ds(0, G)], rows_v.at[b],
                              sem).wait()

    def drain_scatter(b, sem):
        pltpu.make_async_copy(rows_v.at[b], acc_sh.at[pl.ds(0, G)],
                              sem).wait()

    load_chunk(0, 0, sl0)

    def body(g, carry):
        b = lax.rem(g, 2)

        @pl.when(b == 0)
        def _even():
            drain_loads(0, sl0)

            @pl.when(g > 0)
            def _():
                drain_scatter(1, ss1)

            @pl.when(g + 1 < NCH)
            def _():
                load_chunk(g + 1, 1, sl1)
            pltpu.async_copy(rows_v.at[0], acc_sh.at[idx_v.at[0]], ss0,
                             add=True)

        @pl.when(b == 1)
        def _odd():
            drain_loads(1, sl1)
            drain_scatter(0, ss0)

            @pl.when(g + 1 < NCH)
            def _():
                load_chunk(g + 1, 0, sl0)
            pltpu.async_copy(rows_v.at[1], acc_sh.at[idx_v.at[1]], ss1,
                             add=True)

        return carry

    lax.fori_loop(0, NCH, body, 0)
    drain_scatter((NCH - 1) % 2, ss0 if (NCH - 1) % 2 == 0 else ss1)
    plsc.subcore_barrier()

    def dump(j, carry):
        b = lax.rem(j, 2)
        r0 = sid * STR + j * ZCH

        @pl.when(j >= 2)
        def _():
            pltpu.make_async_copy(vout_hbm.at[cid, pl.ds(0, ZCH)],
                                  zb_v.at[0], sw).wait()

        @pl.when(b == 0)
        def _d0():
            pltpu.sync_copy(acc_sh.at[pl.ds(r0, ZCH)], zb_v.at[0])
            pltpu.async_copy(zb_v.at[0], vout_hbm.at[cid, pl.ds(r0, ZCH)], sw)

        @pl.when(b == 1)
        def _d1():
            pltpu.sync_copy(acc_sh.at[pl.ds(r0, ZCH)], zb_v.at[1])
            pltpu.async_copy(zb_v.at[1], vout_hbm.at[cid, pl.ds(r0, ZCH)], sw)

        return carry

    lax.fori_loop(0, STR // ZCH, dump, 0)
    for _ in range(2):
        pltpu.make_async_copy(vout_hbm.at[cid, pl.ds(0, ZCH)], zb_v.at[0],
                              sw).wait()


def _fin_body(vacc_ref, s4_ref, rsel_ref, out_ref):
    a = vacc_ref[0] + vacc_ref[1]
    sb = jnp.dot(s4_ref[...], rsel_ref[...],
                 preferred_element_type=jnp.float32)
    out_ref[...] = a / (sb + 1e-16)


def kernel(x, edge_index, edge_attr, Wq, Wk, Wv, We, be):
    src = edge_index[0, :]
    dst = edge_index[1, :]
    src2d = src.reshape(E, 1)
    src32t = jax.lax.shift_right_logical(src, 5).reshape(1, E)
    f32 = jnp.float32

    cols = jnp.arange(OUT)
    inv_sqrt_c = 1.0 / math.sqrt(C)
    s_m = ((cols[:, None] // C) == cols[None, :]).astype(f32) * inv_sqrt_c
    r_m = ((cols[:, None]) == (cols[None, :] // C)).astype(f32)
    t4_m = ((cols[:, None]) == (cols[None, :] % H)).astype(f32)
    rsel = (jnp.arange(H)[:, None] == (cols[None, :] // C)).astype(f32)

    q = pl.pallas_call(
        _q_body,
        grid=(N // NB,),
        in_specs=[
            pl.BlockSpec((NB, D), lambda i: (i, 0)),
            pl.BlockSpec((D, OUT), lambda i: (0, 0)),
        ],
        out_specs=pl.BlockSpec((NB, OUT), lambda i: (i, 0)),
        out_shape=jax.ShapeDtypeStruct((N, OUT), f32),
    )(x, Wq)

    def pack_bf16(a):
        b = a.astype(jnp.bfloat16)
        return jax.lax.bitcast_convert_type(
            jnp.stack([b[:, :64], b[:, 64:]], axis=2), jnp.int32)

    xp = pack_bf16(x)
    qp = pack_bf16(q)

    mesh = plsc.VectorSubcoreMesh(core_axis_name="c", subcore_axis_name="s")
    gather = pl.kernel(
        _gather_body,
        out_type=(jax.ShapeDtypeStruct((E, 64), jnp.int32),
                  jax.ShapeDtypeStruct((E, 64), jnp.int32)),
        mesh=mesh,
        compiler_params=pltpu.CompilerParams(use_tc_tiling_on_sc=False),
        scratch_types=[
            pltpu.VMEM((EPW,), jnp.int32),
            pltpu.VMEM((EPW,), jnp.int32),
            pltpu.VMEM((KB, G, 64), jnp.int32),
            pltpu.VMEM((KB, G, 64), jnp.int32),
            pltpu.SemaphoreType.DMA,
            pltpu.SemaphoreType.DMA,
        ],
    )
    xg, qg = gather(xp, qp, dst, src)

    ebk = lambda w: pl.BlockSpec((EB, w), lambda i: (i, 0))
    full = lambda bs: pl.BlockSpec(bs, lambda i: (0, 0))
    p, edge_out, s320 = pl.pallas_call(
        _edge_body,
        grid=(E // EB,),
        in_specs=[
            ebk(D), ebk(64), ebk(64), ebk(1),
            pl.BlockSpec((1, EB), lambda i: (0, i)),
            full((D, OUT)), full((D, OUT)), full((D, OUT)), full((1, OUT)),
            full((OUT, OUT)), full((OUT, OUT)), full((OUT, OUT)),
        ],
        out_specs=[
            ebk(OUT), ebk(OUT),
            pl.BlockSpec((SROW, 128), lambda i: (0, 0)),
        ],
        out_shape=[
            jax.ShapeDtypeStruct((E, OUT), f32),
            jax.ShapeDtypeStruct((E, OUT), f32),
            jax.ShapeDtypeStruct((SROW, 128), f32),
        ],
    )(edge_attr, xg, qg, src2d, src32t, Wk, Wv, We, be.reshape(1, OUT),
      s_m, r_m, t4_m)

    scatter = pl.kernel(
        _scatter_body,
        out_type=jax.ShapeDtypeStruct((NC, N2, OUT), f32),
        mesh=mesh,
        scratch_types=[
            pltpu.VMEM((2, G), jnp.int32),
            pltpu.VMEM((2, G, OUT), f32),
            pltpu.VMEM((2, ZCH, OUT), f32),
            pltpu.VMEM_SHARED((N2, OUT), f32),
            pltpu.SemaphoreType.DMA,
            pltpu.SemaphoreType.DMA,
            pltpu.SemaphoreType.DMA,
            pltpu.SemaphoreType.DMA,
            pltpu.SemaphoreType.DMA,
        ],
    )
    vacc = scatter(p, src)

    s4 = s320.reshape(SROW * 128 // H, H)

    out = pl.pallas_call(
        _fin_body,
        grid=(pl.cdiv(N, FB),),
        in_specs=[
            pl.BlockSpec((NC, FB, OUT), lambda i: (0, i, 0)),
            pl.BlockSpec((FB, H), lambda i: (i, 0)),
            pl.BlockSpec((H, OUT), lambda i: (0, 0)),
        ],
        out_specs=pl.BlockSpec((FB, OUT), lambda i: (i, 0)),
        out_shape=jax.ShapeDtypeStruct((N, OUT), f32),
    )(vacc, s4, rsel)

    return (out, edge_out)

# --- scband reference (transcript-rebuilt; emitter-appended) ---
"""Pipeline reference for scband-yate-attention-41875931136320 (READ-ONLY COPY).

The authoritative reference and input builder live on the scoring server;
editing this copy changes nothing except your own understanding.
"""

import math
import jax, jax.numpy as jnp
import numpy as np

N = 10000
E = 320000
D = 128
OUT = 128
H = 4


def setup_inputs(seed: int = 0) -> dict:
    key = jax.random.key(seed)
    k1, k2, k3, k4, k5, k6, k7 = jax.random.split(key, 7)
    x = jax.random.normal(k1, (N, D), dtype=jnp.float32)
    edge_index = jax.random.randint(k2, (2, E), 0, N)
    edge_attr = jax.random.normal(k3, (E, D), dtype=jnp.float32)
    s = 1.0 / math.sqrt(D)
    Wq = jax.random.normal(k4, (D, OUT), dtype=jnp.float32) * s
    Wk = jax.random.normal(k5, (D, OUT), dtype=jnp.float32) * s
    Wv = jax.random.normal(k6, (D, OUT), dtype=jnp.float32) * s
    We = jax.random.normal(k7, (D, OUT), dtype=jnp.float32) * s
    be = jnp.zeros((OUT,), dtype=jnp.float32)
    return {"x": x, "edge_index": edge_index, "edge_attr": edge_attr,
            "Wq": Wq, "Wk": Wk, "Wv": Wv, "We": We, "be": be}


def _segment_softmax(att, src, num_segments):
    m = jax.ops.segment_max(att, src, num_segments=num_segments)
    m = jnp.where(jnp.isfinite(m), m, 0.0)
    ex = jnp.exp(att - m[src])
    s = jax.ops.segment_sum(ex, src, num_segments=num_segments)
    return ex / (s[src] + 1e-16)


def reference(x, edge_index, edge_attr, Wq, Wk, Wv, We, be):
    src = edge_index[0, :]
    dst = edge_index[1, :]
    # Z = edge_attr * x[edge_index[1]]
    Z = edge_attr * jnp.take(x, dst, axis=0)
    query = x @ Wq
    key_ = Z @ Wk
    value = Z @ Wv
    C = OUT // H
    # vectorized over heads; head i occupies cols [i*C:(i+1)*C], matching torch concat order
    q = query.reshape(N, H, C)
    k = key_.reshape(E, H, C)
    v = value.reshape(E, H, C)
    att = jnp.sum(jnp.take(q, src, axis=0) * k, axis=2) / math.sqrt(C)  # [E, H]
    att = _segment_softmax(att, src, N)
    out = jax.ops.segment_sum(att[:, :, None] * v, src, num_segments=N)  # [N, H, C]
    out = out.reshape(N, OUT)
    edge_out = Z @ We + be
    return (out, edge_out)

if __name__ == "__main__":
    import jax
    _d = setup_inputs()
    print(jax.jit(kernel)(*tuple(_d.values())))

</pallas_src>

<mosaic_0001>
#map = affine_map<(d0, d1) -> (0, 0)>
#map1 = affine_map<(d0, d1) -> (0)>
#map2 = affine_map<(d0, d1) -> (0, 0, 0)>
module attributes {stable_mosaic.version = 14 : i64} {
  func.func @_scatter_body(%arg0: i32, %arg1: i32, %arg2: memref<320000x128xf32, #tpu.memory_space<hbm>>, %arg3: memref<320000xi32, #tpu.memory_space<hbm>>, %arg4: memref<2x10240x128xf32, #tpu.memory_space<hbm>>, %arg5: memref<2x80xi32, #tpu.memory_space<vmem>>, %arg6: memref<2x80x128xf32, #tpu.memory_space<vmem>>, %arg7: memref<2x64x128xf32, #tpu.memory_space<vmem>>, %arg8: memref<10240x128xf32, #tpu.memory_space<vmem_shared>>, %arg9: memref<!tpu.dma_semaphore, #tpu.memory_space<semaphore_mem>>, %arg10: memref<!tpu.dma_semaphore, #tpu.memory_space<semaphore_mem>>, %arg11: memref<!tpu.dma_semaphore, #tpu.memory_space<semaphore_mem>>, %arg12: memref<!tpu.dma_semaphore, #tpu.memory_space<semaphore_mem>>, %arg13: memref<!tpu.dma_semaphore, #tpu.memory_space<semaphore_mem>>) attributes {dimension_semantics = [#tpu.dimension_semantics<core_parallel>, #tpu.dimension_semantics<subcore_parallel>], iteration_bounds = array<i64: 2, 16>, scalar_prefetch = 0 : i64, scratch_operands = 9 : i64, tpu.core_type = #tpu.core_type<sc_vector_subcore>, window_params = [{transform_indices = #map}, {transform_indices = #map1}, {transform_indices = #map2}]} {
    %mul3A = arith.constant 2 : i32
    %mul3A_0 = arith.muli %arg1, %mul3A : i32
    %add3A = arith.addi %mul3A_0, %arg0 : i32
    %broadcast_in_dim3A = arith.constant 0.000000e+00 : f32
    %broadcast_in_dim3A_1 = vector.broadcast %broadcast_in_dim3A : f32 to vector<16xf32>
    %scan3A = arith.constant 0 : i32
    %scan3A_2 = arith.constant 0 : i32
    %scan3A_3 = arith.constant 512 : i32
    %scan3A_4 = arith.addi %scan3A_2, %scan3A_3 : i32
    %scan3A_5 = arith.constant 1 : i32
    scf.for %scan3A_413 = %scan3A_2 to %scan3A_4 step %scan3A_5  : i32 {
      %jit3A = arith.constant 8 : i32
      %div3A = arith.divsi %scan3A_413, %jit3A : i32
      %sign3A = arith.constant 0 : i32
      %sign3A_414 = arith.cmpi sgt, %scan3A_413, %sign3A : i32
      %sign3A_415 = arith.extui %sign3A_414 : i1 to i32
      %sign3A_416 = arith.constant 0 : i32
      %sign3A_417 = arith.cmpi slt, %scan3A_413, %sign3A_416 : i32
      %sign3A_418 = arith.extui %sign3A_417 : i1 to i32
      %sign3A_419 = arith.subi %sign3A_415, %sign3A_418 : i32
      %sign3A_420 = arith.constant 0 : i32
      %sign3A_421 = arith.cmpi sgt, %jit3A, %sign3A_420 : i32
      %sign3A_422 = arith.extui %sign3A_421 : i1 to i32
      %sign3A_423 = arith.constant 0 : i32
      %sign3A_424 = arith.cmpi slt, %jit3A, %sign3A_423 : i32
      %sign3A_425 = arith.extui %sign3A_424 : i1 to i32
      %sign3A_426 = arith.subi %sign3A_422, %sign3A_425 : i32
      %ne3A = arith.cmpi ne, %sign3A_419, %sign3A_426 : i32
      %rem3A = arith.remsi %scan3A_413, %jit3A : i32
      %ne3A_427 = arith.constant 0 : i32
      %ne3A_428 = arith.cmpi ne, %rem3A, %ne3A_427 : i32
      %and3A = arith.andi %ne3A, %ne3A_428 : i1
      %sub3A = arith.constant 1 : i32
      %sub3A_429 = arith.subi %div3A, %sub3A : i32
      %select_n3A = arith.select %and3A, %sub3A_429, %div3A : i32
      %jit3A_430 = arith.constant 8 : i32
      %eq3A = arith.constant 0 : i32
      %eq3A_431 = arith.cmpi eq, %jit3A_430, %eq3A : i32
      %jit3A_432 = arith.constant 1 : i32
      %select_n3A_433 = arith.select %eq3A_431, %jit3A_432, %jit3A_430 : i32
      %rem3A_434 = arith.remsi %scan3A_413, %select_n3A_433 : i32
      %ne3A_435 = arith.constant 0 : i32
      %ne3A_436 = arith.cmpi ne, %rem3A_434, %ne3A_435 : i32
      %lt3A = arith.constant 0 : i32
      %lt3A_437 = arith.cmpi slt, %rem3A_434, %lt3A : i32
      %lt3A_438 = arith.constant 0 : i32
      %lt3A_439 = arith.cmpi slt, %select_n3A_433, %lt3A_438 : i32
      %ne3A_440 = arith.xori %lt3A_437, %lt3A_439 : i1
      %and3A_441 = arith.andi %ne3A_440, %ne3A_436 : i1
      %add3A_442 = arith.addi %rem3A_434, %select_n3A_433 : i32
      %select_n3A_443 = arith.select %and3A_441, %add3A_442, %rem3A_434 : i32
      %mul3A_444 = arith.constant 16 : i32
      %mul3A_445 = arith.muli %select_n3A_443, %mul3A_444 : i32
      %swap3A = arith.constant 0 : i32
      %swap3A_446 = arith.index_cast %swap3A : i32 to index
      %swap3A_447 = arith.index_cast %select_n3A : i32 to index
      %swap3A_448 = arith.index_cast %mul3A_445 : i32 to index
      %swap3A_449 = tpu.vector_load %arg7[%swap3A_446, %swap3A_447, %swap3A_448] {strides = array<i32>} : memref<2x64x128xf32, #tpu.memory_space<vmem>>, vector<1x1x16xf32>,
      %swap3A_450 = vector.shape_cast %swap3A_449 : vector<1x1x16xf32> to vector<16xf32>
      %swap3A_451 = vector.shape_cast %broadcast_in_dim3A_1 : vector<16xf32> to vector<1x1x16xf32>
      tpu.vector_store %arg7[%swap3A_446, %swap3A_447, %swap3A_448], %swap3A_451 {strides = array<i32>} : memref<2x64x128xf32, #tpu.memory_space<vmem>>, vector<1x1x16xf32>,
    }
    %scan3A_6 = arith.constant 512 : i32
    %mul3A_7 = arith.constant 640 : i32
    %mul3A_8 = arith.muli %arg1, %mul3A_7 : i32
    %add3A_9 = arith.constant 0 : i32
    %add3A_10 = arith.addi %mul3A_8, %add3A_9 : i32
    %dma_start3A = arith.constant 0 : i32
    %dma_start3A_11 = arith.constant 0 : i32
    %dma_start3A_12 = arith.constant 0 : i32
    %dma_start3A_13 = tpu.memref_slice %arg7[%dma_start3A, %dma_start3A_11, %dma_start3A_12] : memref<2x64x128xf32, #tpu.memory_space<vmem>> -> memref<1x64x128xf32, #tpu.memory_space<vmem>>
    %dma_start3A_14 = tpu.memref_squeeze %dma_start3A_13 : memref<1x64x128xf32, #tpu.memory_space<vmem>> -> memref<64x128xf32, #tpu.memory_space<vmem>>
    %dma_start3A_15 = arith.constant 0 : i32
    %dma_start3A_16 = tpu.memref_slice %arg8[%add3A_10, %dma_start3A_15] : memref<10240x128xf32, #tpu.memory_space<vmem_shared>> -> memref<64x128xf32, #tpu.memory_space<vmem_shared>>
    %dma_start3A_17 = arith.constant 0 : i32
    %dma_start3A_18 = tpu.memref_slice %arg8[%add3A_10, %dma_start3A_17] : memref<10240x128xf32, #tpu.memory_space<vmem_shared>> -> memref<64x128xf32, #tpu.memory_space<vmem_shared>>
    %dma_start3A_19 = arith.constant 0 : i32
    %dma_start3A_20 = arith.constant 0 : i32
    %dma_start3A_21 = tpu.memref_slice %arg7[%dma_start3A, %dma_start3A_19, %dma_start3A_20] : memref<2x64x128xf32, #tpu.memory_space<vmem>> -> memref<1x64x128xf32, #tpu.memory_space<vmem>>
    %dma_start3A_22 = tpu.memref_squeeze %dma_start3A_21 : memref<1x64x128xf32, #tpu.memory_space<vmem>> -> memref<64x128xf32, #tpu.memory_space<vmem>>
    tpu.enqueue_dma source(%dma_start3A_22 : memref<64x128xf32, #tpu.memory_space<vmem>>) target(%dma_start3A_18 : memref<64x128xf32, #tpu.memory_space<vmem_shared>>) target_semaphore(%arg13 : memref<!tpu.dma_semaphore, #tpu.memory_space<semaphore_mem>>)
    %mul3A_23 = arith.constant 640 : i32
    %mul3A_24 = arith.muli %arg1, %mul3A_23 : i32
    %add3A_25 = arith.constant 64 : i32
    %add3A_26 = arith.addi %mul3A_24, %add3A_25 : i32
    %dma_start3A_27 = arith.constant 0 : i32
    %dma_start3A_28 = arith.constant 0 : i32
    %dma_start3A_29 = arith.constant 0 : i32
    %dma_start3A_30 = tpu.memref_slice %arg7[%dma_start3A_27, %dma_start3A_28, %dma_start3A_29] : memref<2x64x128xf32, #tpu.memory_space<vmem>> -> memref<1x64x128xf32, #tpu.memory_space<vmem>>
    %dma_start3A_31 = tpu.memref_squeeze %dma_start3A_30 : memref<1x64x128xf32, #tpu.memory_space<vmem>> -> memref<64x128xf32, #tpu.memory_space<vmem>>
    %dma_start3A_32 = arith.constant 0 : i32
    %dma_start3A_33 = tpu.memref_slice %arg8[%add3A_26, %dma_start3A_32] : memref<10240x128xf32, #tpu.memory_space<vmem_shared>> -> memref<64x128xf32, #tpu.memory_space<vmem_shared>>
    %dma_start3A_34 = arith.constant 0 : i32
    %dma_start3A_35 = tpu.memref_slice %arg8[%add3A_26, %dma_start3A_34] : memref<10240x128xf32, #tpu.memory_space<vmem_shared>> -> memref<64x128xf32, #tpu.memory_space<vmem_shared>>
    %dma_start3A_36 = arith.constant 0 : i32
    %dma_start3A_37 = arith.constant 0 : i32
    %dma_start3A_38 = tpu.memref_slice %arg7[%dma_start3A_27, %dma_start3A_36, %dma_start3A_37] : memref<2x64x128xf32, #tpu.memory_space<vmem>> -> memref<1x64x128xf32, #tpu.memory_space<vmem>>
    %dma_start3A_39 = tpu.memref_squeeze %dma_start3A_38 : memref<1x64x128xf32, #tpu.memory_space<vmem>> -> memref<64x128xf32, #tpu.memory_space<vmem>>
    tpu.enqueue_dma source(%dma_start3A_39 : memref<64x128xf32, #tpu.memory_space<vmem>>) target(%dma_start3A_35 : memref<64x128xf32, #tpu.memory_space<vmem_shared>>) target_semaphore(%arg13 : memref<!tpu.dma_semaphore, #tpu.memory_space<semaphore_mem>>)
    %mul3A_40 = arith.constant 640 : i32
    %mul3A_41 = arith.muli %arg1, %mul3A_40 : i32
    %add3A_42 = arith.constant 128 : i32
    %add3A_43 = arith.addi %mul3A_41, %add3A_42 : i32
    %dma_start3A_44 = arith.constant 0 : i32
    %dma_start3A_45 = arith.constant 0 : i32
    %dma_start3A_46 = arith.constant 0 : i32
    %dma_start3A_47 = tpu.memref_slice %arg7[%dma_start3A_44, %dma_start3A_45, %dma_start3A_46] : memref<2x64x128xf32, #tpu.memory_space<vmem>> -> memref<1x64x128xf32, #tpu.memory_space<vmem>>
    %dma_start3A_48 = tpu.memref_squeeze %dma_start3A_47 : memref<1x64x128xf32, #tpu.memory_space<vmem>> -> memref<64x128xf32, #tpu.memory_space<vmem>>
    %dma_start3A_49 = arith.constant 0 : i32
    %dma_start3A_50 = tpu.memref_slice %arg8[%add3A_43, %dma_start3A_49] : memref<10240x128xf32, #tpu.memory_space<vmem_shared>> -> memref<64x128xf32, #tpu.memory_space<vmem_shared>>
    %dma_start3A_51 = arith.constant 0 : i32
    %dma_start3A_52 = tpu.memref_slice %arg8[%add3A_43, %dma_start3A_51] : memref<10240x128xf32, #tpu.memory_space<vmem_shared>> -> memref<64x128xf32, #tpu.memory_space<vmem_shared>>
    %dma_start3A_53 = arith.constant 0 : i32
    %dma_start3A_54 = arith.constant 0 : i32
    %dma_start3A_55 = tpu.memref_slice %arg7[%dma_start3A_44, %dma_start3A_53, %dma_start3A_54] : memref<2x64x128xf32, #tpu.memory_space<vmem>> -> memref<1x64x128xf32, #tpu.memory_space<vmem>>
    %dma_start3A_56 = tpu.memref_squeeze %dma_start3A_55 : memref<1x64x128xf32, #tpu.memory_space<vmem>> -> memref<64x128xf32, #tpu.memory_space<vmem>>
    tpu.enqueue_dma source(%dma_start3A_56 : memref<64x128xf32, #tpu.memory_space<vmem>>) target(%dma_start3A_52 : memref<64x128xf32, #tpu.memory_space<vmem_shared>>) target_semaphore(%arg13 : memref<!tpu.dma_semaphore, #tpu.memory_space<semaphore_mem>>)
    %mul3A_57 = arith.constant 640 : i32
    %mul3A_58 = arith.muli %arg1, %mul3A_57 : i32
    %add3A_59 = arith.constant 192 : i32
    %add3A_60 = arith.addi %mul3A_58, %add3A_59 : i32
    %dma_start3A_61 = arith.constant 0 : i32
    %dma_start3A_62 = arith.constant 0 : i32
    %dma_start3A_63 = arith.constant 0 : i32
    %dma_start3A_64 = tpu.memref_slice %arg7[%dma_start3A_61, %dma_start3A_62, %dma_start3A_63] : memref<2x64x128xf32, #tpu.memory_space<vmem>> -> memref<1x64x128xf32, #tpu.memory_space<vmem>>
    %dma_start3A_65 = tpu.memref_squeeze %dma_start3A_64 : memref<1x64x128xf32, #tpu.memory_space<vmem>> -> memref<64x128xf32, #tpu.memory_space<vmem>>
    %dma_start3A_66 = arith.constant 0 : i32
    %dma_start3A_67 = tpu.memref_slice %arg8[%add3A_60, %dma_start3A_66] : memref<10240x128xf32, #tpu.memory_space<vmem_shared>> -> memref<64x128xf32, #tpu.memory_space<vmem_shared>>
    %dma_start3A_68 = arith.constant 0 : i32
    %dma_start3A_69 = tpu.memref_slice %arg8[%add3A_60, %dma_start3A_68] : memref<10240x128xf32, #tpu.memory_space<vmem_shared>> -> memref<64x128xf32, #tpu.memory_space<vmem_shared>>
    %dma_start3A_70 = arith.constant 0 : i32
    %dma_start3A_71 = arith.constant 0 : i32
    %dma_start3A_72 = tpu.memref_slice %arg7[%dma_start3A_61, %dma_start3A_70, %dma_start3A_71] : memref<2x64x128xf32, #tpu.memory_space<vmem>> -> memref<1x64x128xf32, #tpu.memory_space<vmem>>
    %dma_start3A_73 = tpu.memref_squeeze %dma_start3A_72 : memref<1x64x128xf32, #tpu.memory_space<vmem>> -> memref<64x128xf32, #tpu.memory_space<vmem>>
    tpu.enqueue_dma source(%dma_start3A_73 : memref<64x128xf32, #tpu.memory_space<vmem>>) target(%dma_start3A_69 : memref<64x128xf32, #tpu.memory_space<vmem_shared>>) target_semaphore(%arg13 : memref<!tpu.dma_semaphore, #tpu.memory_space<semaphore_mem>>)
    %mul3A_74 = arith.constant 640 : i32
    %mul3A_75 = arith.muli %arg1, %mul3A_74 : i32
    %add3A_76 = arith.constant 256 : i32
    %add3A_77 = arith.addi %mul3A_75, %add3A_76 : i32
    %dma_start3A_78 = arith.constant 0 : i32
    %dma_start3A_79 = arith.constant 0 : i32
    %dma_start3A_80 = arith.constant 0 : i32
    %dma_start3A_81 = tpu.memref_slice %arg7[%dma_start3A_78, %dma_start3A_79, %dma_start3A_80] : memref<2x64x128xf32, #tpu.memory_space<vmem>> -> memref<1x64x128xf32, #tpu.memory_space<vmem>>
    %dma_start3A_82 = tpu.memref_squeeze %dma_start3A_81 : memref<1x64x128xf32, #tpu.memory_space<vmem>> -> memref<64x128xf32, #tpu.memory_space<vmem>>
    %dma_start3A_83 = arith.constant 0 : i32
    %dma_start3A_84 = tpu.memref_slice %arg8[%add3A_77, %dma_start3A_83] : memref<10240x128xf32, #tpu.memory_space<vmem_shared>> -> memref<64x128xf32, #tpu.memory_space<vmem_shared>>
    %dma_start3A_85 = arith.constant 0 : i32
    %dma_start3A_86 = tpu.memref_slice %arg8[%add3A_77, %dma_start3A_85] : memref<10240x128xf32, #tpu.memory_space<vmem_shared>> -> memref<64x128xf32, #tpu.memory_space<vmem_shared>>
    %dma_start3A_87 = arith.constant 0 : i32
    %dma_start3A_88 = arith.constant 0 : i32
    %dma_start3A_89 = tpu.memref_slice %arg7[%dma_start3A_78, %dma_start3A_87, %dma_start3A_88] : memref<2x64x128xf32, #tpu.memory_space<vmem>> -> memref<1x64x128xf32, #tpu.memory_space<vmem>>
    %dma_start3A_90 = tpu.memref_squeeze %dma_start3A_89 : memref<1x64x128xf32, #tpu.memory_space<vmem>> -> memref<64x128xf32, #tpu.memory_space<vmem>>
    tpu.enqueue_dma source(%dma_start3A_90 : memref<64x128xf32, #tpu.memory_space<vmem>>) target(%dma_start3A_86 : memref<64x128xf32, #tpu.memory_space<vmem_shared>>) target_semaphore(%arg13 : memref<!tpu.dma_semaphore, #tpu.memory_space<semaphore_mem>>)
    %mul3A_91 = arith.constant 640 : i32
    %mul3A_92 = arith.muli %arg1, %mul3A_91 : i32
    %add3A_93 = arith.constant 320 : i32
    %add3A_94 = arith.addi %mul3A_92, %add3A_93 : i32
    %dma_start3A_95 = arith.constant 0 : i32
    %dma_start3A_96 = arith.constant 0 : i32
    %dma_start3A_97 = arith.constant 0 : i32
    %dma_start3A_98 = tpu.memref_slice %arg7[%dma_start3A_95, %dma_start3A_96, %dma_start3A_97] : memref<2x64x128xf32, #tpu.memory_space<vmem>> -> memref<1x64x128xf32, #tpu.memory_space<vmem>>
    %dma_start3A_99 = tpu.memref_squeeze %dma_start3A_98 : memref<1x64x128xf32, #tpu.memory_space<vmem>> -> memref<64x128xf32, #tpu.memory_space<vmem>>
    %dma_start3A_100 = arith.constant 0 : i32
    %dma_start3A_101 = tpu.memref_slice %arg8[%add3A_94, %dma_start3A_100] : memref<10240x128xf32, #tpu.memory_space<vmem_shared>> -> memref<64x128xf32, #tpu.memory_space<vmem_shared>>
    %dma_start3A_102 = arith.constant 0 : i32
    %dma_start3A_103 = tpu.memref_slice %arg8[%add3A_94, %dma_start3A_102] : memref<10240x128xf32, #tpu.memory_space<vmem_shared>> -> memref<64x128xf32, #tpu.memory_space<vmem_shared>>
    %dma_start3A_104 = arith.constant 0 : i32
    %dma_start3A_105 = arith.constant 0 : i32
    %dma_start3A_106 = tpu.memref_slice %arg7[%dma_start3A_95, %dma_start3A_104, %dma_start3A_105] : memref<2x64x128xf32, #tpu.memory_space<vmem>> -> memref<1x64x128xf32, #tpu.memory_space<vmem>>
    %dma_start3A_107 = tpu.memref_squeeze %dma_start3A_106 : memref<1x64x128xf32, #tpu.memory_space<vmem>> -> memref<64x128xf32, #tpu.memory_space<vmem>>
    tpu.enqueue_dma source(%dma_start3A_107 : memref<64x128xf32, #tpu.memory_space<vmem>>) target(%dma_start3A_103 : memref<64x128xf32, #tpu.memory_space<vmem_shared>>) target_semaphore(%arg13 : memref<!tpu.dma_semaphore, #tpu.memory_space<semaphore_mem>>)
    %mul3A_108 = arith.constant 640 : i32
    %mul3A_109 = arith.muli %arg1, %mul3A_108 : i32
    %add3A_110 = arith.constant 384 : i32
    %add3A_111 = arith.addi %mul3A_109, %add3A_110 : i32
    %dma_start3A_112 = arith.constant 0 : i32
    %dma_start3A_113 = arith.constant 0 : i32
    %dma_start3A_114 = arith.constant 0 : i32
    %dma_start3A_115 = tpu.memref_slice %arg7[%dma_start3A_112, %dma_start3A_113, %dma_start3A_114] : memref<2x64x128xf32, #tpu.memory_space<vmem>> -> memref<1x64x128xf32, #tpu.memory_space<vmem>>
    %dma_start3A_116 = tpu.memref_squeeze %dma_start3A_115 : memref<1x64x128xf32, #tpu.memory_space<vmem>> -> memref<64x128xf32, #tpu.memory_space<vmem>>
    %dma_start3A_117 = arith.constant 0 : i32
    %dma_start3A_118 = tpu.memref_slice %arg8[%add3A_111, %dma_start3A_117] : memref<10240x128xf32, #tpu.memory_space<vmem_shared>> -> memref<64x128xf32, #tpu.memory_space<vmem_shared>>
    %dma_start3A_119 = arith.constant 0 : i32
    %dma_start3A_120 = tpu.memref_slice %arg8[%add3A_111, %dma_start3A_119] : memref<10240x128xf32, #tpu.memory_space<vmem_shared>> -> memref<64x128xf32, #tpu.memory_space<vmem_shared>>
    %dma_start3A_121 = arith.constant 0 : i32
    %dma_start3A_122 = arith.constant 0 : i32
    %dma_start3A_123 = tpu.memref_slice %arg7[%dma_start3A_112, %dma_start3A_121, %dma_start3A_122] : memref<2x64x128xf32, #tpu.memory_space<vmem>> -> memref<1x64x128xf32, #tpu.memory_space<vmem>>
    %dma_start3A_124 = tpu.memref_squeeze %dma_start3A_123 : memref<1x64x128xf32, #tpu.memory_space<vmem>> -> memref<64x128xf32, #tpu.memory_space<vmem>>
    tpu.enqueue_dma source(%dma_start3A_124 : memref<64x128xf32, #tpu.memory_space<vmem>>) target(%dma_start3A_120 : memref<64x128xf32, #tpu.memory_space<vmem_shared>>) target_semaphore(%arg13 : memref<!tpu.dma_semaphore, #tpu.memory_space<semaphore_mem>>)
    %mul3A_125 = arith.constant 640 : i32
    %mul3A_126 = arith.muli %arg1, %mul3A_125 : i32
    %add3A_127 = arith.constant 448 : i32
    %add3A_128 = arith.addi %mul3A_126, %add3A_127 : i32
    %dma_start3A_129 = arith.constant 0 : i32
    %dma_start3A_130 = arith.constant 0 : i32
    %dma_start3A_131 = arith.constant 0 : i32
    %dma_start3A_132 = tpu.memref_slice %arg7[%dma_start3A_129, %dma_start3A_130, %dma_start3A_131] : memref<2x64x128xf32, #tpu.memory_space<vmem>> -> memref<1x64x128xf32, #tpu.memory_space<vmem>>
    %dma_start3A_133 = tpu.memref_squeeze %dma_start3A_132 : memref<1x64x128xf32, #tpu.memory_space<vmem>> -> memref<64x128xf32, #tpu.memory_space<vmem>>
    %dma_start3A_134 = arith.constant 0 : i32
    %dma_start3A_135 = tpu.memref_slice %arg8[%add3A_128, %dma_start3A_134] : memref<10240x128xf32, #tpu.memory_space<vmem_shared>> -> memref<64x128xf32, #tpu.memory_space<vmem_shared>>
    %dma_start3A_136 = arith.constant 0 : i32
    %dma_start3A_137 = tpu.memref_slice %arg8[%add3A_128, %dma_start3A_136] : memref<10240x128xf32, #tpu.memory_space<vmem_shared>> -> memref<64x128xf32, #tpu.memory_space<vmem_shared>>
    %dma_start3A_138 = arith.constant 0 : i32
    %dma_start3A_139 = arith.constant 0 : i32
    %dma_start3A_140 = tpu.memref_slice %arg7[%dma_start3A_129, %dma_start3A_138, %dma_start3A_139] : memref<2x64x128xf32, #tpu.memory_space<vmem>> -> memref<1x64x128xf32, #tpu.memory_space<vmem>>
    %dma_start3A_141 = tpu.memref_squeeze %dma_start3A_140 : memref<1x64x128xf32, #tpu.memory_space<vmem>> -> memref<64x128xf32, #tpu.memory_space<vmem>>
    tpu.enqueue_dma source(%dma_start3A_141 : memref<64x128xf32, #tpu.memory_space<vmem>>) target(%dma_start3A_137 : memref<64x128xf32, #tpu.memory_space<vmem_shared>>) target_semaphore(%arg13 : memref<!tpu.dma_semaphore, #tpu.memory_space<semaphore_mem>>)
    %mul3A_142 = arith.constant 640 : i32
    %mul3A_143 = arith.muli %arg1, %mul3A_142 : i32
    %add3A_144 = arith.constant 512 : i32
    %add3A_145 = arith.addi %mul3A_143, %add3A_144 : i32
    %dma_start3A_146 = arith.constant 0 : i32
    %dma_start3A_147 = arith.constant 0 : i32
    %dma_start3A_148 = arith.constant 0 : i32
    %dma_start3A_149 = tpu.memref_slice %arg7[%dma_start3A_146, %dma_start3A_147, %dma_start3A_148] : memref<2x64x128xf32, #tpu.memory_space<vmem>> -> memref<1x64x128xf32, #tpu.memory_space<vmem>>
    %dma_start3A_150 = tpu.memref_squeeze %dma_start3A_149 : memref<1x64x128xf32, #tpu.memory_space<vmem>> -> memref<64x128xf32, #tpu.memory_space<vmem>>
    %dma_start3A_151 = arith.constant 0 : i32
    %dma_start3A_152 = tpu.memref_slice %arg8[%add3A_145, %dma_start3A_151] : memref<10240x128xf32, #tpu.memory_space<vmem_shared>> -> memref<64x128xf32, #tpu.memory_space<vmem_shared>>
    %dma_start3A_153 = arith.constant 0 : i32
    %dma_start3A_154 = tpu.memref_slice %arg8[%add3A_145, %dma_start3A_153] : memref<10240x128xf32, #tpu.memory_space<vmem_shared>> -> memref<64x128xf32, #tpu.memory_space<vmem_shared>>
    %dma_start3A_155 = arith.constant 0 : i32
    %dma_start3A_156 = arith.constant 0 : i32
    %dma_start3A_157 = tpu.memref_slice %arg7[%dma_start3A_146, %dma_start3A_155, %dma_start3A_156] : memref<2x64x128xf32, #tpu.memory_space<vmem>> -> memref<1x64x128xf32, #tpu.memory_space<vmem>>
    %dma_start3A_158 = tpu.memref_squeeze %dma_start3A_157 : memref<1x64x128xf32, #tpu.memory_space<vmem>> -> memref<64x128xf32, #tpu.memory_space<vmem>>
    tpu.enqueue_dma source(%dma_start3A_158 : memref<64x128xf32, #tpu.memory_space<vmem>>) target(%dma_start3A_154 : memref<64x128xf32, #tpu.memory_space<vmem_shared>>) target_semaphore(%arg13 : memref<!tpu.dma_semaphore, #tpu.memory_space<semaphore_mem>>)
    %mul3A_159 = arith.constant 640 : i32
    %mul3A_160 = arith.muli %arg1, %mul3A_159 : i32
    %add3A_161 = arith.constant 576 : i32
    %add3A_162 = arith.addi %mul3A_160, %add3A_161 : i32
    %dma_start3A_163 = arith.constant 0 : i32
    %dma_start3A_164 = arith.constant 0 : i32
    %dma_start3A_165 = arith.constant 0 : i32
    %dma_start3A_166 = tpu.memref_slice %arg7[%dma_start3A_163, %dma_start3A_164, %dma_start3A_165] : memref<2x64x128xf32, #tpu.memory_space<vmem>> -> memref<1x64x128xf32, #tpu.memory_space<vmem>>
    %dma_start3A_167 = tpu.memref_squeeze %dma_start3A_166 : memref<1x64x128xf32, #tpu.memory_space<vmem>> -> memref<64x128xf32, #tpu.memory_space<vmem>>
    %dma_start3A_168 = arith.constant 0 : i32
    %dma_start3A_169 = tpu.memref_slice %arg8[%add3A_162, %dma_start3A_168] : memref<10240x128xf32, #tpu.memory_space<vmem_shared>> -> memref<64x128xf32, #tpu.memory_space<vmem_shared>>
    %dma_start3A_170 = arith.constant 0 : i32
    %dma_start3A_171 = tpu.memref_slice %arg8[%add3A_162, %dma_start3A_170] : memref<10240x128xf32, #tpu.memory_space<vmem_shared>> -> memref<64x128xf32, #tpu.memory_space<vmem_shared>>
    %dma_start3A_172 = arith.constant 0 : i32
    %dma_start3A_173 = arith.constant 0 : i32
    %dma_start3A_174 = tpu.memref_slice %arg7[%dma_start3A_163, %dma_start3A_172, %dma_start3A_173] : memref<2x64x128xf32, #tpu.memory_space<vmem>> -> memref<1x64x128xf32, #tpu.memory_space<vmem>>
    %dma_start3A_175 = tpu.memref_squeeze %dma_start3A_174 : memref<1x64x128xf32, #tpu.memory_space<vmem>> -> memref<64x128xf32, #tpu.memory_space<vmem>>
    tpu.enqueue_dma source(%dma_start3A_175 : memref<64x128xf32, #tpu.memory_space<vmem>>) target(%dma_start3A_171 : memref<64x128xf32, #tpu.memory_space<vmem_shared>>) target_semaphore(%arg13 : memref<!tpu.dma_semaphore, #tpu.memory_space<semaphore_mem>>)
    %dma_wait3A = arith.constant 0 : i32
    %dma_wait3A_176 = arith.constant 0 : i32
    %dma_wait3A_177 = arith.constant 0 : i32
    %dma_wait3A_178 = tpu.memref_slice %arg7[%dma_wait3A, %dma_wait3A_176, %dma_wait3A_177] : memref<2x64x128xf32, #tpu.memory_space<vmem>> -> memref<1x64x128xf32, #tpu.memory_space<vmem>>
    %dma_wait3A_179 = tpu.memref_squeeze %dma_wait3A_178 : memref<1x64x128xf32, #tpu.memory_space<vmem>> -> memref<64x128xf32, #tpu.memory_space<vmem>>
    %dma_wait3A_180 = arith.constant 0 : i32
    %dma_wait3A_181 = arith.constant 0 : i32
    %dma_wait3A_182 = tpu.memref_slice %arg8[%dma_wait3A_180, %dma_wait3A_181] : memref<10240x128xf32, #tpu.memory_space<vmem_shared>> -> memref<64x128xf32, #tpu.memory_space<vmem_shared>>
    %dma_wait3A_183 = arith.constant 0 : i32
    %dma_wait3A_184 = arith.constant 0 : i32
    %dma_wait3A_185 = tpu.memref_slice %arg7[%dma_wait3A, %dma_wait3A_183, %dma_wait3A_184] : memref<2x64x128xf32, #tpu.memory_space<vmem>> -> memref<1x64x128xf32, #tpu.memory_space<vmem>>
    %dma_wait3A_186 = tpu.memref_squeeze %dma_wait3A_185 : memref<1x64x128xf32, #tpu.memory_space<vmem>> -> memref<64x128xf32, #tpu.memory_space<vmem>>
    %dma_wait3A_187 = arith.constant 0 : i32
    %dma_wait3A_188 = arith.constant 0 : i32
    %dma_wait3A_189 = tpu.memref_slice %arg8[%dma_wait3A_187, %dma_wait3A_188] : memref<10240x128xf32, #tpu.memory_space<vmem_shared>> -> memref<64x128xf32, #tpu.memory_space<vmem_shared>>
    tpu.wait_dma2 semaphore(%arg13 : memref<!tpu.dma_semaphore, #tpu.memory_space<semaphore_mem>>) src(%dma_wait3A_189 : memref<64x128xf32, #tpu.memory_space<vmem_shared>>) dst(%dma_wait3A_186 : memref<64x128xf32, #tpu.memory_space<vmem>>)
    %dma_wait3A_190 = arith.constant 0 : i32
    %dma_wait3A_191 = arith.constant 0 : i32
    %dma_wait3A_192 = arith.constant 0 : i32
    %dma_wait3A_193 = tpu.memref_slice %arg7[%dma_wait3A_190, %dma_wait3A_191, %dma_wait3A_192] : memref<2x64x128xf32, #tpu.memory_space<vmem>> -> memref<1x64x128xf32, #tpu.memory_space<vmem>>
    %dma_wait3A_194 = tpu.memref_squeeze %dma_wait3A_193 : memref<1x64x128xf32, #tpu.memory_space<vmem>> -> memref<64x128xf32, #tpu.memory_space<vmem>>
    %dma_wait3A_195 = arith.constant 0 : i32
    %dma_wait3A_196 = arith.constant 0 : i32
    %dma_wait3A_197 = tpu.memref_slice %arg8[%dma_wait3A_195, %dma_wait3A_196] : memref<10240x128xf32, #tpu.memory_space<vmem_shared>> -> memref<64x128xf32, #tpu.memory_space<vmem_shared>>
    %dma_wait3A_198 = arith.constant 0 : i32
    %dma_wait3A_199 = arith.constant 0 : i32
    %dma_wait3A_200 = tpu.memref_slice %arg7[%dma_wait3A_190, %dma_wait3A_198, %dma_wait3A_199] : memref<2x64x128xf32, #tpu.memory_space<vmem>> -> memref<1x64x128xf32, #tpu.memory_space<vmem>>
    %dma_wait3A_201 = tpu.memref_squeeze %dma_wait3A_200 : memref<1x64x128xf32, #tpu.memory_space<vmem>> -> memref<64x128xf32, #tpu.memory_space<vmem>>
    %dma_wait3A_202 = arith.constant 0 : i32
    %dma_wait3A_203 = arith.constant 0 : i32
    %dma_wait3A_204 = tpu.memref_slice %arg8[%dma_wait3A_202, %dma_wait3A_203] : memref<10240x128xf32, #tpu.memory_space<vmem_shared>> -> memref<64x128xf32, #tpu.memory_space<vmem_shared>>
    tpu.wait_dma2 semaphore(%arg13 : memref<!tpu.dma_semaphore, #tpu.memory_space<semaphore_mem>>) src(%dma_wait3A_204 : memref<64x128xf32, #tpu.memory_space<vmem_shared>>) dst(%dma_wait3A_201 : memref<64x128xf32, #tpu.memory_space<vmem>>)
    %dma_wait3A_205 = arith.constant 0 : i32
    %dma_wait3A_206 = arith.constant 0 : i32
    %dma_wait3A_207 = arith.constant 0 : i32
    %dma_wait3A_208 = tpu.memref_slice %arg7[%dma_wait3A_205, %dma_wait3A_206, %dma_wait3A_207] : memref<2x64x128xf32, #tpu.memory_space<vmem>> -> memref<1x64x128xf32, #tpu.memory_space<vmem>>
    %dma_wait3A_209 = tpu.memref_squeeze %dma_wait3A_208 : memref<1x64x128xf32, #tpu.memory_space<vmem>> -> memref<64x128xf32, #tpu.memory_space<vmem>>
    %dma_wait3A_210 = arith.constant 0 : i32
    %dma_wait3A_211 = arith.constant 0 : i32
    %dma_wait3A_212 = tpu.memref_slice %arg8[%dma_wait3A_210, %dma_wait3A_211] : memref<10240x128xf32, #tpu.memory_space<vmem_shared>> -> memref<64x128xf32, #tpu.memory_space<vmem_shared>>
    %dma_wait3A_213 = arith.constant 0 : i32
    %dma_wait3A_214 = arith.constant 0 : i32
    %dma_wait3A_215 = tpu.memref_slice %arg7[%dma_wait3A_205, %dma_wait3A_213, %dma_wait3A_214] : memref<2x64x128xf32, #tpu.memory_space<vmem>> -> memref<1x64x128xf32, #tpu.memory_space<vmem>>
    %dma_wait3A_216 = tpu.memref_squeeze %dma_wait3A_215 : memref<1x64x128xf32, #tpu.memory_space<vmem>> -> memref<64x128xf32, #tpu.memory_space<vmem>>
    %dma_wait3A_217 = arith.constant 0 : i32
    %dma_wait3A_218 = arith.constant 0 : i32
    %dma_wait3A_219 = tpu.memref_slice %arg8[%dma_wait3A_217, %dma_wait3A_218] : memref<10240x128xf32, #tpu.memory_space<vmem_shared>> -> memref<64x128xf32, #tpu.memory_space<vmem_shared>>
    tpu.wait_dma2 semaphore(%arg13 : memref<!tpu.dma_semaphore, #tpu.memory_space<semaphore_mem>>) src(%dma_wait3A_219 : memref<64x128xf32, #tpu.memory_space<vmem_shared>>) dst(%dma_wait3A_216 : memref<64x128xf32, #tpu.memory_space<vmem>>)
    %dma_wait3A_220 = arith.constant 0 : i32
    %dma_wait3A_221 = arith.constant 0 : i32
    %dma_wait3A_222 = arith.constant 0 : i32
    %dma_wait3A_223 = tpu.memref_slice %arg7[%dma_wait3A_220, %dma_wait3A_221, %dma_wait3A_222] : memref<2x64x128xf32, #tpu.memory_space<vmem>> -> memref<1x64x128xf32, #tpu.memory_space<vmem>>
    %dma_wait3A_224 = tpu.memref_squeeze %dma_wait3A_223 : memref<1x64x128xf32, #tpu.memory_space<vmem>> -> memref<64x128xf32, #tpu.memory_space<vmem>>
    %dma_wait3A_225 = arith.constant 0 : i32
    %dma_wait3A_226 = arith.constant 0 : i32
    %dma_wait3A_227 = tpu.memref_slice %arg8[%dma_wait3A_225, %dma_wait3A_226] : memref<10240x128xf32, #tpu.memory_space<vmem_shared>> -> memref<64x128xf32, #tpu.memory_space<vmem_shared>>
    %dma_wait3A_228 = arith.constant 0 : i32
    %dma_wait3A_229 = arith.constant 0 : i32
    %dma_wait3A_230 = tpu.memref_slice %arg7[%dma_wait3A_220, %dma_wait3A_228, %dma_wait3A_229] : memref<2x64x128xf32, #tpu.memory_space<vmem>> -> memref<1x64x128xf32, #tpu.memory_space<vmem>>
    %dma_wait3A_231 = tpu.memref_squeeze %dma_wait3A_230 : memref<1x64x128xf32, #tpu.memory_space<vmem>> -> memref<64x128xf32, #tpu.memory_space<vmem>>
    %dma_wait3A_232 = arith.constant 0 : i32
    %dma_wait3A_233 = arith.constant 0 : i32
    %dma_wait3A_234 = tpu.memref_slice %arg8[%dma_wait3A_232, %dma_wait3A_233] : memref<10240x128xf32, #tpu.memory_space<vmem_shared>> -> memref<64x128xf32, #tpu.memory_space<vmem_shared>>
    tpu.wait_dma2 semaphore(%arg13 : memref<!tpu.dma_semaphore, #tpu.memory_space<semaphore_mem>>) src(%dma_wait3A_234 : memref<64x128xf32, #tpu.memory_space<vmem_shared>>) dst(%dma_wait3A_231 : memref<64x128xf32, #tpu.memory_space<vmem>>)
    %dma_wait3A_235 = arith.constant 0 : i32
    %dma_wait3A_236 = arith.constant 0 : i32
    %dma_wait3A_237 = arith.constant 0 : i32
    %dma_wait3A_238 = tpu.memref_slice %arg7[%dma_wait3A_235, %dma_wait3A_236, %dma_wait3A_237] : memref<2x64x128xf32, #tpu.memory_space<vmem>> -> memref<1x64x128xf32, #tpu.memory_space<vmem>>
    %dma_wait3A_239 = tpu.memref_squeeze %dma_wait3A_238 : memref<1x64x128xf32, #tpu.memory_space<vmem>> -> memref<64x128xf32, #tpu.memory_space<vmem>>
    %dma_wait3A_240 = arith.constant 0 : i32
    %dma_wait3A_241 = arith.constant 0 : i32
    %dma_wait3A_242 = tpu.memref_slice %arg8[%dma_wait3A_240, %dma_wait3A_241] : memref<10240x128xf32, #tpu.memory_space<vmem_shared>> -> memref<64x128xf32, #tpu.memory_space<vmem_shared>>
    %dma_wait3A_243 = arith.constant 0 : i32
    %dma_wait3A_244 = arith.constant 0 : i32
    %dma_wait3A_245 = tpu.memref_slice %arg7[%dma_wait3A_235, %dma_wait3A_243, %dma_wait3A_244] : memref<2x64x128xf32, #tpu.memory_space<vmem>> -> memref<1x64x128xf32, #tpu.memory_space<vmem>>
    %dma_wait3A_246 = tpu.memref_squeeze %dma_wait3A_245 : memref<1x64x128xf32, #tpu.memory_space<vmem>> -> memref<64x128xf32, #tpu.memory_space<vmem>>
    %dma_wait3A_247 = arith.constant 0 : i32
    %dma_wait3A_248 = arith.constant 0 : i32
    %dma_wait3A_249 = tpu.memref_slice %arg8[%dma_wait3A_247, %dma_wait3A_248] : memref<10240x128xf32, #tpu.memory_space<vmem_shared>> -> memref<64x128xf32, #tpu.memory_space<vmem_shared>>
    tpu.wait_dma2 semaphore(%arg13 : memref<!tpu.dma_semaphore, #tpu.memory_space<semaphore_mem>>) src(%dma_wait3A_249 : memref<64x128xf32, #tpu.memory_space<vmem_shared>>) dst(%dma_wait3A_246 : memref<64x128xf32, #tpu.memory_space<vmem>>)
    %dma_wait3A_250 = arith.constant 0 : i32
    %dma_wait3A_251 = arith.constant 0 : i32
    %dma_wait3A_252 = arith.constant 0 : i32
    %dma_wait3A_253 = tpu.memref_slice %arg7[%dma_wait3A_250, %dma_wait3A_251, %dma_wait3A_252] : memref<2x64x128xf32, #tpu.memory_space<vmem>> -> memref<1x64x128xf32, #tpu.memory_space<vmem>>
    %dma_wait3A_254 = tpu.memref_squeeze %dma_wait3A_253 : memref<1x64x128xf32, #tpu.memory_space<vmem>> -> memref<64x128xf32, #tpu.memory_space<vmem>>
    %dma_wait3A_255 = arith.constant 0 : i32
    %dma_wait3A_256 = arith.constant 0 : i32
    %dma_wait3A_257 = tpu.memref_slice %arg8[%dma_wait3A_255, %dma_wait3A_256] : memref<10240x128xf32, #tpu.memory_space<vmem_shared>> -> memref<64x128xf32, #tpu.memory_space<vmem_shared>>
    %dma_wait3A_258 = arith.constant 0 : i32
    %dma_wait3A_259 = arith.constant 0 : i32
    %dma_wait3A_260 = tpu.memref_slice %arg7[%dma_wait3A_250, %dma_wait3A_258, %dma_wait3A_259] : memref<2x64x128xf32, #tpu.memory_space<vmem>> -> memref<1x64x128xf32, #tpu.memory_space<vmem>>
    %dma_wait3A_261 = tpu.memref_squeeze %dma_wait3A_260 : memref<1x64x128xf32, #tpu.memory_space<vmem>> -> memref<64x128xf32, #tpu.memory_space<vmem>>
    %dma_wait3A_262 = arith.constant 0 : i32
    %dma_wait3A_263 = arith.constant 0 : i32
    %dma_wait3A_264 = tpu.memref_slice %arg8[%dma_wait3A_262, %dma_wait3A_263] : memref<10240x128xf32, #tpu.memory_space<vmem_shared>> -> memref<64x128xf32, #tpu.memory_space<vmem_shared>>
    tpu.wait_dma2 semaphore(%arg13 : memref<!tpu.dma_semaphore, #tpu.memory_space<semaphore_mem>>) src(%dma_wait3A_264 : memref<64x128xf32, #tpu.memory_space<vmem_shared>>) dst(%dma_wait3A_261 : memref<64x128xf32, #tpu.memory_space<vmem>>)
    %dma_wait3A_265 = arith.constant 0 : i32
    %dma_wait3A_266 = arith.constant 0 : i32
    %dma_wait3A_267 = arith.constant 0 : i32
    %dma_wait3A_268 = tpu.memref_slice %arg7[%dma_wait3A_265, %dma_wait3A_266, %dma_wait3A_267] : memref<2x64x128xf32, #tpu.memory_space<vmem>> -> memref<1x64x128xf32, #tpu.memory_space<vmem>>
    %dma_wait3A_269 = tpu.memref_squeeze %dma_wait3A_268 : memref<1x64x128xf32, #tpu.memory_space<vmem>> -> memref<64x128xf32, #tpu.memory_space<vmem>>
    %dma_wait3A_270 = arith.constant 0 : i32
    %dma_wait3A_271 = arith.constant 0 : i32
    %dma_wait3A_272 = tpu.memref_slice %arg8[%dma_wait3A_270, %dma_wait3A_271] : memref<10240x128xf32, #tpu.memory_space<vmem_shared>> -> memref<64x128xf32, #tpu.memory_space<vmem_shared>>
    %dma_wait3A_273 = arith.constant 0 : i32
    %dma_wait3A_274 = arith.constant 0 : i32
    %dma_wait3A_275 = tpu.memref_slice %arg7[%dma_wait3A_265, %dma_wait3A_273, %dma_wait3A_274] : memref<2x64x128xf32, #tpu.memory_space<vmem>> -> memref<1x64x128xf32, #tpu.memory_space<vmem>>
    %dma_wait3A_276 = tpu.memref_squeeze %dma_wait3A_275 : memref<1x64x128xf32, #tpu.memory_space<vmem>> -> memref<64x128xf32, #tpu.memory_space<vmem>>
    %dma_wait3A_277 = arith.constant 0 : i32
    %dma_wait3A_278 = arith.constant 0 : i32
    %dma_wait3A_279 = tpu.memref_slice %arg8[%dma_wait3A_277, %dma_wait3A_278] : memref<10240x128xf32, #tpu.memory_space<vmem_shared>> -> memref<64x128xf32, #tpu.memory_space<vmem_shared>>
    tpu.wait_dma2 semaphore(%arg13 : memref<!tpu.dma_semaphore, #tpu.memory_space<semaphore_mem>>) src(%dma_wait3A_279 : memref<64x128xf32, #tpu.memory_space<vmem_shared>>) dst(%dma_wait3A_276 : memref<64x128xf32, #tpu.memory_space<vmem>>)
    %dma_wait3A_280 = arith.constant 0 : i32
    %dma_wait3A_281 = arith.constant 0 : i32
    %dma_wait3A_282 = arith.constant 0 : i32
    %dma_wait3A_283 = tpu.memref_slice %arg7[%dma_wait3A_280, %dma_wait3A_281, %dma_wait3A_282] : memref<2x64x128xf32, #tpu.memory_space<vmem>> -> memref<1x64x128xf32, #tpu.memory_space<vmem>>
    %dma_wait3A_284 = tpu.memref_squeeze %dma_wait3A_283 : memref<1x64x128xf32, #tpu.memory_space<vmem>> -> memref<64x128xf32, #tpu.memory_space<vmem>>
    %dma_wait3A_285 = arith.constant 0 : i32
    %dma_wait3A_286 = arith.constant 0 : i32
    %dma_wait3A_287 = tpu.memref_slice %arg8[%dma_wait3A_285, %dma_wait3A_286] : memref<10240x128xf32, #tpu.memory_space<vmem_shared>> -> memref<64x128xf32, #tpu.memory_space<vmem_shared>>
    %dma_wait3A_288 = arith.constant 0 : i32
    %dma_wait3A_289 = arith.constant 0 : i32
    %dma_wait3A_290 = tpu.memref_slice %arg7[%dma_wait3A_280, %dma_wait3A_288, %dma_wait3A_289] : memref<2x64x128xf32, #tpu.memory_space<vmem>> -> memref<1x64x128xf32, #tpu.memory_space<vmem>>
    %dma_wait3A_291 = tpu.memref_squeeze %dma_wait3A_290 : memref<1x64x128xf32, #tpu.memory_space<vmem>> -> memref<64x128xf32, #tpu.memory_space<vmem>>
    %dma_wait3A_292 = arith.constant 0 : i32
    %dma_wait3A_293 = arith.constant 0 : i32
    %dma_wait3A_294 = tpu.memref_slice %arg8[%dma_wait3A_292, %dma_wait3A_293] : memref<10240x128xf32, #tpu.memory_space<vmem_shared>> -> memref<64x128xf32, #tpu.memory_space<vmem_shared>>
    tpu.wait_dma2 semaphore(%arg13 : memref<!tpu.dma_semaphore, #tpu.memory_space<semaphore_mem>>) src(%dma_wait3A_294 : memref<64x128xf32, #tpu.memory_space<vmem_shared>>) dst(%dma_wait3A_291 : memref<64x128xf32, #tpu.memory_space<vmem>>)
    %dma_wait3A_295 = arith.constant 0 : i32
    %dma_wait3A_296 = arith.constant 0 : i32
    %dma_wait3A_297 = arith.constant 0 : i32
    %dma_wait3A_298 = tpu.memref_slice %arg7[%dma_wait3A_295, %dma_wait3A_296, %dma_wait3A_297] : memref<2x64x128xf32, #tpu.memory_space<vmem>> -> memref<1x64x128xf32, #tpu.memory_space<vmem>>
    %dma_wait3A_299 = tpu.memref_squeeze %dma_wait3A_298 : memref<1x64x128xf32, #tpu.memory_space<vmem>> -> memref<64x128xf32, #tpu.memory_space<vmem>>
    %dma_wait3A_300 = arith.constant 0 : i32
    %dma_wait3A_301 = arith.constant 0 : i32
    %dma_wait3A_302 = tpu.memref_slice %arg8[%dma_wait3A_300, %dma_wait3A_301] : memref<10240x128xf32, #tpu.memory_space<vmem_shared>> -> memref<64x128xf32, #tpu.memory_space<vmem_shared>>
    %dma_wait3A_303 = arith.constant 0 : i32
    %dma_wait3A_304 = arith.constant 0 : i32
    %dma_wait3A_305 = tpu.memref_slice %arg7[%dma_wait3A_295, %dma_wait3A_303, %dma_wait3A_304] : memref<2x64x128xf32, #tpu.memory_space<vmem>> -> memref<1x64x128xf32, #tpu.memory_space<vmem>>
    %dma_wait3A_306 = tpu.memref_squeeze %dma_wait3A_305 : memref<1x64x128xf32, #tpu.memory_space<vmem>> -> memref<64x128xf32, #tpu.memory_space<vmem>>
    %dma_wait3A_307 = arith.constant 0 : i32
    %dma_wait3A_308 = arith.constant 0 : i32
    %dma_wait3A_309 = tpu.memref_slice %arg8[%dma_wait3A_307, %dma_wait3A_308] : memref<10240x128xf32, #tpu.memory_space<vmem_shared>> -> memref<64x128xf32, #tpu.memory_space<vmem_shared>>
    tpu.wait_dma2 semaphore(%arg13 : memref<!tpu.dma_semaphore, #tpu.memory_space<semaphore_mem>>) src(%dma_wait3A_309 : memref<64x128xf32, #tpu.memory_space<vmem_shared>>) dst(%dma_wait3A_306 : memref<64x128xf32, #tpu.memory_space<vmem>>)
    %dma_wait3A_310 = arith.constant 0 : i32
    %dma_wait3A_311 = arith.constant 0 : i32
    %dma_wait3A_312 = arith.constant 0 : i32
    %dma_wait3A_313 = tpu.memref_slice %arg7[%dma_wait3A_310, %dma_wait3A_311, %dma_wait3A_312] : memref<2x64x128xf32, #tpu.memory_space<vmem>> -> memref<1x64x128xf32, #tpu.memory_space<vmem>>
    %dma_wait3A_314 = tpu.memref_squeeze %dma_wait3A_313 : memref<1x64x128xf32, #tpu.memory_space<vmem>> -> memref<64x128xf32, #tpu.memory_space<vmem>>
    %dma_wait3A_315 = arith.constant 0 : i32
    %dma_wait3A_316 = arith.constant 0 : i32
    %dma_wait3A_317 = tpu.memref_slice %arg8[%dma_wait3A_315, %dma_wait3A_316] : memref<10240x128xf32, #tpu.memory_space<vmem_shared>> -> memref<64x128xf32, #tpu.memory_space<vmem_shared>>
    %dma_wait3A_318 = arith.constant 0 : i32
    %dma_wait3A_319 = arith.constant 0 : i32
    %dma_wait3A_320 = tpu.memref_slice %arg7[%dma_wait3A_310, %dma_wait3A_318, %dma_wait3A_319] : memref<2x64x128xf32, #tpu.memory_space<vmem>> -> memref<1x64x128xf32, #tpu.memory_space<vmem>>
    %dma_wait3A_321 = tpu.memref_squeeze %dma_wait3A_320 : memref<1x64x128xf32, #tpu.memory_space<vmem>> -> memref<64x128xf32, #tpu.memory_space<vmem>>
    %dma_wait3A_322 = arith.constant 0 : i32
    %dma_wait3A_323 = arith.constant 0 : i32
    %dma_wait3A_324 = tpu.memref_slice %arg8[%dma_wait3A_322, %dma_wait3A_323] : memref<10240x128xf32, #tpu.memory_space<vmem_shared>> -> memref<64x128xf32, #tpu.memory_space<vmem_shared>>
    tpu.wait_dma2 semaphore(%arg13 : memref<!tpu.dma_semaphore, #tpu.memory_space<semaphore_mem>>) src(%dma_wait3A_324 : memref<64x128xf32, #tpu.memory_space<vmem_shared>>) dst(%dma_wait3A_321 : memref<64x128xf32, #tpu.memory_space<vmem>>)
    %barrier3A = arith.constant 0 : index
    tpu.barrier barrier_id(%barrier3A)
    %mul3A_325 = arith.constant 10000 : i32
    %mul3A_326 = arith.muli %add3A, %mul3A_325 : i32
    %add3A_327 = arith.constant 0 : i32
    %add3A_328 = arith.addi %mul3A_326, %add3A_327 : i32
    %dma_start3A_329 = arith.constant 0 : i32
    %dma_start3A_330 = arith.constant 0 : i32
    %dma_start3A_331 = tpu.memref_slice %arg5[%dma_start3A_329, %dma_start3A_330] : memref<2x80xi32, #tpu.memory_space<vmem>> -> memref<1x80xi32, #tpu.memory_space<vmem>>
    %dma_start3A_332 = tpu.memref_squeeze %dma_start3A_331 : memref<1x80xi32, #tpu.memory_space<vmem>> -> memref<80xi32, #tpu.memory_space<vmem>>
    %dma_start3A_333 = tpu.memref_slice %arg3[%add3A_328] : memref<320000xi32, #tpu.memory_space<hbm>> -> memref<80xi32, #tpu.memory_space<hbm>>
    %dma_start3A_334 = arith.constant 0 : i32
    %dma_start3A_335 = tpu.memref_slice %arg5[%dma_start3A_329, %dma_start3A_334] : memref<2x80xi32, #tpu.memory_space<vmem>> -> memref<1x80xi32, #tpu.memory_space<vmem>>
    %dma_start3A_336 = tpu.memref_squeeze %dma_start3A_335 : memref<1x80xi32, #tpu.memory_space<vmem>> -> memref<80xi32, #tpu.memory_space<vmem>>
    %dma_start3A_337 = tpu.memref_slice %arg3[%add3A_328] : memref<320000xi32, #tpu.memory_space<hbm>> -> memref<80xi32, #tpu.memory_space<hbm>>
    tpu.enqueue_dma source(%dma_start3A_337 : memref<80xi32, #tpu.memory_space<hbm>>) target(%dma_start3A_336 : memref<80xi32, #tpu.memory_space<vmem>>) target_semaphore(%arg9 : memref<!tpu.dma_semaphore, #tpu.memory_space<semaphore_mem>>)
    %dma_start3A_338 = arith.constant 0 : i32
    %dma_start3A_339 = arith.constant 0 : i32
    %dma_start3A_340 = arith.constant 0 : i32
    %dma_start3A_341 = tpu.memref_slice %arg6[%dma_start3A_338, %dma_start3A_339, %dma_start3A_340] : memref<2x80x128xf32, #tpu.memory_space<vmem>> -> memref<1x80x128xf32, #tpu.memory_space<vmem>>
    %dma_start3A_342 = tpu.memref_squeeze %dma_start3A_341 : memref<1x80x128xf32, #tpu.memory_space<vmem>> -> memref<80x128xf32, #tpu.memory_space<vmem>>
    %dma_start3A_343 = arith.constant 0 : i32
    %dma_start3A_344 = tpu.memref_slice %arg2[%add3A_328, %dma_start3A_343] : memref<320000x128xf32, #tpu.memory_space<hbm>> -> memref<80x128xf32, #tpu.memory_space<hbm>>
    %dma_start3A_345 = arith.constant 0 : i32
    %dma_start3A_346 = arith.constant 0 : i32
    %dma_start3A_347 = tpu.memref_slice %arg6[%dma_start3A_338, %dma_start3A_345, %dma_start3A_346] : memref<2x80x128xf32, #tpu.memory_space<vmem>> -> memref<1x80x128xf32, #tpu.memory_space<vmem>>
    %dma_start3A_348 = tpu.memref_squeeze %dma_start3A_347 : memref<1x80x128xf32, #tpu.memory_space<vmem>> -> memref<80x128xf32, #tpu.memory_space<vmem>>
    %dma_start3A_349 = arith.constant 0 : i32
    %dma_start3A_350 = tpu.memref_slice %arg2[%add3A_328, %dma_start3A_349] : memref<320000x128xf32, #tpu.memory_space<hbm>> -> memref<80x128xf32, #tpu.memory_space<hbm>>
    tpu.enqueue_dma source(%dma_start3A_350 : memref<80x128xf32, #tpu.memory_space<hbm>>) target(%dma_start3A_348 : memref<80x128xf32, #tpu.memory_space<vmem>>) target_semaphore(%arg9 : memref<!tpu.dma_semaphore, #tpu.memory_space<semaphore_mem>>)
    %scan3A_351 = arith.constant 0 : i32
    %scan3A_352 = arith.constant 0 : i32
    %scan3A_353 = arith.constant 125 : i32
    %scan3A_354 = arith.addi %scan3A_352, %scan3A_353 : i32
    %scan3A_355 = arith.constant 1 : i32
    scf.for %scan3A_413 = %scan3A_352 to %scan3A_354 step %scan3A_355  : i32 {
      %rem3A = arith.constant 2 : i32
      %rem3A_414 = arith.remsi %scan3A_413, %rem3A : i32
      %eq3A = arith.constant 0 : i32
      %eq3A_415 = arith.cmpi eq, %rem3A_414, %eq3A : i32
      %convert_element_type3A = arith.extui %eq3A_415 : i1 to i32
      %cond3A = arith.constant 0 : i32
      %cond3A_416 = arith.cmpi ne, %convert_element_type3A, %cond3A : i32
      scf.if %cond3A_416 {
        %dma_wait3A_422 = arith.constant 0 : i32
        %dma_wait3A_423 = arith.constant 0 : i32
        %dma_wait3A_424 = tpu.memref_slice %arg5[%dma_wait3A_422, %dma_wait3A_423] : memref<2x80xi32, #tpu.memory_space<vmem>> -> memref<1x80xi32, #tpu.memory_space<vmem>>
        %dma_wait3A_425 = tpu.memref_squeeze %dma_wait3A_424 : memref<1x80xi32, #tpu.memory_space<vmem>> -> memref<80xi32, #tpu.memory_space<vmem>>
        %dma_wait3A_426 = arith.constant 0 : i32
        %dma_wait3A_427 = tpu.memref_slice %arg3[%dma_wait3A_426] : memref<320000xi32, #tpu.memory_space<hbm>> -> memref<80xi32, #tpu.memory_space<hbm>>
        %dma_wait3A_428 = arith.constant 0 : i32
        %dma_wait3A_429 = tpu.memref_slice %arg5[%dma_wait3A_422, %dma_wait3A_428] : memref<2x80xi32, #tpu.memory_space<vmem>> -> memref<1x80xi32, #tpu.memory_space<vmem>>
        %dma_wait3A_430 = tpu.memref_squeeze %dma_wait3A_429 : memref<1x80xi32, #tpu.memory_space<vmem>> -> memref<80xi32, #tpu.memory_space<vmem>>
        %dma_wait3A_431 = arith.constant 0 : i32
        %dma_wait3A_432 = tpu.memref_slice %arg3[%dma_wait3A_431] : memref<320000xi32, #tpu.memory_space<hbm>> -> memref<80xi32, #tpu.memory_space<hbm>>
        tpu.wait_dma2 semaphore(%arg9 : memref<!tpu.dma_semaphore, #tpu.memory_space<semaphore_mem>>) src(%dma_wait3A_432 : memref<80xi32, #tpu.memory_space<hbm>>) dst(%dma_wait3A_430 : memref<80xi32, #tpu.memory_space<vmem>>)
        %dma_wait3A_433 = arith.constant 0 : i32
        %dma_wait3A_434 = arith.constant 0 : i32
        %dma_wait3A_435 = arith.constant 0 : i32
        %dma_wait3A_436 = tpu.memref_slice %arg6[%dma_wait3A_433, %dma_wait3A_434, %dma_wait3A_435] : memref<2x80x128xf32, #tpu.memory_space<vmem>> -> memref<1x80x128xf32, #tpu.memory_space<vmem>>
        %dma_wait3A_437 = tpu.memref_squeeze %dma_wait3A_436 : memref<1x80x128xf32, #tpu.memory_space<vmem>> -> memref<80x128xf32, #tpu.memory_space<vmem>>
        %dma_wait3A_438 = arith.constant 0 : i32
        %dma_wait3A_439 = arith.constant 0 : i32
        %dma_wait3A_440 = tpu.memref_slice %arg2[%dma_wait3A_438, %dma_wait3A_439] : memref<320000x128xf32, #tpu.memory_space<hbm>> -> memref<80x128xf32, #tpu.memory_space<hbm>>
        %dma_wait3A_441 = arith.constant 0 : i32
        %dma_wait3A_442 = arith.constant 0 : i32
        %dma_wait3A_443 = tpu.memref_slice %arg6[%dma_wait3A_433, %dma_wait3A_441, %dma_wait3A_442] : memref<2x80x128xf32, #tpu.memory_space<vmem>> -> memref<1x80x128xf32, #tpu.memory_space<vmem>>
        %dma_wait3A_444 = tpu.memref_squeeze %dma_wait3A_443 : memref<1x80x128xf32, #tpu.memory_space<vmem>> -> memref<80x128xf32, #tpu.memory_space<vmem>>
        %dma_wait3A_445 = arith.constant 0 : i32
        %dma_wait3A_446 = arith.constant 0 : i32
        %dma_wait3A_447 = tpu.memref_slice %arg2[%dma_wait3A_445, %dma_wait3A_446] : memref<320000x128xf32, #tpu.memory_space<hbm>> -> memref<80x128xf32, #tpu.memory_space<hbm>>
        tpu.wait_dma2 semaphore(%arg9 : memref<!tpu.dma_semaphore, #tpu.memory_space<semaphore_mem>>) src(%dma_wait3A_447 : memref<80x128xf32, #tpu.memory_space<hbm>>) dst(%dma_wait3A_444 : memref<80x128xf32, #tpu.memory_space<vmem>>)
        %gt3A = arith.constant 0 : i32
        %gt3A_448 = arith.cmpi sgt, %scan3A_413, %gt3A : i32
        %convert_element_type3A_449 = arith.extui %gt3A_448 : i1 to i32
        %cond3A_450 = arith.constant 0 : i32
        %cond3A_451 = arith.cmpi ne, %convert_element_type3A_449, %cond3A_450 : i32
        scf.if %cond3A_451 {
          %dma_wait3A_470 = arith.constant 1 : i32
          %dma_wait3A_471 = arith.constant 0 : i32
          %dma_wait3A_472 = arith.constant 0 : i32
          %dma_wait3A_473 = tpu.memref_slice %arg6[%dma_wait3A_470, %dma_wait3A_471, %dma_wait3A_472] : memref<2x80x128xf32, #tpu.memory_space<vmem>> -> memref<1x80x128xf32, #tpu.memory_space<vmem>>
          %dma_wait3A_474 = tpu.memref_squeeze %dma_wait3A_473 : memref<1x80x128xf32, #tpu.memory_space<vmem>> -> memref<80x128xf32, #tpu.memory_space<vmem>>
          %dma_wait3A_475 = arith.constant 0 : i32
          %dma_wait3A_476 = arith.constant 0 : i32
          %dma_wait3A_477 = tpu.memref_slice %arg8[%dma_wait3A_475, %dma_wait3A_476] : memref<10240x128xf32, #tpu.memory_space<vmem_shared>> -> memref<80x128xf32, #tpu.memory_space<vmem_shared>>
          %dma_wait3A_478 = arith.constant 0 : i32
          %dma_wait3A_479 = arith.constant 0 : i32
          %dma_wait3A_480 = tpu.memref_slice %arg8[%dma_wait3A_478, %dma_wait3A_479] : memref<10240x128xf32, #tpu.memory_space<vmem_shared>> -> memref<80x128xf32, #tpu.memory_space<vmem_shared>>
          %dma_wait3A_481 = arith.constant 0 : i32
          %dma_wait3A_482 = arith.constant 0 : i32
          %dma_wait3A_483 = tpu.memref_slice %arg6[%dma_wait3A_470, %dma_wait3A_481, %dma_wait3A_482] : memref<2x80x128xf32, #tpu.memory_space<vmem>> -> memref<1x80x128xf32, #tpu.memory_space<vmem>>
          %dma_wait3A_484 = tpu.memref_squeeze %dma_wait3A_483 : memref<1x80x128xf32, #tpu.memory_space<vmem>> -> memref<80x128xf32, #tpu.memory_space<vmem>>
          tpu.wait_dma2 semaphore(%arg12 : memref<!tpu.dma_semaphore, #tpu.memory_space<semaphore_mem>>) src(%dma_wait3A_484 : memref<80x128xf32, #tpu.memory_space<vmem>>) dst(%dma_wait3A_480 : memref<80x128xf32, #tpu.memory_space<vmem_shared>>)
        } else {
        }
        %add3A_452 = arith.constant 1 : i32
        %add3A_453 = arith.addi %scan3A_413, %add3A_452 : i32
        %lt3A = arith.constant 125 : i32
        %lt3A_454 = arith.cmpi slt, %add3A_453, %lt3A : i32
        %convert_element_type3A_455 = arith.extui %lt3A_454 : i1 to i32
        %cond3A_456 = arith.constant 0 : i32
        %cond3A_457 = arith.cmpi ne, %convert_element_type3A_455, %cond3A_456 : i32
        scf.if %cond3A_457 {
          %add3A_470 = arith.constant 1 : i32
          %add3A_471 = arith.addi %scan3A_413, %add3A_470 : i32
          %mul3A_472 = arith.constant 80 : i32
          %mul3A_473 = arith.muli %add3A_471, %mul3A_472 : i32
          %add3A_474 = arith.addi %mul3A_326, %mul3A_473 : i32
          %dma_start3A_475 = arith.constant 1 : i32
          %dma_start3A_476 = arith.constant 0 : i32
          %dma_start3A_477 = tpu.memref_slice %arg5[%dma_start3A_475, %dma_start3A_476] : memref<2x80xi32, #tpu.memory_space<vmem>> -> memref<1x80xi32, #tpu.memory_space<vmem>>
          %dma_start3A_478 = tpu.memref_squeeze %dma_start3A_477 : memref<1x80xi32, #tpu.memory_space<vmem>> -> memref<80xi32, #tpu.memory_space<vmem>>
          %dma_start3A_479 = tpu.memref_slice %arg3[%add3A_474] : memref<320000xi32, #tpu.memory_space<hbm>> -> memref<80xi32, #tpu.memory_space<hbm>>
          %dma_start3A_480 = arith.constant 0 : i32
          %dma_start3A_481 = tpu.memref_slice %arg5[%dma_start3A_475, %dma_start3A_480] : memref<2x80xi32, #tpu.memory_space<vmem>> -> memref<1x80xi32, #tpu.memory_space<vmem>>
          %dma_start3A_482 = tpu.memref_squeeze %dma_start3A_481 : memref<1x80xi32, #tpu.memory_space<vmem>> -> memref<80xi32, #tpu.memory_space<vmem>>
          %dma_start3A_483 = tpu.memref_slice %arg3[%add3A_474] : memref<320000xi32, #tpu.memory_space<hbm>> -> memref<80xi32, #tpu.memory_space<hbm>>
          tpu.enqueue_dma source(%dma_start3A_483 : memref<80xi32, #tpu.memory_space<hbm>>) target(%dma_start3A_482 : memref<80xi32, #tpu.memory_space<vmem>>) target_semaphore(%arg10 : memref<!tpu.dma_semaphore, #tpu.memory_space<semaphore_mem>>)
          %dma_start3A_484 = arith.constant 1 : i32
          %dma_start3A_485 = arith.constant 0 : i32
          %dma_start3A_486 = arith.constant 0 : i32
          %dma_start3A_487 = tpu.memref_slice %arg6[%dma_start3A_484, %dma_start3A_485, %dma_start3A_486] : memref<2x80x128xf32, #tpu.memory_space<vmem>> -> memref<1x80x128xf32, #tpu.memory_space<vmem>>
          %dma_start3A_488 = tpu.memref_squeeze %dma_start3A_487 : memref<1x80x128xf32, #tpu.memory_space<vmem>> -> memref<80x128xf32, #tpu.memory_space<vmem>>
          %dma_start3A_489 = arith.constant 0 : i32
          %dma_start3A_490 = tpu.memref_slice %arg2[%add3A_474, %dma_start3A_489] : memref<320000x128xf32, #tpu.memory_space<hbm>> -> memref<80x128xf32, #tpu.memory_space<hbm>>
          %dma_start3A_491 = arith.constant 0 : i32
          %dma_start3A_492 = arith.constant 0 : i32
          %dma_start3A_493 = tpu.memref_slice %arg6[%dma_start3A_484, %dma_start3A_491, %dma_start3A_492] : memref<2x80x128xf32, #tpu.memory_space<vmem>> -> memref<1x80x128xf32, #tpu.memory_space<vmem>>
          %dma_start3A_494 = tpu.memref_squeeze %dma_start3A_493 : memref<1x80x128xf32, #tpu.memory_space<vmem>> -> memref<80x128xf32, #tpu.memory_space<vmem>>
          %dma_start3A_495 = arith.constant 0 : i32
          %dma_start3A_496 = tpu.memref_slice %arg2[%add3A_474, %dma_start3A_495] : memref<320000x128xf32, #tpu.memory_space<hbm>> -> memref<80x128xf32, #tpu.memory_space<hbm>>
          tpu.enqueue_dma source(%dma_start3A_496 : memref<80x128xf32, #tpu.memory_space<hbm>>) target(%dma_start3A_494 : memref<80x128xf32, #tpu.memory_space<vmem>>) target_semaphore(%arg10 : memref<!tpu.dma_semaphore, #tpu.memory_space<semaphore_mem>>)
        } else {
        }
        %dma_start3A_458 = arith.constant 0 : i32
        %dma_start3A_459 = arith.constant 0 : i32
        %dma_start3A_460 = arith.constant 0 : i32
        %dma_start3A_461 = arith.constant 0 : i32
        %dma_start3A_462 = tpu.memref_slice %arg6[%dma_start3A_458, %dma_start3A_460, %dma_start3A_461] : memref<2x80x128xf32, #tpu.memory_space<vmem>> -> memref<1x80x128xf32, #tpu.memory_space<vmem>>
        %dma_start3A_463 = tpu.memref_squeeze %dma_start3A_462 : memref<1x80x128xf32, #tpu.memory_space<vmem>> -> memref<80x128xf32, #tpu.memory_space<vmem>>
        %dma_start3A_464 = arith.constant 0 : i32
        %dma_start3A_465 = tpu.memref_slice %arg5[%dma_start3A_459, %dma_start3A_464] : memref<2x80xi32, #tpu.memory_space<vmem>> -> memref<1x80xi32, #tpu.memory_space<vmem>>
        %dma_start3A_466 = tpu.memref_squeeze %dma_start3A_465 : memref<1x80xi32, #tpu.memory_space<vmem>> -> memref<80xi32, #tpu.memory_space<vmem>>
        %dma_start3A_467 = arith.constant 0 : i32
        %dma_start3A_468 = arith.constant 0 : i32
        %dma_start3A_469 = tpu.memref_slice %arg8[%dma_start3A_467, %dma_start3A_468] : memref<10240x128xf32, #tpu.memory_space<vmem_shared>> -> memref<10240x128xf32, #tpu.memory_space<vmem_shared>>
        tpu.enqueue_indirect_dma source(%dma_start3A_463 : memref<80x128xf32, #tpu.memory_space<vmem>>) target(%dma_start3A_469 : memref<10240x128xf32, #tpu.memory_space<vmem_shared>>) offsets(%dma_start3A_466 : memref<80xi32, #tpu.memory_space<vmem>>) semaphore(%arg11 : memref<!tpu.dma_semaphore, #tpu.memory_space<semaphore_mem>>) {add = true}
      } else {
      }
      %eq3A_417 = arith.constant 1 : i32
      %eq3A_418 = arith.cmpi eq, %rem3A_414, %eq3A_417 : i32
      %convert_element_type3A_419 = arith.extui %eq3A_418 : i1 to i32
      %cond3A_420 = arith.constant 0 : i32
      %cond3A_421 = arith.cmpi ne, %convert_element_type3A_419, %cond3A_420 : i32
      scf.if %cond3A_421 {
        %dma_wait3A_422 = arith.constant 1 : i32
        %dma_wait3A_423 = arith.constant 0 : i32
        %dma_wait3A_424 = tpu.memref_slice %arg5[%dma_wait3A_422, %dma_wait3A_423] : memref<2x80xi32, #tpu.memory_space<vmem>> -> memref<1x80xi32, #tpu.memory_space<vmem>>
        %dma_wait3A_425 = tpu.memref_squeeze %dma_wait3A_424 : memref<1x80xi32, #tpu.memory_space<vmem>> -> memref<80xi32, #tpu.memory_space<vmem>>
        %dma_wait3A_426 = arith.constant 0 : i32
        %dma_wait3A_427 = tpu.memref_slice %arg3[%dma_wait3A_426] : memref<320000xi32, #tpu.memory_space<hbm>> -> memref<80xi32, #tpu.memory_space<hbm>>
        %dma_wait3A_428 = arith.constant 0 : i32
        %dma_wait3A_429 = tpu.memref_slice %arg5[%dma_wait3A_422, %dma_wait3A_428] : memref<2x80xi32, #tpu.memory_space<vmem>> -> memref<1x80xi32, #tpu.memory_space<vmem>>
        %dma_wait3A_430 = tpu.memref_squeeze %dma_wait3A_429 : memref<1x80xi32, #tpu.memory_space<vmem>> -> memref<80xi32, #tpu.memory_space<vmem>>
        %dma_wait3A_431 = arith.constant 0 : i32
        %dma_wait3A_432 = tpu.memref_slice %arg3[%dma_wait3A_431] : memref<320000xi32, #tpu.memory_space<hbm>> -> memref<80xi32, #tpu.memory_space<hbm>>
        tpu.wait_dma2 semaphore(%arg10 : memref<!tpu.dma_semaphore, #tpu.memory_space<semaphore_mem>>) src(%dma_wait3A_432 : memref<80xi32, #tpu.memory_space<hbm>>) dst(%dma_wait3A_430 : memref<80xi32, #tpu.memory_space<vmem>>)
        %dma_wait3A_433 = arith.constant 1 : i32
        %dma_wait3A_434 = arith.constant 0 : i32
        %dma_wait3A_435 = arith.constant 0 : i32
        %dma_wait3A_436 = tpu.memref_slice %arg6[%dma_wait3A_433, %dma_wait3A_434, %dma_wait3A_435] : memref<2x80x128xf32, #tpu.memory_space<vmem>> -> memref<1x80x128xf32, #tpu.memory_space<vmem>>
        %dma_wait3A_437 = tpu.memref_squeeze %dma_wait3A_436 : memref<1x80x128xf32, #tpu.memory_space<vmem>> -> memref<80x128xf32, #tpu.memory_space<vmem>>
        %dma_wait3A_438 = arith.constant 0 : i32
        %dma_wait3A_439 = arith.constant 0 : i32
        %dma_wait3A_440 = tpu.memref_slice %arg2[%dma_wait3A_438, %dma_wait3A_439] : memref<320000x128xf32, #tpu.memory_space<hbm>> -> memref<80x128xf32, #tpu.memory_space<hbm>>
        %dma_wait3A_441 = arith.constant 0 : i32
        %dma_wait3A_442 = arith.constant 0 : i32
        %dma_wait3A_443 = tpu.memref_slice %arg6[%dma_wait3A_433, %dma_wait3A_441, %dma_wait3A_442] : memref<2x80x128xf32, #tpu.memory_space<vmem>> -> memref<1x80x128xf32, #tpu.memory_space<vmem>>
        %dma_wait3A_444 = tpu.memref_squeeze %dma_wait3A_443 : memref<1x80x128xf32, #tpu.memory_space<vmem>> -> memref<80x128xf32, #tpu.memory_space<vmem>>
        %dma_wait3A_445 = arith.constant 0 : i32
        %dma_wait3A_446 = arith.constant 0 : i32
        %dma_wait3A_447 = tpu.memref_slice %arg2[%dma_wait3A_445, %dma_wait3A_446] : memref<320000x128xf32, #tpu.memory_space<hbm>> -> memref<80x128xf32, #tpu.memory_space<hbm>>
        tpu.wait_dma2 semaphore(%arg10 : memref<!tpu.dma_semaphore, #tpu.memory_space<semaphore_mem>>) src(%dma_wait3A_447 : memref<80x128xf32, #tpu.memory_space<hbm>>) dst(%dma_wait3A_444 : memref<80x128xf32, #tpu.memory_space<vmem>>)
        %dma_wait3A_448 = arith.constant 0 : i32
        %dma_wait3A_449 = arith.constant 0 : i32
        %dma_wait3A_450 = arith.constant 0 : i32
        %dma_wait3A_451 = tpu.memref_slice %arg6[%dma_wait3A_448, %dma_wait3A_449, %dma_wait3A_450] : memref<2x80x128xf32, #tpu.memory_space<vmem>> -> memref<1x80x128xf32, #tpu.memory_space<vmem>>
        %dma_wait3A_452 = tpu.memref_squeeze %dma_wait3A_451 : memref<1x80x128xf32, #tpu.memory_space<vmem>> -> memref<80x128xf32, #tpu.memory_space<vmem>>
        %dma_wait3A_453 = arith.constant 0 : i32
        %dma_wait3A_454 = arith.constant 0 : i32
        %dma_wait3A_455 = tpu.memref_slice %arg8[%dma_wait3A_453, %dma_wait3A_454] : memref<10240x128xf32, #tpu.memory_space<vmem_shared>> -> memref<80x128xf32, #tpu.memory_space<vmem_shared>>
        %dma_wait3A_456 = arith.constant 0 : i32
        %dma_wait3A_457 = arith.constant 0 : i32
        %dma_wait3A_458 = tpu.memref_slice %arg8[%dma_wait3A_456, %dma_wait3A_457] : memref<10240x128xf32, #tpu.memory_space<vmem_shared>> -> memref<80x128xf32, #tpu.memory_space<vmem_shared>>
        %dma_wait3A_459 = arith.constant 0 : i32
        %dma_wait3A_460 = arith.constant 0 : i32
        %dma_wait3A_461 = tpu.memref_slice %arg6[%dma_wait3A_448, %dma_wait3A_459, %dma_wait3A_460] : memref<2x80x128xf32, #tpu.memory_space<vmem>> -> memref<1x80x128xf32, #tpu.memory_space<vmem>>
        %dma_wait3A_462 = tpu.memref_squeeze %dma_wait3A_461 : memref<1x80x128xf32, #tpu.memory_space<vmem>> -> memref<80x128xf32, #tpu.memory_space<vmem>>
        tpu.wait_dma2 semaphore(%arg11 : memref<!tpu.dma_semaphore, #tpu.memory_space<semaphore_mem>>) src(%dma_wait3A_462 : memref<80x128xf32, #tpu.memory_space<vmem>>) dst(%dma_wait3A_458 : memref<80x128xf32, #tpu.memory_space<vmem_shared>>)
        %add3A_463 = arith.constant 1 : i32
        %add3A_464 = arith.addi %scan3A_413, %add3A_463 : i32
        %lt3A = arith.constant 125 : i32
        %lt3A_465 = arith.cmpi slt, %add3A_464, %lt3A : i32
        %convert_element_type3A_466 = arith.extui %lt3A_465 : i1 to i32
        %cond3A_467 = arith.constant 0 : i32
        %cond3A_468 = arith.cmpi ne, %convert_element_type3A_466, %cond3A_467 : i32
        scf.if %cond3A_468 {
          %add3A_481 = arith.constant 1 : i32
          %add3A_482 = arith.addi %scan3A_413, %add3A_481 : i32
          %mul3A_483 = arith.constant 80 : i32
          %mul3A_484 = arith.muli %add3A_482, %mul3A_483 : i32
          %add3A_485 = arith.addi %mul3A_326, %mul3A_484 : i32
          %dma_start3A_486 = arith.constant 0 : i32
          %dma_start3A_487 = arith.constant 0 : i32
          %dma_start3A_488 = tpu.memref_slice %arg5[%dma_start3A_486, %dma_start3A_487] : memref<2x80xi32, #tpu.memory_space<vmem>> -> memref<1x80xi32, #tpu.memory_space<vmem>>
          %dma_start3A_489 = tpu.memref_squeeze %dma_start3A_488 : memref<1x80xi32, #tpu.memory_space<vmem>> -> memref<80xi32, #tpu.memory_space<vmem>>
          %dma_start3A_490 = tpu.memref_slice %arg3[%add3A_485] : memref<320000xi32, #tpu.memory_space<hbm>> -> memref<80xi32, #tpu.memory_space<hbm>>
          %dma_start3A_491 = arith.constant 0 : i32
          %dma_start3A_492 = tpu.memref_slice %arg5[%dma_start3A_486, %dma_start3A_491] : memref<2x80xi32, #tpu.memory_space<vmem>> -> memref<1x80xi32, #tpu.memory_space<vmem>>
          %dma_start3A_493 = tpu.memref_squeeze %dma_start3A_492 : memref<1x80xi32, #tpu.memory_space<vmem>> -> memref<80xi32, #tpu.memory_space<vmem>>
          %dma_start3A_494 = tpu.memref_slice %arg3[%add3A_485] : memref<320000xi32, #tpu.memory_space<hbm>> -> memref<80xi32, #tpu.memory_space<hbm>>
          tpu.enqueue_dma source(%dma_start3A_494 : memref<80xi32, #tpu.memory_space<hbm>>) target(%dma_start3A_493 : memref<80xi32, #tpu.memory_space<vmem>>) target_semaphore(%arg9 : memref<!tpu.dma_semaphore, #tpu.memory_space<semaphore_mem>>)
          %dma_start3A_495 = arith.constant 0 : i32
          %dma_start3A_496 = arith.constant 0 : i32
          %dma_start3A_497 = arith.constant 0 : i32
          %dma_start3A_498 = tpu.memref_slice %arg6[%dma_start3A_495, %dma_start3A_496, %dma_start3A_497] : memref<2x80x128xf32, #tpu.memory_space<vmem>> -> memref<1x80x128xf32, #tpu.memory_space<vmem>>
          %dma_start3A_499 = tpu.memref_squeeze %dma_start3A_498 : memref<1x80x128xf32, #tpu.memory_space<vmem>> -> memref<80x128xf32, #tpu.memory_space<vmem>>
          %dma_start3A_500 = arith.constant 0 : i32
          %dma_start3A_501 = tpu.memref_slice %arg2[%add3A_485, %dma_start3A_500] : memref<320000x128xf32, #tpu.memory_space<hbm>> -> memref<80x128xf32, #tpu.memory_space<hbm>>
          %dma_start3A_502 = arith.constant 0 : i32
          %dma_start3A_503 = arith.constant 0 : i32
          %dma_start3A_504 = tpu.memref_slice %arg6[%dma_start3A_495, %dma_start3A_502, %dma_start3A_503] : memref<2x80x128xf32, #tpu.memory_space<vmem>> -> memref<1x80x128xf32, #tpu.memory_space<vmem>>
          %dma_start3A_505 = tpu.memref_squeeze %dma_start3A_504 : memref<1x80x128xf32, #tpu.memory_space<vmem>> -> memref<80x128xf32, #tpu.memory_space<vmem>>
          %dma_start3A_506 = arith.constant 0 : i32
          %dma_start3A_507 = tpu.memref_slice %arg2[%add3A_485, %dma_start3A_506] : memref<320000x128xf32, #tpu.memory_space<hbm>> -> memref<80x128xf32, #tpu.memory_space<hbm>>
          tpu.enqueue_dma source(%dma_start3A_507 : memref<80x128xf32, #tpu.memory_space<hbm>>) target(%dma_start3A_505 : memref<80x128xf32, #tpu.memory_space<vmem>>) target_semaphore(%arg9 : memref<!tpu.dma_semaphore, #tpu.memory_space<semaphore_mem>>)
        } else {
        }
        %dma_start3A_469 = arith.constant 1 : i32
        %dma_start3A_470 = arith.constant 1 : i32
        %dma_start3A_471 = arith.constant 0 : i32
        %dma_start3A_472 = arith.constant 0 : i32
        %dma_start3A_473 = tpu.memref_slice %arg6[%dma_start3A_469, %dma_start3A_471, %dma_start3A_472] : memref<2x80x128xf32, #tpu.memory_space<vmem>> -> memref<1x80x128xf32, #tpu.memory_space<vmem>>
        %dma_start3A_474 = tpu.memref_squeeze %dma_start3A_473 : memref<1x80x128xf32, #tpu.memory_space<vmem>> -> memref<80x128xf32, #tpu.memory_space<vmem>>
        %dma_start3A_475 = arith.constant 0 : i32
        %dma_start3A_476 = tpu.memref_slice %arg5[%dma_start3A_470, %dma_start3A_475] : memref<2x80xi32, #tpu.memory_space<vmem>> -> memref<1x80xi32, #tpu.memory_space<vmem>>
        %dma_start3A_477 = tpu.memref_squeeze %dma_start3A_476 : memref<1x80xi32, #tpu.memory_space<vmem>> -> memref<80xi32, #tpu.memory_space<vmem>>
        %dma_start3A_478 = arith.constant 0 : i32
        %dma_start3A_479 = arith.constant 0 : i32
        %dma_start3A_480 = tpu.memref_slice %arg8[%dma_start3A_478, %dma_start3A_479] : memref<10240x128xf32, #tpu.memory_space<vmem_shared>> -> memref<10240x128xf32, #tpu.memory_space<vmem_shared>>
        tpu.enqueue_indirect_dma source(%dma_start3A_474 : memref<80x128xf32, #tpu.memory_space<vmem>>) target(%dma_start3A_480 : memref<10240x128xf32, #tpu.memory_space<vmem_shared>>) offsets(%dma_start3A_477 : memref<80xi32, #tpu.memory_space<vmem>>) semaphore(%arg12 : memref<!tpu.dma_semaphore, #tpu.memory_space<semaphore_mem>>) {add = true}
      } else {
      }
    }
    %scan3A_356 = arith.constant 125 : i32
    %dma_wait3A_357 = arith.constant 0 : i32
    %dma_wait3A_358 = arith.constant 0 : i32
    %dma_wait3A_359 = arith.constant 0 : i32
    %dma_wait3A_360 = tpu.memref_slice %arg6[%dma_wait3A_357, %dma_wait3A_358, %dma_wait3A_359] : memref<2x80x128xf32, #tpu.memory_space<vmem>> -> memref<1x80x128xf32, #tpu.memory_space<vmem>>
    %dma_wait3A_361 = tpu.memref_squeeze %dma_wait3A_360 : memref<1x80x128xf32, #tpu.memory_space<vmem>> -> memref<80x128xf32, #tpu.memory_space<vmem>>
    %dma_wait3A_362 = arith.constant 0 : i32
    %dma_wait3A_363 = arith.constant 0 : i32
    %dma_wait3A_364 = tpu.memref_slice %arg8[%dma_wait3A_362, %dma_wait3A_363] : memref<10240x128xf32, #tpu.memory_space<vmem_shared>> -> memref<80x128xf32, #tpu.memory_space<vmem_shared>>
    %dma_wait3A_365 = arith.constant 0 : i32
    %dma_wait3A_366 = arith.constant 0 : i32
    %dma_wait3A_367 = tpu.memref_slice %arg8[%dma_wait3A_365, %dma_wait3A_366] : memref<10240x128xf32, #tpu.memory_space<vmem_shared>> -> memref<80x128xf32, #tpu.memory_space<vmem_shared>>
    %dma_wait3A_368 = arith.constant 0 : i32
    %dma_wait3A_369 = arith.constant 0 : i32
    %dma_wait3A_370 = tpu.memref_slice %arg6[%dma_wait3A_357, %dma_wait3A_368, %dma_wait3A_369] : memref<2x80x128xf32, #tpu.memory_space<vmem>> -> memref<1x80x128xf32, #tpu.memory_space<vmem>>
    %dma_wait3A_371 = tpu.memref_squeeze %dma_wait3A_370 : memref<1x80x128xf32, #tpu.memory_space<vmem>> -> memref<80x128xf32, #tpu.memory_space<vmem>>
    tpu.wait_dma2 semaphore(%arg11 : memref<!tpu.dma_semaphore, #tpu.memory_space<semaphore_mem>>) src(%dma_wait3A_371 : memref<80x128xf32, #tpu.memory_space<vmem>>) dst(%dma_wait3A_367 : memref<80x128xf32, #tpu.memory_space<vmem_shared>>)
    %barrier3A_372 = arith.constant 0 : index
    tpu.barrier barrier_id(%barrier3A_372)
    %scan3A_373 = arith.constant 0 : i32
    %scan3A_374 = arith.constant 0 : i32
    %scan3A_375 = arith.constant 10 : i32
    %scan3A_376 = arith.addi %scan3A_374, %scan3A_375 : i32
    %scan3A_377 = arith.constant 1 : i32
    scf.for %scan3A_413 = %scan3A_374 to %scan3A_376 step %scan3A_377  : i32 {
      %rem3A = arith.constant 2 : i32
      %rem3A_414 = arith.remsi %scan3A_413, %rem3A : i32
      %mul3A_415 = arith.constant 640 : i32
      %mul3A_416 = arith.muli %arg1, %mul3A_415 : i32
      %mul3A_417 = arith.constant 64 : i32
      %mul3A_418 = arith.muli %scan3A_413, %mul3A_417 : i32
      %add3A_419 = arith.addi %mul3A_416, %mul3A_418 : i32
      %ge3A = arith.constant 2 : i32
      %ge3A_420 = arith.cmpi sge, %scan3A_413, %ge3A : i32
      %convert_element_type3A = arith.extui %ge3A_420 : i1 to i32
      %cond3A = arith.constant 0 : i32
      %cond3A_421 = arith.cmpi ne, %convert_element_type3A, %cond3A : i32
      scf.if %cond3A_421 {
        %dma_wait3A_431 = arith.constant 0 : i32
        %dma_wait3A_432 = arith.constant 0 : i32
        %dma_wait3A_433 = arith.constant 0 : i32
        %dma_wait3A_434 = tpu.memref_slice %arg7[%dma_wait3A_431, %dma_wait3A_432, %dma_wait3A_433] : memref<2x64x128xf32, #tpu.memory_space<vmem>> -> memref<1x64x128xf32, #tpu.memory_space<vmem>>
        %dma_wait3A_435 = tpu.memref_squeeze %dma_wait3A_434 : memref<1x64x128xf32, #tpu.memory_space<vmem>> -> memref<64x128xf32, #tpu.memory_space<vmem>>
        %dma_wait3A_436 = arith.constant 0 : i32
        %dma_wait3A_437 = arith.constant 0 : i32
        %dma_wait3A_438 = tpu.memref_slice %arg4[%arg0, %dma_wait3A_436, %dma_wait3A_437] : memref<2x10240x128xf32, #tpu.memory_space<hbm>> -> memref<1x64x128xf32, #tpu.memory_space<hbm>>
        %dma_wait3A_439 = tpu.memref_squeeze %dma_wait3A_438 : memref<1x64x128xf32, #tpu.memory_space<hbm>> -> memref<64x128xf32, #tpu.memory_space<hbm>>
        %dma_wait3A_440 = arith.constant 0 : i32
        %dma_wait3A_441 = arith.constant 0 : i32
        %dma_wait3A_442 = tpu.memref_slice %arg7[%dma_wait3A_431, %dma_wait3A_440, %dma_wait3A_441] : memref<2x64x128xf32, #tpu.memory_space<vmem>> -> memref<1x64x128xf32, #tpu.memory_space<vmem>>
        %dma_wait3A_443 = tpu.memref_squeeze %dma_wait3A_442 : memref<1x64x128xf32, #tpu.memory_space<vmem>> -> memref<64x128xf32, #tpu.memory_space<vmem>>
        %dma_wait3A_444 = arith.constant 0 : i32
        %dma_wait3A_445 = arith.constant 0 : i32
        %dma_wait3A_446 = tpu.memref_slice %arg4[%arg0, %dma_wait3A_444, %dma_wait3A_445] : memref<2x10240x128xf32, #tpu.memory_space<hbm>> -> memref<1x64x128xf32, #tpu.memory_space<hbm>>
        %dma_wait3A_447 = tpu.memref_squeeze %dma_wait3A_446 : memref<1x64x128xf32, #tpu.memory_space<hbm>> -> memref<64x128xf32, #tpu.memory_space<hbm>>
        tpu.wait_dma2 semaphore(%arg13 : memref<!tpu.dma_semaphore, #tpu.memory_space<semaphore_mem>>) src(%dma_wait3A_447 : memref<64x128xf32, #tpu.memory_space<hbm>>) dst(%dma_wait3A_443 : memref<64x128xf32, #tpu.memory_space<vmem>>)
      } else {
      }
      %eq3A = arith.constant 0 : i32
      %eq3A_422 = arith.cmpi eq, %rem3A_414, %eq3A : i32
      %convert_element_type3A_423 = arith.extui %eq3A_422 : i1 to i32
      %cond3A_424 = arith.constant 0 : i32
      %cond3A_425 = arith.cmpi ne, %convert_element_type3A_423, %cond3A_424 : i32
      scf.if %cond3A_425 {
        %run_scoped3A = arith.constant 0 : i32
        "tpu.region"() ({
          %run_scoped3A_446 = tpu.sem_alloc : memref<!tpu.dma_semaphore, #tpu.memory_space<semaphore_mem>>
          %dma_start3A_447 = arith.constant 0 : i32
          %dma_start3A_448 = arith.constant 0 : i32
          %dma_start3A_449 = tpu.memref_slice %arg7[%run_scoped3A, %dma_start3A_447, %dma_start3A_448] : memref<2x64x128xf32, #tpu.memory_space<vmem>> -> memref<1x64x128xf32, #tpu.memory_space<vmem>>
          %dma_start3A_450 = tpu.memref_squeeze %dma_start3A_449 : memref<1x64x128xf32, #tpu.memory_space<vmem>> -> memref<64x128xf32, #tpu.memory_space<vmem>>
          %dma_start3A_451 = arith.constant 0 : i32
          %dma_start3A_452 = tpu.memref_slice %arg8[%add3A_419, %dma_start3A_451] : memref<10240x128xf32, #tpu.memory_space<vmem_shared>> -> memref<64x128xf32, #tpu.memory_space<vmem_shared>>
          %dma_start3A_453 = arith.constant 0 : i32
          %dma_start3A_454 = arith.constant 0 : i32
          %dma_start3A_455 = tpu.memref_slice %arg7[%run_scoped3A, %dma_start3A_453, %dma_start3A_454] : memref<2x64x128xf32, #tpu.memory_space<vmem>> -> memref<1x64x128xf32, #tpu.memory_space<vmem>>
          %dma_start3A_456 = tpu.memref_squeeze %dma_start3A_455 : memref<1x64x128xf32, #tpu.memory_space<vmem>> -> memref<64x128xf32, #tpu.memory_space<vmem>>
          %dma_start3A_457 = arith.constant 0 : i32
          %dma_start3A_458 = tpu.memref_slice %arg8[%add3A_419, %dma_start3A_457] : memref<10240x128xf32, #tpu.memory_space<vmem_shared>> -> memref<64x128xf32, #tpu.memory_space<vmem_shared>>
          tpu.enqueue_dma source(%dma_start3A_458 : memref<64x128xf32, #tpu.memory_space<vmem_shared>>) target(%dma_start3A_456 : memref<64x128xf32, #tpu.memory_space<vmem>>) target_semaphore(%run_scoped3A_446 : memref<!tpu.dma_semaphore, #tpu.memory_space<semaphore_mem>>)
          %dma_wait3A_459 = arith.constant 0 : i32
          %dma_wait3A_460 = arith.constant 0 : i32
          %dma_wait3A_461 = tpu.memref_slice %arg7[%run_scoped3A, %dma_wait3A_459, %dma_wait3A_460] : memref<2x64x128xf32, #tpu.memory_space<vmem>> -> memref<1x64x128xf32, #tpu.memory_space<vmem>>
          %dma_wait3A_462 = tpu.memref_squeeze %dma_wait3A_461 : memref<1x64x128xf32, #tpu.memory_space<vmem>> -> memref<64x128xf32, #tpu.memory_space<vmem>>
          %dma_wait3A_463 = arith.constant 0 : i32
          %dma_wait3A_464 = tpu.memref_slice %arg8[%add3A_419, %dma_wait3A_463] : memref<10240x128xf32, #tpu.memory_space<vmem_shared>> -> memref<64x128xf32, #tpu.memory_space<vmem_shared>>
          %dma_wait3A_465 = arith.constant 0 : i32
          %dma_wait3A_466 = arith.constant 0 : i32
          %dma_wait3A_467 = tpu.memref_slice %arg7[%run_scoped3A, %dma_wait3A_465, %dma_wait3A_466] : memref<2x64x128xf32, #tpu.memory_space<vmem>> -> memref<1x64x128xf32, #tpu.memory_space<vmem>>
          %dma_wait3A_468 = tpu.memref_squeeze %dma_wait3A_467 : memref<1x64x128xf32, #tpu.memory_space<vmem>> -> memref<64x128xf32, #tpu.memory_space<vmem>>
          %dma_wait3A_469 = arith.constant 0 : i32
          %dma_wait3A_470 = tpu.memref_slice %arg8[%add3A_419, %dma_wait3A_469] : memref<10240x128xf32, #tpu.memory_space<vmem_shared>> -> memref<64x128xf32, #tpu.memory_space<vmem_shared>>
          tpu.wait_dma2 semaphore(%run_scoped3A_446 : memref<!tpu.dma_semaphore, #tpu.memory_space<semaphore_mem>>) src(%dma_wait3A_470 : memref<64x128xf32, #tpu.memory_space<vmem_shared>>) dst(%dma_wait3A_468 : memref<64x128xf32, #tpu.memory_space<vmem>>)
          tpu.yield
        }) : () -> ()
        %dma_start3A_431 = arith.constant 0 : i32
        %dma_start3A_432 = arith.constant 0 : i32
        %dma_start3A_433 = arith.constant 0 : i32
        %dma_start3A_434 = tpu.memref_slice %arg7[%dma_start3A_431, %dma_start3A_432, %dma_start3A_433] : memref<2x64x128xf32, #tpu.memory_space<vmem>> -> memref<1x64x128xf32, #tpu.memory_space<vmem>>
        %dma_start3A_435 = tpu.memref_squeeze %dma_start3A_434 : memref<1x64x128xf32, #tpu.memory_space<vmem>> -> memref<64x128xf32, #tpu.memory_space<vmem>>
        %dma_start3A_436 = arith.constant 0 : i32
        %dma_start3A_437 = tpu.memref_slice %arg4[%arg0, %add3A_419, %dma_start3A_436] : memref<2x10240x128xf32, #tpu.memory_space<hbm>> -> memref<1x64x128xf32, #tpu.memory_space<hbm>>
        %dma_start3A_438 = tpu.memref_squeeze %dma_start3A_437 : memref<1x64x128xf32, #tpu.memory_space<hbm>> -> memref<64x128xf32, #tpu.memory_space<hbm>>
        %dma_start3A_439 = arith.constant 0 : i32
        %dma_start3A_440 = tpu.memref_slice %arg4[%arg0, %add3A_419, %dma_start3A_439] : memref<2x10240x128xf32, #tpu.memory_space<hbm>> -> memref<1x64x128xf32, #tpu.memory_space<hbm>>
        %dma_start3A_441 = tpu.memref_squeeze %dma_start3A_440 : memref<1x64x128xf32, #tpu.memory_space<hbm>> -> memref<64x128xf32, #tpu.memory_space<hbm>>
        %dma_start3A_442 = arith.constant 0 : i32
        %dma_start3A_443 = arith.constant 0 : i32
        %dma_start3A_444 = tpu.memref_slice %arg7[%dma_start3A_431, %dma_start3A_442, %dma_start3A_443] : memref<2x64x128xf32, #tpu.memory_space<vmem>> -> memref<1x64x128xf32, #tpu.memory_space<vmem>>
        %dma_start3A_445 = tpu.memref_squeeze %dma_start3A_444 : memref<1x64x128xf32, #tpu.memory_space<vmem>> -> memref<64x128xf32, #tpu.memory_space<vmem>>
        tpu.enqueue_dma source(%dma_start3A_445 : memref<64x128xf32, #tpu.memory_space<vmem>>) target(%dma_start3A_441 : memref<64x128xf32, #tpu.memory_space<hbm>>) target_semaphore(%arg13 : memref<!tpu.dma_semaphore, #tpu.memory_space<semaphore_mem>>)
      } else {
      }
      %eq3A_426 = arith.constant 1 : i32
      %eq3A_427 = arith.cmpi eq, %rem3A_414, %eq3A_426 : i32
      %convert_element_type3A_428 = arith.extui %eq3A_427 : i1 to i32
      %cond3A_429 = arith.constant 0 : i32
      %cond3A_430 = arith.cmpi ne, %convert_element_type3A_428, %cond3A_429 : i32
      scf.if %cond3A_430 {
        %run_scoped3A = arith.constant 1 : i32
        "tpu.region"() ({
          %run_scoped3A_446 = tpu.sem_alloc : memref<!tpu.dma_semaphore, #tpu.memory_space<semaphore_mem>>
          %dma_start3A_447 = arith.constant 0 : i32
          %dma_start3A_448 = arith.constant 0 : i32
          %dma_start3A_449 = tpu.memref_slice %arg7[%run_scoped3A, %dma_start3A_447, %dma_start3A_448] : memref<2x64x128xf32, #tpu.memory_space<vmem>> -> memref<1x64x128xf32, #tpu.memory_space<vmem>>
          %dma_start3A_450 = tpu.memref_squeeze %dma_start3A_449 : memref<1x64x128xf32, #tpu.memory_space<vmem>> -> memref<64x128xf32, #tpu.memory_space<vmem>>
          %dma_start3A_451 = arith.constant 0 : i32
          %dma_start3A_452 = tpu.memref_slice %arg8[%add3A_419, %dma_start3A_451] : memref<10240x128xf32, #tpu.memory_space<vmem_shared>> -> memref<64x128xf32, #tpu.memory_space<vmem_shared>>
          %dma_start3A_453 = arith.constant 0 : i32
          %dma_start3A_454 = arith.constant 0 : i32
          %dma_start3A_455 = tpu.memref_slice %arg7[%run_scoped3A, %dma_start3A_453, %dma_start3A_454] : memref<2x64x128xf32, #tpu.memory_space<vmem>> -> memref<1x64x128xf32, #tpu.memory_space<vmem>>
          %dma_start3A_456 = tpu.memref_squeeze %dma_start3A_455 : memref<1x64x128xf32, #tpu.memory_space<vmem>> -> memref<64x128xf32, #tpu.memory_space<vmem>>
          %dma_start3A_457 = arith.constant 0 : i32
          %dma_start3A_458 = tpu.memref_slice %arg8[%add3A_419, %dma_start3A_457] : memref<10240x128xf32, #tpu.memory_space<vmem_shared>> -> memref<64x128xf32, #tpu.memory_space<vmem_shared>>
          tpu.enqueue_dma source(%dma_start3A_458 : memref<64x128xf32, #tpu.memory_space<vmem_shared>>) target(%dma_start3A_456 : memref<64x128xf32, #tpu.memory_space<vmem>>) target_semaphore(%run_scoped3A_446 : memref<!tpu.dma_semaphore, #tpu.memory_space<semaphore_mem>>)
          %dma_wait3A_459 = arith.constant 0 : i32
          %dma_wait3A_460 = arith.constant 0 : i32
          %dma_wait3A_461 = tpu.memref_slice %arg7[%run_scoped3A, %dma_wait3A_459, %dma_wait3A_460] : memref<2x64x128xf32, #tpu.memory_space<vmem>> -> memref<1x64x128xf32, #tpu.memory_space<vmem>>
          %dma_wait3A_462 = tpu.memref_squeeze %dma_wait3A_461 : memref<1x64x128xf32, #tpu.memory_space<vmem>> -> memref<64x128xf32, #tpu.memory_space<vmem>>
          %dma_wait3A_463 = arith.constant 0 : i32
          %dma_wait3A_464 = tpu.memref_slice %arg8[%add3A_419, %dma_wait3A_463] : memref<10240x128xf32, #tpu.memory_space<vmem_shared>> -> memref<64x128xf32, #tpu.memory_space<vmem_shared>>
          %dma_wait3A_465 = arith.constant 0 : i32
          %dma_wait3A_466 = arith.constant 0 : i32
          %dma_wait3A_467 = tpu.memref_slice %arg7[%run_scoped3A, %dma_wait3A_465, %dma_wait3A_466] : memref<2x64x128xf32, #tpu.memory_space<vmem>> -> memref<1x64x128xf32, #tpu.memory_space<vmem>>
          %dma_wait3A_468 = tpu.memref_squeeze %dma_wait3A_467 : memref<1x64x128xf32, #tpu.memory_space<vmem>> -> memref<64x128xf32, #tpu.memory_space<vmem>>
          %dma_wait3A_469 = arith.constant 0 : i32
          %dma_wait3A_470 = tpu.memref_slice %arg8[%add3A_419, %dma_wait3A_469] : memref<10240x128xf32, #tpu.memory_space<vmem_shared>> -> memref<64x128xf32, #tpu.memory_space<vmem_shared>>
          tpu.wait_dma2 semaphore(%run_scoped3A_446 : memref<!tpu.dma_semaphore, #tpu.memory_space<semaphore_mem>>) src(%dma_wait3A_470 : memref<64x128xf32, #tpu.memory_space<vmem_shared>>) dst(%dma_wait3A_468 : memref<64x128xf32, #tpu.memory_space<vmem>>)
          tpu.yield
        }) : () -> ()
        %dma_start3A_431 = arith.constant 1 : i32
        %dma_start3A_432 = arith.constant 0 : i32
        %dma_start3A_433 = arith.constant 0 : i32
        %dma_start3A_434 = tpu.memref_slice %arg7[%dma_start3A_431, %dma_start3A_432, %dma_start3A_433] : memref<2x64x128xf32, #tpu.memory_space<vmem>> -> memref<1x64x128xf32, #tpu.memory_space<vmem>>
        %dma_start3A_435 = tpu.memref_squeeze %dma_start3A_434 : memref<1x64x128xf32, #tpu.memory_space<vmem>> -> memref<64x128xf32, #tpu.memory_space<vmem>>
        %dma_start3A_436 = arith.constant 0 : i32
        %dma_start3A_437 = tpu.memref_slice %arg4[%arg0, %add3A_419, %dma_start3A_436] : memref<2x10240x128xf32, #tpu.memory_space<hbm>> -> memref<1x64x128xf32, #tpu.memory_space<hbm>>
        %dma_start3A_438 = tpu.memref_squeeze %dma_start3A_437 : memref<1x64x128xf32, #tpu.memory_space<hbm>> -> memref<64x128xf32, #tpu.memory_space<hbm>>
        %dma_start3A_439 = arith.constant 0 : i32
        %dma_start3A_440 = tpu.memref_slice %arg4[%arg0, %add3A_419, %dma_start3A_439] : memref<2x10240x128xf32, #tpu.memory_space<hbm>> -> memref<1x64x128xf32, #tpu.memory_space<hbm>>
        %dma_start3A_441 = tpu.memref_squeeze %dma_start3A_440 : memref<1x64x128xf32, #tpu.memory_space<hbm>> -> memref<64x128xf32, #tpu.memory_space<hbm>>
        %dma_start3A_442 = arith.constant 0 : i32
        %dma_start3A_443 = arith.constant 0 : i32
        %dma_start3A_444 = tpu.memref_slice %arg7[%dma_start3A_431, %dma_start3A_442, %dma_start3A_443] : memref<2x64x128xf32, #tpu.memory_space<vmem>> -> memref<1x64x128xf32, #tpu.memory_space<vmem>>
        %dma_start3A_445 = tpu.memref_squeeze %dma_start3A_444 : memref<1x64x128xf32, #tpu.memory_space<vmem>> -> memref<64x128xf32, #tpu.memory_space<vmem>>
        tpu.enqueue_dma source(%dma_start3A_445 : memref<64x128xf32, #tpu.memory_space<vmem>>) target(%dma_start3A_441 : memref<64x128xf32, #tpu.memory_space<hbm>>) target_semaphore(%arg13 : memref<!tpu.dma_semaphore, #tpu.memory_space<semaphore_mem>>)
      } else {
      }
    }
    %scan3A_378 = arith.constant 10 : i32
    %dma_wait3A_379 = arith.constant 0 : i32
    %dma_wait3A_380 = arith.constant 0 : i32
    %dma_wait3A_381 = arith.constant 0 : i32
    %dma_wait3A_382 = tpu.memref_slice %arg7[%dma_wait3A_379, %dma_wait3A_380, %dma_wait3A_381] : memref<2x64x128xf32, #tpu.memory_space<vmem>> -> memref<1x64x128xf32, #tpu.memory_space<vmem>>
    %dma_wait3A_383 = tpu.memref_squeeze %dma_wait3A_382 : memref<1x64x128xf32, #tpu.memory_space<vmem>> -> memref<64x128xf32, #tpu.memory_space<vmem>>
    %dma_wait3A_384 = arith.constant 0 : i32
    %dma_wait3A_385 = arith.constant 0 : i32
    %dma_wait3A_386 = tpu.memref_slice %arg4[%arg0, %dma_wait3A_384, %dma_wait3A_385] : memref<2x10240x128xf32, #tpu.memory_space<hbm>> -> memref<1x64x128xf32, #tpu.memory_space<hbm>>
    %dma_wait3A_387 = tpu.memref_squeeze %dma_wait3A_386 : memref<1x64x128xf32, #tpu.memory_space<hbm>> -> memref<64x128xf32, #tpu.memory_space<hbm>>
    %dma_wait3A_388 = arith.constant 0 : i32
    %dma_wait3A_389 = arith.constant 0 : i32
    %dma_wait3A_390 = tpu.memref_slice %arg7[%dma_wait3A_379, %dma_wait3A_388, %dma_wait3A_389] : memref<2x64x128xf32, #tpu.memory_space<vmem>> -> memref<1x64x128xf32, #tpu.memory_space<vmem>>
    %dma_wait3A_391 = tpu.memref_squeeze %dma_wait3A_390 : memref<1x64x128xf32, #tpu.memory_space<vmem>> -> memref<64x128xf32, #tpu.memory_space<vmem>>
    %dma_wait3A_392 = arith.constant 0 : i32
    %dma_wait3A_393 = arith.constant 0 : i32
    %dma_wait3A_394 = tpu.memref_slice %arg4[%arg0, %dma_wait3A_392, %dma_wait3A_393] : memref<2x10240x128xf32, #tpu.memory_space<hbm>> -> memref<1x64x128xf32, #tpu.memory_space<hbm>>
    %dma_wait3A_395 = tpu.memref_squeeze %dma_wait3A_394 : memref<1x64x128xf32, #tpu.memory_space<hbm>> -> memref<64x128xf32, #tpu.memory_space<hbm>>
    tpu.wait_dma2 semaphore(%arg13 : memref<!tpu.dma_semaphore, #tpu.memory_space<semaphore_mem>>) src(%dma_wait3A_395 : memref<64x128xf32, #tpu.memory_space<hbm>>) dst(%dma_wait3A_391 : memref<64x128xf32, #tpu.memory_space<vmem>>)
    %dma_wait3A_396 = arith.constant 0 : i32
    %dma_wait3A_397 = arith.constant 0 : i32
    %dma_wait3A_398 = arith.constant 0 : i32
    %dma_wait3A_399 = tpu.memref_slice %arg7[%dma_wait3A_396, %dma_wait3A_397, %dma_wait3A_398] : memref<2x64x128xf32, #tpu.memory_space<vmem>> -> memref<1x64x128xf32, #tpu.memory_space<vmem>>
    %dma_wait3A_400 = tpu.memref_squeeze %dma_wait3A_399 : memref<1x64x128xf32, #tpu.memory_space<vmem>> -> memref<64x128xf32, #tpu.memory_space<vmem>>
    %dma_wait3A_401 = arith.constant 0 : i32
    %dma_wait3A_402 = arith.constant 0 : i32
    %dma_wait3A_403 = tpu.memref_slice %arg4[%arg0, %dma_wait3A_401, %dma_wait3A_402] : memref<2x10240x128xf32, #tpu.memory_space<hbm>> -> memref<1x64x128xf32, #tpu.memory_space<hbm>>
    %dma_wait3A_404 = tpu.memref_squeeze %dma_wait3A_403 : memref<1x64x128xf32, #tpu.memory_space<hbm>> -> memref<64x128xf32, #tpu.memory_space<hbm>>
    %dma_wait3A_405 = arith.constant 0 : i32
    %dma_wait3A_406 = arith.constant 0 : i32
    %dma_wait3A_407 = tpu.memref_slice %arg7[%dma_wait3A_396, %dma_wait3A_405, %dma_wait3A_406] : memref<2x64x128xf32, #tpu.memory_space<vmem>> -> memref<1x64x128xf32, #tpu.memory_space<vmem>>
    %dma_wait3A_408 = tpu.memref_squeeze %dma_wait3A_407 : memref<1x64x128xf32, #tpu.memory_space<vmem>> -> memref<64x128xf32, #tpu.memory_space<vmem>>
    %dma_wait3A_409 = arith.constant 0 : i32
    %dma_wait3A_410 = arith.constant 0 : i32
    %dma_wait3A_411 = tpu.memref_slice %arg4[%arg0, %dma_wait3A_409, %dma_wait3A_410] : memref<2x10240x128xf32, #tpu.memory_space<hbm>> -> memref<1x64x128xf32, #tpu.memory_space<hbm>>
    %dma_wait3A_412 = tpu.memref_squeeze %dma_wait3A_411 : memref<1x64x128xf32, #tpu.memory_space<hbm>> -> memref<64x128xf32, #tpu.memory_space<hbm>>
    tpu.wait_dma2 semaphore(%arg13 : memref<!tpu.dma_semaphore, #tpu.memory_space<semaphore_mem>>) src(%dma_wait3A_412 : memref<64x128xf32, #tpu.memory_space<hbm>>) dst(%dma_wait3A_408 : memref<64x128xf32, #tpu.memory_space<vmem>>)
    return
  }
}

#map = affine_map<(d0, d1) -> (0, 0)>
#map1 = affine_map<(d0, d1) -> (0)>
module attributes {stable_mosaic.version = 14 : i64} {
  func.func @_gather_body(%arg0: i32, %arg1: i32, %arg2: memref<10000x64xi32, #tpu.memory_space<hbm>>, %arg3: memref<10000x64xi32, #tpu.memory_space<hbm>>, %arg4: memref<320000xi32, #tpu.memory_space<hbm>>, %arg5: memref<320000xi32, #tpu.memory_space<hbm>>, %arg6: memref<320000x64xi32, #tpu.memory_space<hbm>>, %arg7: memref<320000x64xi32, #tpu.memory_space<hbm>>, %arg8: memref<10000xi32, #tpu.memory_space<vmem>>, %arg9: memref<10000xi32, #tpu.memory_space<vmem>>, %arg10: memref<5x80x64xi32, #tpu.memory_space<vmem>>, %arg11: memref<5x80x64xi32, #tpu.memory_space<vmem>>, %arg12: memref<!tpu.dma_semaphore, #tpu.memory_space<semaphore_mem>>, %arg13: memref<!tpu.dma_semaphore, #tpu.memory_space<semaphore_mem>>) attributes {dimension_semantics = [#tpu.dimension_semantics<core_parallel>, #tpu.dimension_semantics<subcore_parallel>], iteration_bounds = array<i64: 2, 16>, scalar_prefetch = 0 : i64, scratch_operands = 6 : i64, tpu.core_type = #tpu.core_type<sc_vector_subcore>, window_params = [{transform_indices = #map}, {transform_indices = #map}, {transform_indices = #map1}, {transform_indices = #map1}, {transform_indices = #map}, {transform_indices = #map}]} {
    %mul3A = arith.constant 2 : i32
    %mul3A_0 = arith.muli %arg1, %mul3A : i32
    %add3A = arith.addi %mul3A_0, %arg0 : i32
    %mul3A_1 = arith.constant 10000 : i32
    %mul3A_2 = arith.muli %add3A, %mul3A_1 : i32
    "tpu.region"() ({
      %run_scoped3A = tpu.sem_alloc : memref<!tpu.dma_semaphore, #tpu.memory_space<semaphore_mem>>
      %dma_start3A = tpu.memref_slice %arg4[%mul3A_2] : memref<320000xi32, #tpu.memory_space<hbm>> -> memref<10000xi32, #tpu.memory_space<hbm>>
      %dma_start3A_157 = tpu.memref_slice %arg4[%mul3A_2] : memref<320000xi32, #tpu.memory_space<hbm>> -> memref<10000xi32, #tpu.memory_space<hbm>>
      tpu.enqueue_dma source(%dma_start3A_157 : memref<10000xi32, #tpu.memory_space<hbm>>) target(%arg8 : memref<10000xi32, #tpu.memory_space<vmem>>) target_semaphore(%run_scoped3A : memref<!tpu.dma_semaphore, #tpu.memory_space<semaphore_mem>>)
      %dma_wait3A_158 = tpu.memref_slice %arg4[%mul3A_2] : memref<320000xi32, #tpu.memory_space<hbm>> -> memref<10000xi32, #tpu.memory_space<hbm>>
      %dma_wait3A_159 = tpu.memref_slice %arg4[%mul3A_2] : memref<320000xi32, #tpu.memory_space<hbm>> -> memref<10000xi32, #tpu.memory_space<hbm>>
      tpu.wait_dma2 semaphore(%run_scoped3A : memref<!tpu.dma_semaphore, #tpu.memory_space<semaphore_mem>>) src(%dma_wait3A_159 : memref<10000xi32, #tpu.memory_space<hbm>>) dst(%arg8 : memref<10000xi32, #tpu.memory_space<vmem>>)
      tpu.yield
    }) : () -> ()
    "tpu.region"() ({
      %run_scoped3A = tpu.sem_alloc : memref<!tpu.dma_semaphore, #tpu.memory_space<semaphore_mem>>
      %dma_start3A = tpu.memref_slice %arg5[%mul3A_2] : memref<320000xi32, #tpu.memory_space<hbm>> -> memref<10000xi32, #tpu.memory_space<hbm>>
      %dma_start3A_157 = tpu.memref_slice %arg5[%mul3A_2] : memref<320000xi32, #tpu.memory_space<hbm>> -> memref<10000xi32, #tpu.memory_space<hbm>>
      tpu.enqueue_dma source(%dma_start3A_157 : memref<10000xi32, #tpu.memory_space<hbm>>) target(%arg9 : memref<10000xi32, #tpu.memory_space<vmem>>) target_semaphore(%run_scoped3A : memref<!tpu.dma_semaphore, #tpu.memory_space<semaphore_mem>>)
      %dma_wait3A_158 = tpu.memref_slice %arg5[%mul3A_2] : memref<320000xi32, #tpu.memory_space<hbm>> -> memref<10000xi32, #tpu.memory_space<hbm>>
      %dma_wait3A_159 = tpu.memref_slice %arg5[%mul3A_2] : memref<320000xi32, #tpu.memory_space<hbm>> -> memref<10000xi32, #tpu.memory_space<hbm>>
      tpu.wait_dma2 semaphore(%run_scoped3A : memref<!tpu.dma_semaphore, #tpu.memory_space<semaphore_mem>>) src(%dma_wait3A_159 : memref<10000xi32, #tpu.memory_space<hbm>>) dst(%arg9 : memref<10000xi32, #tpu.memory_space<vmem>>)
      tpu.yield
    }) : () -> ()
    %scan3A = arith.constant 0 : i32
    %scan3A_3 = arith.constant 0 : i32
    %scan3A_4 = arith.constant 25 : i32
    %scan3A_5 = arith.addi %scan3A_3, %scan3A_4 : i32
    %scan3A_6 = arith.constant 1 : i32
    scf.for %scan3A_157 = %scan3A_3 to %scan3A_5 step %scan3A_6  : i32 {
      %gt3A = arith.constant 0 : i32
      %gt3A_158 = arith.cmpi sgt, %scan3A_157, %gt3A : i32
      %convert_element_type3A = arith.extui %gt3A_158 : i1 to i32
      %cond3A = arith.constant 0 : i32
      %cond3A_159 = arith.cmpi ne, %convert_element_type3A, %cond3A : i32
      scf.if %cond3A_159 {
        %dma_wait3A_544 = arith.constant 0 : i32
        %dma_wait3A_545 = arith.constant 0 : i32
        %dma_wait3A_546 = arith.constant 0 : i32
        %dma_wait3A_547 = tpu.memref_slice %arg10[%dma_wait3A_544, %dma_wait3A_545, %dma_wait3A_546] : memref<5x80x64xi32, #tpu.memory_space<vmem>> -> memref<1x80x64xi32, #tpu.memory_space<vmem>>
        %dma_wait3A_548 = tpu.memref_squeeze %dma_wait3A_547 : memref<1x80x64xi32, #tpu.memory_space<vmem>> -> memref<80x64xi32, #tpu.memory_space<vmem>>
        %dma_wait3A_549 = arith.constant 0 : i32
        %dma_wait3A_550 = arith.constant 0 : i32
        %dma_wait3A_551 = tpu.memref_slice %arg2[%dma_wait3A_549, %dma_wait3A_550] : memref<10000x64xi32, #tpu.memory_space<hbm>> -> memref<80x64xi32, #tpu.memory_space<hbm>>
        %dma_wait3A_552 = arith.constant 0 : i32
        %dma_wait3A_553 = arith.constant 0 : i32
        %dma_wait3A_554 = tpu.memref_slice %arg10[%dma_wait3A_544, %dma_wait3A_552, %dma_wait3A_553] : memref<5x80x64xi32, #tpu.memory_space<vmem>> -> memref<1x80x64xi32, #tpu.memory_space<vmem>>
        %dma_wait3A_555 = tpu.memref_squeeze %dma_wait3A_554 : memref<1x80x64xi32, #tpu.memory_space<vmem>> -> memref<80x64xi32, #tpu.memory_space<vmem>>
        %dma_wait3A_556 = arith.constant 0 : i32
        %dma_wait3A_557 = arith.constant 0 : i32
        %dma_wait3A_558 = tpu.memref_slice %arg2[%dma_wait3A_556, %dma_wait3A_557] : memref<10000x64xi32, #tpu.memory_space<hbm>> -> memref<80x64xi32, #tpu.memory_space<hbm>>
        tpu.wait_dma2 semaphore(%arg13 : memref<!tpu.dma_semaphore, #tpu.memory_space<semaphore_mem>>) src(%dma_wait3A_558 : memref<80x64xi32, #tpu.memory_space<hbm>>) dst(%dma_wait3A_555 : memref<80x64xi32, #tpu.memory_space<vmem>>)
        %dma_wait3A_559 = arith.constant 0 : i32
        %dma_wait3A_560 = arith.constant 0 : i32
        %dma_wait3A_561 = arith.constant 0 : i32
        %dma_wait3A_562 = tpu.memref_slice %arg11[%dma_wait3A_559, %dma_wait3A_560, %dma_wait3A_561] : memref<5x80x64xi32, #tpu.memory_space<vmem>> -> memref<1x80x64xi32, #tpu.memory_space<vmem>>
        %dma_wait3A_563 = tpu.memref_squeeze %dma_wait3A_562 : memref<1x80x64xi32, #tpu.memory_space<vmem>> -> memref<80x64xi32, #tpu.memory_space<vmem>>
        %dma_wait3A_564 = arith.constant 0 : i32
        %dma_wait3A_565 = arith.constant 0 : i32
        %dma_wait3A_566 = tpu.memref_slice %arg3[%dma_wait3A_564, %dma_wait3A_565] : memref<10000x64xi32, #tpu.memory_space<hbm>> -> memref<80x64xi32, #tpu.memory_space<hbm>>
        %dma_wait3A_567 = arith.constant 0 : i32
        %dma_wait3A_568 = arith.constant 0 : i32
        %dma_wait3A_569 = tpu.memref_slice %arg11[%dma_wait3A_559, %dma_wait3A_567, %dma_wait3A_568] : memref<5x80x64xi32, #tpu.memory_space<vmem>> -> memref<1x80x64xi32, #tpu.memory_space<vmem>>
        %dma_wait3A_570 = tpu.memref_squeeze %dma_wait3A_569 : memref<1x80x64xi32, #tpu.memory_space<vmem>> -> memref<80x64xi32, #tpu.memory_space<vmem>>
        %dma_wait3A_571 = arith.constant 0 : i32
        %dma_wait3A_572 = arith.constant 0 : i32
        %dma_wait3A_573 = tpu.memref_slice %arg3[%dma_wait3A_571, %dma_wait3A_572] : memref<10000x64xi32, #tpu.memory_space<hbm>> -> memref<80x64xi32, #tpu.memory_space<hbm>>
        tpu.wait_dma2 semaphore(%arg13 : memref<!tpu.dma_semaphore, #tpu.memory_space<semaphore_mem>>) src(%dma_wait3A_573 : memref<80x64xi32, #tpu.memory_space<hbm>>) dst(%dma_wait3A_570 : memref<80x64xi32, #tpu.memory_space<vmem>>)
        %dma_wait3A_574 = arith.constant 1 : i32
        %dma_wait3A_575 = arith.constant 0 : i32
        %dma_wait3A_576 = arith.constant 0 : i32
        %dma_wait3A_577 = tpu.memref_slice %arg10[%dma_wait3A_574, %dma_wait3A_575, %dma_wait3A_576] : memref<5x80x64xi32, #tpu.memory_space<vmem>> -> memref<1x80x64xi32, #tpu.memory_space<vmem>>
        %dma_wait3A_578 = tpu.memref_squeeze %dma_wait3A_577 : memref<1x80x64xi32, #tpu.memory_space<vmem>> -> memref<80x64xi32, #tpu.memory_space<vmem>>
        %dma_wait3A_579 = arith.constant 0 : i32
        %dma_wait3A_580 = arith.constant 0 : i32
        %dma_wait3A_581 = tpu.memref_slice %arg2[%dma_wait3A_579, %dma_wait3A_580] : memref<10000x64xi32, #tpu.memory_space<hbm>> -> memref<80x64xi32, #tpu.memory_space<hbm>>
        %dma_wait3A_582 = arith.constant 0 : i32
        %dma_wait3A_583 = arith.constant 0 : i32
        %dma_wait3A_584 = tpu.memref_slice %arg10[%dma_wait3A_574, %dma_wait3A_582, %dma_wait3A_583] : memref<5x80x64xi32, #tpu.memory_space<vmem>> -> memref<1x80x64xi32, #tpu.memory_space<vmem>>
        %dma_wait3A_585 = tpu.memref_squeeze %dma_wait3A_584 : memref<1x80x64xi32, #tpu.memory_space<vmem>> -> memref<80x64xi32, #tpu.memory_space<vmem>>
        %dma_wait3A_586 = arith.constant 0 : i32
        %dma_wait3A_587 = arith.constant 0 : i32
        %dma_wait3A_588 = tpu.memref_slice %arg2[%dma_wait3A_586, %dma_wait3A_587] : memref<10000x64xi32, #tpu.memory_space<hbm>> -> memref<80x64xi32, #tpu.memory_space<hbm>>
        tpu.wait_dma2 semaphore(%arg13 : memref<!tpu.dma_semaphore, #tpu.memory_space<semaphore_mem>>) src(%dma_wait3A_588 : memref<80x64xi32, #tpu.memory_space<hbm>>) dst(%dma_wait3A_585 : memref<80x64xi32, #tpu.memory_space<vmem>>)
        %dma_wait3A_589 = arith.constant 1 : i32
        %dma_wait3A_590 = arith.constant 0 : i32
        %dma_wait3A_591 = arith.constant 0 : i32
        %dma_wait3A_592 = tpu.memref_slice %arg11[%dma_wait3A_589, %dma_wait3A_590, %dma_wait3A_591] : memref<5x80x64xi32, #tpu.memory_space<vmem>> -> memref<1x80x64xi32, #tpu.memory_space<vmem>>
        %dma_wait3A_593 = tpu.memref_squeeze %dma_wait3A_592 : memref<1x80x64xi32, #tpu.memory_space<vmem>> -> memref<80x64xi32, #tpu.memory_space<vmem>>
        %dma_wait3A_594 = arith.constant 0 : i32
        %dma_wait3A_595 = arith.constant 0 : i32
        %dma_wait3A_596 = tpu.memref_slice %arg3[%dma_wait3A_594, %dma_wait3A_595] : memref<10000x64xi32, #tpu.memory_space<hbm>> -> memref<80x64xi32, #tpu.memory_space<hbm>>
        %dma_wait3A_597 = arith.constant 0 : i32
        %dma_wait3A_598 = arith.constant 0 : i32
        %dma_wait3A_599 = tpu.memref_slice %arg11[%dma_wait3A_589, %dma_wait3A_597, %dma_wait3A_598] : memref<5x80x64xi32, #tpu.memory_space<vmem>> -> memref<1x80x64xi32, #tpu.memory_space<vmem>>
        %dma_wait3A_600 = tpu.memref_squeeze %dma_wait3A_599 : memref<1x80x64xi32, #tpu.memory_space<vmem>> -> memref<80x64xi32, #tpu.memory_space<vmem>>
        %dma_wait3A_601 = arith.constant 0 : i32
        %dma_wait3A_602 = arith.constant 0 : i32
        %dma_wait3A_603 = tpu.memref_slice %arg3[%dma_wait3A_601, %dma_wait3A_602] : memref<10000x64xi32, #tpu.memory_space<hbm>> -> memref<80x64xi32, #tpu.memory_space<hbm>>
        tpu.wait_dma2 semaphore(%arg13 : memref<!tpu.dma_semaphore, #tpu.memory_space<semaphore_mem>>) src(%dma_wait3A_603 : memref<80x64xi32, #tpu.memory_space<hbm>>) dst(%dma_wait3A_600 : memref<80x64xi32, #tpu.memory_space<vmem>>)
        %dma_wait3A_604 = arith.constant 2 : i32
        %dma_wait3A_605 = arith.constant 0 : i32
        %dma_wait3A_606 = arith.constant 0 : i32
        %dma_wait3A_607 = tpu.memref_slice %arg10[%dma_wait3A_604, %dma_wait3A_605, %dma_wait3A_606] : memref<5x80x64xi32, #tpu.memory_space<vmem>> -> memref<1x80x64xi32, #tpu.memory_space<vmem>>
        %dma_wait3A_608 = tpu.memref_squeeze %dma_wait3A_607 : memref<1x80x64xi32, #tpu.memory_space<vmem>> -> memref<80x64xi32, #tpu.memory_space<vmem>>
        %dma_wait3A_609 = arith.constant 0 : i32
        %dma_wait3A_610 = arith.constant 0 : i32
        %dma_wait3A_611 = tpu.memref_slice %arg2[%dma_wait3A_609, %dma_wait3A_610] : memref<10000x64xi32, #tpu.memory_space<hbm>> -> memref<80x64xi32, #tpu.memory_space<hbm>>
        %dma_wait3A_612 = arith.constant 0 : i32
        %dma_wait3A_613 = arith.constant 0 : i32
        %dma_wait3A_614 = tpu.memref_slice %arg10[%dma_wait3A_604, %dma_wait3A_612, %dma_wait3A_613] : memref<5x80x64xi32, #tpu.memory_space<vmem>> -> memref<1x80x64xi32, #tpu.memory_space<vmem>>
        %dma_wait3A_615 = tpu.memref_squeeze %dma_wait3A_614 : memref<1x80x64xi32, #tpu.memory_space<vmem>> -> memref<80x64xi32, #tpu.memory_space<vmem>>
        %dma_wait3A_616 = arith.constant 0 : i32
        %dma_wait3A_617 = arith.constant 0 : i32
        %dma_wait3A_618 = tpu.memref_slice %arg2[%dma_wait3A_616, %dma_wait3A_617] : memref<10000x64xi32, #tpu.memory_space<hbm>> -> memref<80x64xi32, #tpu.memory_space<hbm>>
        tpu.wait_dma2 semaphore(%arg13 : memref<!tpu.dma_semaphore, #tpu.memory_space<semaphore_mem>>) src(%dma_wait3A_618 : memref<80x64xi32, #tpu.memory_space<hbm>>) dst(%dma_wait3A_615 : memref<80x64xi32, #tpu.memory_space<vmem>>)
        %dma_wait3A_619 = arith.constant 2 : i32
        %dma_wait3A_620 = arith.constant 0 : i32
        %dma_wait3A_621 = arith.constant 0 : i32
        %dma_wait3A_622 = tpu.memref_slice %arg11[%dma_wait3A_619, %dma_wait3A_620, %dma_wait3A_621] : memref<5x80x64xi32, #tpu.memory_space<vmem>> -> memref<1x80x64xi32, #tpu.memory_space<vmem>>
        %dma_wait3A_623 = tpu.memref_squeeze %dma_wait3A_622 : memref<1x80x64xi32, #tpu.memory_space<vmem>> -> memref<80x64xi32, #tpu.memory_space<vmem>>
        %dma_wait3A_624 = arith.constant 0 : i32
        %dma_wait3A_625 = arith.constant 0 : i32
        %dma_wait3A_626 = tpu.memref_slice %arg3[%dma_wait3A_624, %dma_wait3A_625] : memref<10000x64xi32, #tpu.memory_space<hbm>> -> memref<80x64xi32, #tpu.memory_space<hbm>>
        %dma_wait3A_627 = arith.constant 0 : i32
        %dma_wait3A_628 = arith.constant 0 : i32
        %dma_wait3A_629 = tpu.memref_slice %arg11[%dma_wait3A_619, %dma_wait3A_627, %dma_wait3A_628] : memref<5x80x64xi32, #tpu.memory_space<vmem>> -> memref<1x80x64xi32, #tpu.memory_space<vmem>>
        %dma_wait3A_630 = tpu.memref_squeeze %dma_wait3A_629 : memref<1x80x64xi32, #tpu.memory_space<vmem>> -> memref<80x64xi32, #tpu.memory_space<vmem>>
        %dma_wait3A_631 = arith.constant 0 : i32
        %dma_wait3A_632 = arith.constant 0 : i32
        %dma_wait3A_633 = tpu.memref_slice %arg3[%dma_wait3A_631, %dma_wait3A_632] : memref<10000x64xi32, #tpu.memory_space<hbm>> -> memref<80x64xi32, #tpu.memory_space<hbm>>
        tpu.wait_dma2 semaphore(%arg13 : memref<!tpu.dma_semaphore, #tpu.memory_space<semaphore_mem>>) src(%dma_wait3A_633 : memref<80x64xi32, #tpu.memory_space<hbm>>) dst(%dma_wait3A_630 : memref<80x64xi32, #tpu.memory_space<vmem>>)
        %dma_wait3A_634 = arith.constant 3 : i32
        %dma_wait3A_635 = arith.constant 0 : i32
        %dma_wait3A_636 = arith.constant 0 : i32
        %dma_wait3A_637 = tpu.memref_slice %arg10[%dma_wait3A_634, %dma_wait3A_635, %dma_wait3A_636] : memref<5x80x64xi32, #tpu.memory_space<vmem>> -> memref<1x80x64xi32, #tpu.memory_space<vmem>>
        %dma_wait3A_638 = tpu.memref_squeeze %dma_wait3A_637 : memref<1x80x64xi32, #tpu.memory_space<vmem>> -> memref<80x64xi32, #tpu.memory_space<vmem>>
        %dma_wait3A_639 = arith.constant 0 : i32
        %dma_wait3A_640 = arith.constant 0 : i32
        %dma_wait3A_641 = tpu.memref_slice %arg2[%dma_wait3A_639, %dma_wait3A_640] : memref<10000x64xi32, #tpu.memory_space<hbm>> -> memref<80x64xi32, #tpu.memory_space<hbm>>
        %dma_wait3A_642 = arith.constant 0 : i32
        %dma_wait3A_643 = arith.constant 0 : i32
        %dma_wait3A_644 = tpu.memref_slice %arg10[%dma_wait3A_634, %dma_wait3A_642, %dma_wait3A_643] : memref<5x80x64xi32, #tpu.memory_space<vmem>> -> memref<1x80x64xi32, #tpu.memory_space<vmem>>
        %dma_wait3A_645 = tpu.memref_squeeze %dma_wait3A_644 : memref<1x80x64xi32, #tpu.memory_space<vmem>> -> memref<80x64xi32, #tpu.memory_space<vmem>>
        %dma_wait3A_646 = arith.constant 0 : i32
        %dma_wait3A_647 = arith.constant 0 : i32
        %dma_wait3A_648 = tpu.memref_slice %arg2[%dma_wait3A_646, %dma_wait3A_647] : memref<10000x64xi32, #tpu.memory_space<hbm>> -> memref<80x64xi32, #tpu.memory_space<hbm>>
        tpu.wait_dma2 semaphore(%arg13 : memref<!tpu.dma_semaphore, #tpu.memory_space<semaphore_mem>>) src(%dma_wait3A_648 : memref<80x64xi32, #tpu.memory_space<hbm>>) dst(%dma_wait3A_645 : memref<80x64xi32, #tpu.memory_space<vmem>>)
        %dma_wait3A_649 = arith.constant 3 : i32
        %dma_wait3A_650 = arith.constant 0 : i32
        %dma_wait3A_651 = arith.constant 0 : i32
        %dma_wait3A_652 = tpu.memref_slice %arg11[%dma_wait3A_649, %dma_wait3A_650, %dma_wait3A_651] : memref<5x80x64xi32, #tpu.memory_space<vmem>> -> memref<1x80x64xi32, #tpu.memory_space<vmem>>
        %dma_wait3A_653 = tpu.memref_squeeze %dma_wait3A_652 : memref<1x80x64xi32, #tpu.memory_space<vmem>> -> memref<80x64xi32, #tpu.memory_space<vmem>>
        %dma_wait3A_654 = arith.constant 0 : i32
        %dma_wait3A_655 = arith.constant 0 : i32
        %dma_wait3A_656 = tpu.memref_slice %arg3[%dma_wait3A_654, %dma_wait3A_655] : memref<10000x64xi32, #tpu.memory_space<hbm>> -> memref<80x64xi32, #tpu.memory_space<hbm>>
        %dma_wait3A_657 = arith.constant 0 : i32
        %dma_wait3A_658 = arith.constant 0 : i32
        %dma_wait3A_659 = tpu.memref_slice %arg11[%dma_wait3A_649, %dma_wait3A_657, %dma_wait3A_658] : memref<5x80x64xi32, #tpu.memory_space<vmem>> -> memref<1x80x64xi32, #tpu.memory_space<vmem>>
        %dma_wait3A_660 = tpu.memref_squeeze %dma_wait3A_659 : memref<1x80x64xi32, #tpu.memory_space<vmem>> -> memref<80x64xi32, #tpu.memory_space<vmem>>
        %dma_wait3A_661 = arith.constant 0 : i32
        %dma_wait3A_662 = arith.constant 0 : i32
        %dma_wait3A_663 = tpu.memref_slice %arg3[%dma_wait3A_661, %dma_wait3A_662] : memref<10000x64xi32, #tpu.memory_space<hbm>> -> memref<80x64xi32, #tpu.memory_space<hbm>>
        tpu.wait_dma2 semaphore(%arg13 : memref<!tpu.dma_semaphore, #tpu.memory_space<semaphore_mem>>) src(%dma_wait3A_663 : memref<80x64xi32, #tpu.memory_space<hbm>>) dst(%dma_wait3A_660 : memref<80x64xi32, #tpu.memory_space<vmem>>)
        %dma_wait3A_664 = arith.constant 4 : i32
        %dma_wait3A_665 = arith.constant 0 : i32
        %dma_wait3A_666 = arith.constant 0 : i32
        %dma_wait3A_667 = tpu.memref_slice %arg10[%dma_wait3A_664, %dma_wait3A_665, %dma_wait3A_666] : memref<5x80x64xi32, #tpu.memory_space<vmem>> -> memref<1x80x64xi32, #tpu.memory_space<vmem>>
        %dma_wait3A_668 = tpu.memref_squeeze %dma_wait3A_667 : memref<1x80x64xi32, #tpu.memory_space<vmem>> -> memref<80x64xi32, #tpu.memory_space<vmem>>
        %dma_wait3A_669 = arith.constant 0 : i32
        %dma_wait3A_670 = arith.constant 0 : i32
        %dma_wait3A_671 = tpu.memref_slice %arg2[%dma_wait3A_669, %dma_wait3A_670] : memref<10000x64xi32, #tpu.memory_space<hbm>> -> memref<80x64xi32, #tpu.memory_space<hbm>>
        %dma_wait3A_672 = arith.constant 0 : i32
        %dma_wait3A_673 = arith.constant 0 : i32
        %dma_wait3A_674 = tpu.memref_slice %arg10[%dma_wait3A_664, %dma_wait3A_672, %dma_wait3A_673] : memref<5x80x64xi32, #tpu.memory_space<vmem>> -> memref<1x80x64xi32, #tpu.memory_space<vmem>>
        %dma_wait3A_675 = tpu.memref_squeeze %dma_wait3A_674 : memref<1x80x64xi32, #tpu.memory_space<vmem>> -> memref<80x64xi32, #tpu.memory_space<vmem>>
        %dma_wait3A_676 = arith.constant 0 : i32
        %dma_wait3A_677 = arith.constant 0 : i32
        %dma_wait3A_678 = tpu.memref_slice %arg2[%dma_wait3A_676, %dma_wait3A_677] : memref<10000x64xi32, #tpu.memory_space<hbm>> -> memref<80x64xi32, #tpu.memory_space<hbm>>
        tpu.wait_dma2 semaphore(%arg13 : memref<!tpu.dma_semaphore, #tpu.memory_space<semaphore_mem>>) src(%dma_wait3A_678 : memref<80x64xi32, #tpu.memory_space<hbm>>) dst(%dma_wait3A_675 : memref<80x64xi32, #tpu.memory_space<vmem>>)
        %dma_wait3A_679 = arith.constant 4 : i32
        %dma_wait3A_680 = arith.constant 0 : i32
        %dma_wait3A_681 = arith.constant 0 : i32
        %dma_wait3A_682 = tpu.memref_slice %arg11[%dma_wait3A_679, %dma_wait3A_680, %dma_wait3A_681] : memref<5x80x64xi32, #tpu.memory_space<vmem>> -> memref<1x80x64xi32, #tpu.memory_space<vmem>>
        %dma_wait3A_683 = tpu.memref_squeeze %dma_wait3A_682 : memref<1x80x64xi32, #tpu.memory_space<vmem>> -> memref<80x64xi32, #tpu.memory_space<vmem>>
        %dma_wait3A_684 = arith.constant 0 : i32
        %dma_wait3A_685 = arith.constant 0 : i32
        %dma_wait3A_686 = tpu.memref_slice %arg3[%dma_wait3A_684, %dma_wait3A_685] : memref<10000x64xi32, #tpu.memory_space<hbm>> -> memref<80x64xi32, #tpu.memory_space<hbm>>
        %dma_wait3A_687 = arith.constant 0 : i32
        %dma_wait3A_688 = arith.constant 0 : i32
        %dma_wait3A_689 = tpu.memref_slice %arg11[%dma_wait3A_679, %dma_wait3A_687, %dma_wait3A_688] : memref<5x80x64xi32, #tpu.memory_space<vmem>> -> memref<1x80x64xi32, #tpu.memory_space<vmem>>
        %dma_wait3A_690 = tpu.memref_squeeze %dma_wait3A_689 : memref<1x80x64xi32, #tpu.memory_space<vmem>> -> memref<80x64xi32, #tpu.memory_space<vmem>>
        %dma_wait3A_691 = arith.constant 0 : i32
        %dma_wait3A_692 = arith.constant 0 : i32
        %dma_wait3A_693 = tpu.memref_slice %arg3[%dma_wait3A_691, %dma_wait3A_692] : memref<10000x64xi32, #tpu.memory_space<hbm>> -> memref<80x64xi32, #tpu.memory_space<hbm>>
        tpu.wait_dma2 semaphore(%arg13 : memref<!tpu.dma_semaphore, #tpu.memory_space<semaphore_mem>>) src(%dma_wait3A_693 : memref<80x64xi32, #tpu.memory_space<hbm>>) dst(%dma_wait3A_690 : memref<80x64xi32, #tpu.memory_space<vmem>>)
      } else {
      }
      %mul3A_160 = arith.constant 5 : i32
      %mul3A_161 = arith.muli %scan3A_157, %mul3A_160 : i32
      %add3A_162 = arith.constant 0 : i32
      %add3A_163 = arith.addi %mul3A_161, %add3A_162 : i32
      %mul3A_164 = arith.constant 80 : i32
      %mul3A_165 = arith.muli %add3A_163, %mul3A_164 : i32
      %dma_start3A = arith.constant 0 : i32
      %dma_start3A_166 = arith.constant 0 : i32
      %dma_start3A_167 = arith.constant 0 : i32
      %dma_start3A_168 = tpu.memref_slice %arg10[%dma_start3A, %dma_start3A_166, %dma_start3A_167] : memref<5x80x64xi32, #tpu.memory_space<vmem>> -> memref<1x80x64xi32, #tpu.memory_space<vmem>>
      %dma_start3A_169 = tpu.memref_squeeze %dma_start3A_168 : memref<1x80x64xi32, #tpu.memory_space<vmem>> -> memref<80x64xi32, #tpu.memory_space<vmem>>
      %dma_start3A_170 = tpu.memref_slice %arg8[%mul3A_165] : memref<10000xi32, #tpu.memory_space<vmem>> -> memref<80xi32, #tpu.memory_space<vmem>>
      %dma_start3A_171 = arith.constant 0 : i32
      %dma_start3A_172 = arith.constant 0 : i32
      %dma_start3A_173 = tpu.memref_slice %arg2[%dma_start3A_171, %dma_start3A_172] : memref<10000x64xi32, #tpu.memory_space<hbm>> -> memref<10000x64xi32, #tpu.memory_space<hbm>>
      tpu.enqueue_indirect_dma source(%dma_start3A_173 : memref<10000x64xi32, #tpu.memory_space<hbm>>) target(%dma_start3A_169 : memref<80x64xi32, #tpu.memory_space<vmem>>) offsets(%dma_start3A_170 : memref<80xi32, #tpu.memory_space<vmem>>) semaphore(%arg12 : memref<!tpu.dma_semaphore, #tpu.memory_space<semaphore_mem>>)
      %mul3A_174 = arith.constant 80 : i32
      %mul3A_175 = arith.muli %add3A_163, %mul3A_174 : i32
      %dma_start3A_176 = arith.constant 0 : i32
      %dma_start3A_177 = arith.constant 0 : i32
      %dma_start3A_178 = arith.constant 0 : i32
      %dma_start3A_179 = tpu.memref_slice %arg11[%dma_start3A_176, %dma_start3A_177, %dma_start3A_178] : memref<5x80x64xi32, #tpu.memory_space<vmem>> -> memref<1x80x64xi32, #tpu.memory_space<vmem>>
      %dma_start3A_180 = tpu.memref_squeeze %dma_start3A_179 : memref<1x80x64xi32, #tpu.memory_space<vmem>> -> memref<80x64xi32, #tpu.memory_space<vmem>>
      %dma_start3A_181 = tpu.memref_slice %arg9[%mul3A_175] : memref<10000xi32, #tpu.memory_space<vmem>> -> memref<80xi32, #tpu.memory_space<vmem>>
      %dma_start3A_182 = arith.constant 0 : i32
      %dma_start3A_183 = arith.constant 0 : i32
      %dma_start3A_184 = tpu.memref_slice %arg3[%dma_start3A_182, %dma_start3A_183] : memref<10000x64xi32, #tpu.memory_space<hbm>> -> memref<10000x64xi32, #tpu.memory_space<hbm>>
      tpu.enqueue_indirect_dma source(%dma_start3A_184 : memref<10000x64xi32, #tpu.memory_space<hbm>>) target(%dma_start3A_180 : memref<80x64xi32, #tpu.memory_space<vmem>>) offsets(%dma_start3A_181 : memref<80xi32, #tpu.memory_space<vmem>>) semaphore(%arg12 : memref<!tpu.dma_semaphore, #tpu.memory_space<semaphore_mem>>)
      %mul3A_185 = arith.constant 5 : i32
      %mul3A_186 = arith.muli %scan3A_157, %mul3A_185 : i32
      %add3A_187 = arith.constant 1 : i32
      %add3A_188 = arith.addi %mul3A_186, %add3A_187 : i32
      %mul3A_189 = arith.constant 80 : i32
      %mul3A_190 = arith.muli %add3A_188, %mul3A_189 : i32
      %dma_start3A_191 = arith.constant 1 : i32
      %dma_start3A_192 = arith.constant 0 : i32
      %dma_start3A_193 = arith.constant 0 : i32
      %dma_start3A_194 = tpu.memref_slice %arg10[%dma_start3A_191, %dma_start3A_192, %dma_start3A_193] : memref<5x80x64xi32, #tpu.memory_space<vmem>> -> memref<1x80x64xi32, #tpu.memory_space<vmem>>
      %dma_start3A_195 = tpu.memref_squeeze %dma_start3A_194 : memref<1x80x64xi32, #tpu.memory_space<vmem>> -> memref<80x64xi32, #tpu.memory_space<vmem>>
      %dma_start3A_196 = tpu.memref_slice %arg8[%mul3A_190] : memref<10000xi32, #tpu.memory_space<vmem>> -> memref<80xi32, #tpu.memory_space<vmem>>
      %dma_start3A_197 = arith.constant 0 : i32
      %dma_start3A_198 = arith.constant 0 : i32
      %dma_start3A_199 = tpu.memref_slice %arg2[%dma_start3A_197, %dma_start3A_198] : memref<10000x64xi32, #tpu.memory_space<hbm>> -> memref<10000x64xi32, #tpu.memory_space<hbm>>
      tpu.enqueue_indirect_dma source(%dma_start3A_199 : memref<10000x64xi32, #tpu.memory_space<hbm>>) target(%dma_start3A_195 : memref<80x64xi32, #tpu.memory_space<vmem>>) offsets(%dma_start3A_196 : memref<80xi32, #tpu.memory_space<vmem>>) semaphore(%arg12 : memref<!tpu.dma_semaphore, #tpu.memory_space<semaphore_mem>>)
      %mul3A_200 = arith.constant 80 : i32
      %mul3A_201 = arith.muli %add3A_188, %mul3A_200 : i32
      %dma_start3A_202 = arith.constant 1 : i32
      %dma_start3A_203 = arith.constant 0 : i32
      %dma_start3A_204 = arith.constant 0 : i32
      %dma_start3A_205 = tpu.memref_slice %arg11[%dma_start3A_202, %dma_start3A_203, %dma_start3A_204] : memref<5x80x64xi32, #tpu.memory_space<vmem>> -> memref<1x80x64xi32, #tpu.memory_space<vmem>>
      %dma_start3A_206 = tpu.memref_squeeze %dma_start3A_205 : memref<1x80x64xi32, #tpu.memory_space<vmem>> -> memref<80x64xi32, #tpu.memory_space<vmem>>
      %dma_start3A_207 = tpu.memref_slice %arg9[%mul3A_201] : memref<10000xi32, #tpu.memory_space<vmem>> -> memref<80xi32, #tpu.memory_space<vmem>>
      %dma_start3A_208 = arith.constant 0 : i32
      %dma_start3A_209 = arith.constant 0 : i32
      %dma_start3A_210 = tpu.memref_slice %arg3[%dma_start3A_208, %dma_start3A_209] : memref<10000x64xi32, #tpu.memory_space<hbm>> -> memref<10000x64xi32, #tpu.memory_space<hbm>>
      tpu.enqueue_indirect_dma source(%dma_start3A_210 : memref<10000x64xi32, #tpu.memory_space<hbm>>) target(%dma_start3A_206 : memref<80x64xi32, #tpu.memory_space<vmem>>) offsets(%dma_start3A_207 : memref<80xi32, #tpu.memory_space<vmem>>) semaphore(%arg12 : memref<!tpu.dma_semaphore, #tpu.memory_space<semaphore_mem>>)
      %mul3A_211 = arith.constant 5 : i32
      %mul3A_212 = arith.muli %scan3A_157, %mul3A_211 : i32
      %add3A_213 = arith.constant 2 : i32
      %add3A_214 = arith.addi %mul3A_212, %add3A_213 : i32
      %mul3A_215 = arith.constant 80 : i32
      %mul3A_216 = arith.muli %add3A_214, %mul3A_215 : i32
      %dma_start3A_217 = arith.constant 2 : i32
      %dma_start3A_218 = arith.constant 0 : i32
      %dma_start3A_219 = arith.constant 0 : i32
      %dma_start3A_220 = tpu.memref_slice %arg10[%dma_start3A_217, %dma_start3A_218, %dma_start3A_219] : memref<5x80x64xi32, #tpu.memory_space<vmem>> -> memref<1x80x64xi32, #tpu.memory_space<vmem>>
      %dma_start3A_221 = tpu.memref_squeeze %dma_start3A_220 : memref<1x80x64xi32, #tpu.memory_space<vmem>> -> memref<80x64xi32, #tpu.memory_space<vmem>>
      %dma_start3A_222 = tpu.memref_slice %arg8[%mul3A_216] : memref<10000xi32, #tpu.memory_space<vmem>> -> memref<80xi32, #tpu.memory_space<vmem>>
      %dma_start3A_223 = arith.constant 0 : i32
      %dma_start3A_224 = arith.constant 0 : i32
      %dma_start3A_225 = tpu.memref_slice %arg2[%dma_start3A_223, %dma_start3A_224] : memref<10000x64xi32, #tpu.memory_space<hbm>> -> memref<10000x64xi32, #tpu.memory_space<hbm>>
      tpu.enqueue_indirect_dma source(%dma_start3A_225 : memref<10000x64xi32, #tpu.memory_space<hbm>>) target(%dma_start3A_221 : memref<80x64xi32, #tpu.memory_space<vmem>>) offsets(%dma_start3A_222 : memref<80xi32, #tpu.memory_space<vmem>>) semaphore(%arg12 : memref<!tpu.dma_semaphore, #tpu.memory_space<semaphore_mem>>)
      %mul3A_226 = arith.constant 80 : i32
      %mul3A_227 = arith.muli %add3A_214, %mul3A_226 : i32
      %dma_start3A_228 = arith.constant 2 : i32
      %dma_start3A_229 = arith.constant 0 : i32
      %dma_start3A_230 = arith.constant 0 : i32
      %dma_start3A_231 = tpu.memref_slice %arg11[%dma_start3A_228, %dma_start3A_229, %dma_start3A_230] : memref<5x80x64xi32, #tpu.memory_space<vmem>> -> memref<1x80x64xi32, #tpu.memory_space<vmem>>
      %dma_start3A_232 = tpu.memref_squeeze %dma_start3A_231 : memref<1x80x64xi32, #tpu.memory_space<vmem>> -> memref<80x64xi32, #tpu.memory_space<vmem>>
      %dma_start3A_233 = tpu.memref_slice %arg9[%mul3A_227] : memref<10000xi32, #tpu.memory_space<vmem>> -> memref<80xi32, #tpu.memory_space<vmem>>
      %dma_start3A_234 = arith.constant 0 : i32
      %dma_start3A_235 = arith.constant 0 : i32
      %dma_start3A_236 = tpu.memref_slice %arg3[%dma_start3A_234, %dma_start3A_235] : memref<10000x64xi32, #tpu.memory_space<hbm>> -> memref<10000x64xi32, #tpu.memory_space<hbm>>
      tpu.enqueue_indirect_dma source(%dma_start3A_236 : memref<10000x64xi32, #tpu.memory_space<hbm>>) target(%dma_start3A_232 : memref<80x64xi32, #tpu.memory_space<vmem>>) offsets(%dma_start3A_233 : memref<80xi32, #tpu.memory_space<vmem>>) semaphore(%arg12 : memref<!tpu.dma_semaphore, #tpu.memory_space<semaphore_mem>>)
      %mul3A_237 = arith.constant 5 : i32
      %mul3A_238 = arith.muli %scan3A_157, %mul3A_237 : i32
      %add3A_239 = arith.constant 3 : i32
      %add3A_240 = arith.addi %mul3A_238, %add3A_239 : i32
      %mul3A_241 = arith.constant 80 : i32
      %mul3A_242 = arith.muli %add3A_240, %mul3A_241 : i32
      %dma_start3A_243 = arith.constant 3 : i32
      %dma_start3A_244 = arith.constant 0 : i32
      %dma_start3A_245 = arith.constant 0 : i32
      %dma_start3A_246 = tpu.memref_slice %arg10[%dma_start3A_243, %dma_start3A_244, %dma_start3A_245] : memref<5x80x64xi32, #tpu.memory_space<vmem>> -> memref<1x80x64xi32, #tpu.memory_space<vmem>>
      %dma_start3A_247 = tpu.memref_squeeze %dma_start3A_246 : memref<1x80x64xi32, #tpu.memory_space<vmem>> -> memref<80x64xi32, #tpu.memory_space<vmem>>
      %dma_start3A_248 = tpu.memref_slice %arg8[%mul3A_242] : memref<10000xi32, #tpu.memory_space<vmem>> -> memref<80xi32, #tpu.memory_space<vmem>>
      %dma_start3A_249 = arith.constant 0 : i32
      %dma_start3A_250 = arith.constant 0 : i32
      %dma_start3A_251 = tpu.memref_slice %arg2[%dma_start3A_249, %dma_start3A_250] : memref<10000x64xi32, #tpu.memory_space<hbm>> -> memref<10000x64xi32, #tpu.memory_space<hbm>>
      tpu.enqueue_indirect_dma source(%dma_start3A_251 : memref<10000x64xi32, #tpu.memory_space<hbm>>) target(%dma_start3A_247 : memref<80x64xi32, #tpu.memory_space<vmem>>) offsets(%dma_start3A_248 : memref<80xi32, #tpu.memory_space<vmem>>) semaphore(%arg12 : memref<!tpu.dma_semaphore, #tpu.memory_space<semaphore_mem>>)
      %mul3A_252 = arith.constant 80 : i32
      %mul3A_253 = arith.muli %add3A_240, %mul3A_252 : i32
      %dma_start3A_254 = arith.constant 3 : i32
      %dma_start3A_255 = arith.constant 0 : i32
      %dma_start3A_256 = arith.constant 0 : i32
      %dma_start3A_257 = tpu.memref_slice %arg11[%dma_start3A_254, %dma_start3A_255, %dma_start3A_256] : memref<5x80x64xi32, #tpu.memory_space<vmem>> -> memref<1x80x64xi32, #tpu.memory_space<vmem>>
      %dma_start3A_258 = tpu.memref_squeeze %dma_start3A_257 : memref<1x80x64xi32, #tpu.memory_space<vmem>> -> memref<80x64xi32, #tpu.memory_space<vmem>>
      %dma_start3A_259 = tpu.memref_slice %arg9[%mul3A_253] : memref<10000xi32, #tpu.memory_space<vmem>> -> memref<80xi32, #tpu.memory_space<vmem>>
      %dma_start3A_260 = arith.constant 0 : i32
      %dma_start3A_261 = arith.constant 0 : i32
      %dma_start3A_262 = tpu.memref_slice %arg3[%dma_start3A_260, %dma_start3A_261] : memref<10000x64xi32, #tpu.memory_space<hbm>> -> memref<10000x64xi32, #tpu.memory_space<hbm>>
      tpu.enqueue_indirect_dma source(%dma_start3A_262 : memref<10000x64xi32, #tpu.memory_space<hbm>>) target(%dma_start3A_258 : memref<80x64xi32, #tpu.memory_space<vmem>>) offsets(%dma_start3A_259 : memref<80xi32, #tpu.memory_space<vmem>>) semaphore(%arg12 : memref<!tpu.dma_semaphore, #tpu.memory_space<semaphore_mem>>)
      %mul3A_263 = arith.constant 5 : i32
      %mul3A_264 = arith.muli %scan3A_157, %mul3A_263 : i32
      %add3A_265 = arith.constant 4 : i32
      %add3A_266 = arith.addi %mul3A_264, %add3A_265 : i32
      %mul3A_267 = arith.constant 80 : i32
      %mul3A_268 = arith.muli %add3A_266, %mul3A_267 : i32
      %dma_start3A_269 = arith.constant 4 : i32
      %dma_start3A_270 = arith.constant 0 : i32
      %dma_start3A_271 = arith.constant 0 : i32
      %dma_start3A_272 = tpu.memref_slice %arg10[%dma_start3A_269, %dma_start3A_270, %dma_start3A_271] : memref<5x80x64xi32, #tpu.memory_space<vmem>> -> memref<1x80x64xi32, #tpu.memory_space<vmem>>
      %dma_start3A_273 = tpu.memref_squeeze %dma_start3A_272 : memref<1x80x64xi32, #tpu.memory_space<vmem>> -> memref<80x64xi32, #tpu.memory_space<vmem>>
      %dma_start3A_274 = tpu.memref_slice %arg8[%mul3A_268] : memref<10000xi32, #tpu.memory_space<vmem>> -> memref<80xi32, #tpu.memory_space<vmem>>
      %dma_start3A_275 = arith.constant 0 : i32
      %dma_start3A_276 = arith.constant 0 : i32
      %dma_start3A_277 = tpu.memref_slice %arg2[%dma_start3A_275, %dma_start3A_276] : memref<10000x64xi32, #tpu.memory_space<hbm>> -> memref<10000x64xi32, #tpu.memory_space<hbm>>
      tpu.enqueue_indirect_dma source(%dma_start3A_277 : memref<10000x64xi32, #tpu.memory_space<hbm>>) target(%dma_start3A_273 : memref<80x64xi32, #tpu.memory_space<vmem>>) offsets(%dma_start3A_274 : memref<80xi32, #tpu.memory_space<vmem>>) semaphore(%arg12 : memref<!tpu.dma_semaphore, #tpu.memory_space<semaphore_mem>>)
      %mul3A_278 = arith.constant 80 : i32
      %mul3A_279 = arith.muli %add3A_266, %mul3A_278 : i32
      %dma_start3A_280 = arith.constant 4 : i32
      %dma_start3A_281 = arith.constant 0 : i32
      %dma_start3A_282 = arith.constant 0 : i32
      %dma_start3A_283 = tpu.memref_slice %arg11[%dma_start3A_280, %dma_start3A_281, %dma_start3A_282] : memref<5x80x64xi32, #tpu.memory_space<vmem>> -> memref<1x80x64xi32, #tpu.memory_space<vmem>>
      %dma_start3A_284 = tpu.memref_squeeze %dma_start3A_283 : memref<1x80x64xi32, #tpu.memory_space<vmem>> -> memref<80x64xi32, #tpu.memory_space<vmem>>
      %dma_start3A_285 = tpu.memref_slice %arg9[%mul3A_279] : memref<10000xi32, #tpu.memory_space<vmem>> -> memref<80xi32, #tpu.memory_space<vmem>>
      %dma_start3A_286 = arith.constant 0 : i32
      %dma_start3A_287 = arith.constant 0 : i32
      %dma_start3A_288 = tpu.memref_slice %arg3[%dma_start3A_286, %dma_start3A_287] : memref<10000x64xi32, #tpu.memory_space<hbm>> -> memref<10000x64xi32, #tpu.memory_space<hbm>>
      tpu.enqueue_indirect_dma source(%dma_start3A_288 : memref<10000x64xi32, #tpu.memory_space<hbm>>) target(%dma_start3A_284 : memref<80x64xi32, #tpu.memory_space<vmem>>) offsets(%dma_start3A_285 : memref<80xi32, #tpu.memory_space<vmem>>) semaphore(%arg12 : memref<!tpu.dma_semaphore, #tpu.memory_space<semaphore_mem>>)
      %dma_wait3A_289 = arith.constant 0 : i32
      %dma_wait3A_290 = arith.constant 0 : i32
      %dma_wait3A_291 = arith.constant 0 : i32
      %dma_wait3A_292 = tpu.memref_slice %arg10[%dma_wait3A_289, %dma_wait3A_290, %dma_wait3A_291] : memref<5x80x64xi32, #tpu.memory_space<vmem>> -> memref<1x80x64xi32, #tpu.memory_space<vmem>>
      %dma_wait3A_293 = tpu.memref_squeeze %dma_wait3A_292 : memref<1x80x64xi32, #tpu.memory_space<vmem>> -> memref<80x64xi32, #tpu.memory_space<vmem>>
      %dma_wait3A_294 = tpu.memref_slice %arg8[%mul3A_165] : memref<10000xi32, #tpu.memory_space<vmem>> -> memref<80xi32, #tpu.memory_space<vmem>>
      %dma_wait3A_295 = arith.constant 0 : i32
      %dma_wait3A_296 = arith.constant 0 : i32
      %dma_wait3A_297 = tpu.memref_slice %arg2[%dma_wait3A_295, %dma_wait3A_296] : memref<10000x64xi32, #tpu.memory_space<hbm>> -> memref<10000x64xi32, #tpu.memory_space<hbm>>
      tpu.wait_indirect_dma semaphore(%arg12 : memref<!tpu.dma_semaphore, #tpu.memory_space<semaphore_mem>>) src(%dma_wait3A_297 : memref<10000x64xi32, #tpu.memory_space<hbm>>) dst(%dma_wait3A_293 : memref<80x64xi32, #tpu.memory_space<vmem>>)
      %dma_wait3A_298 = arith.constant 0 : i32
      %dma_wait3A_299 = arith.constant 0 : i32
      %dma_wait3A_300 = arith.constant 0 : i32
      %dma_wait3A_301 = tpu.memref_slice %arg11[%dma_wait3A_298, %dma_wait3A_299, %dma_wait3A_300] : memref<5x80x64xi32, #tpu.memory_space<vmem>> -> memref<1x80x64xi32, #tpu.memory_space<vmem>>
      %dma_wait3A_302 = tpu.memref_squeeze %dma_wait3A_301 : memref<1x80x64xi32, #tpu.memory_space<vmem>> -> memref<80x64xi32, #tpu.memory_space<vmem>>
      %dma_wait3A_303 = tpu.memref_slice %arg9[%mul3A_175] : memref<10000xi32, #tpu.memory_space<vmem>> -> memref<80xi32, #tpu.memory_space<vmem>>
      %dma_wait3A_304 = arith.constant 0 : i32
      %dma_wait3A_305 = arith.constant 0 : i32
      %dma_wait3A_306 = tpu.memref_slice %arg3[%dma_wait3A_304, %dma_wait3A_305] : memref<10000x64xi32, #tpu.memory_space<hbm>> -> memref<10000x64xi32, #tpu.memory_space<hbm>>
      tpu.wait_indirect_dma semaphore(%arg12 : memref<!tpu.dma_semaphore, #tpu.memory_space<semaphore_mem>>) src(%dma_wait3A_306 : memref<10000x64xi32, #tpu.memory_space<hbm>>) dst(%dma_wait3A_302 : memref<80x64xi32, #tpu.memory_space<vmem>>)
      %dma_wait3A_307 = arith.constant 1 : i32
      %dma_wait3A_308 = arith.constant 0 : i32
      %dma_wait3A_309 = arith.constant 0 : i32
      %dma_wait3A_310 = tpu.memref_slice %arg10[%dma_wait3A_307, %dma_wait3A_308, %dma_wait3A_309] : memref<5x80x64xi32, #tpu.memory_space<vmem>> -> memref<1x80x64xi32, #tpu.memory_space<vmem>>
      %dma_wait3A_311 = tpu.memref_squeeze %dma_wait3A_310 : memref<1x80x64xi32, #tpu.memory_space<vmem>> -> memref<80x64xi32, #tpu.memory_space<vmem>>
      %dma_wait3A_312 = tpu.memref_slice %arg8[%mul3A_190] : memref<10000xi32, #tpu.memory_space<vmem>> -> memref<80xi32, #tpu.memory_space<vmem>>
      %dma_wait3A_313 = arith.constant 0 : i32
      %dma_wait3A_314 = arith.constant 0 : i32
      %dma_wait3A_315 = tpu.memref_slice %arg2[%dma_wait3A_313, %dma_wait3A_314] : memref<10000x64xi32, #tpu.memory_space<hbm>> -> memref<10000x64xi32, #tpu.memory_space<hbm>>
      tpu.wait_indirect_dma semaphore(%arg12 : memref<!tpu.dma_semaphore, #tpu.memory_space<semaphore_mem>>) src(%dma_wait3A_315 : memref<10000x64xi32, #tpu.memory_space<hbm>>) dst(%dma_wait3A_311 : memref<80x64xi32, #tpu.memory_space<vmem>>)
      %dma_wait3A_316 = arith.constant 1 : i32
      %dma_wait3A_317 = arith.constant 0 : i32
      %dma_wait3A_318 = arith.constant 0 : i32
      %dma_wait3A_319 = tpu.memref_slice %arg11[%dma_wait3A_316, %dma_wait3A_317, %dma_wait3A_318] : memref<5x80x64xi32, #tpu.memory_space<vmem>> -> memref<1x80x64xi32, #tpu.memory_space<vmem>>
      %dma_wait3A_320 = tpu.memref_squeeze %dma_wait3A_319 : memref<1x80x64xi32, #tpu.memory_space<vmem>> -> memref<80x64xi32, #tpu.memory_space<vmem>>
      %dma_wait3A_321 = tpu.memref_slice %arg9[%mul3A_201] : memref<10000xi32, #tpu.memory_space<vmem>> -> memref<80xi32, #tpu.memory_space<vmem>>
      %dma_wait3A_322 = arith.constant 0 : i32
      %dma_wait3A_323 = arith.constant 0 : i32
      %dma_wait3A_324 = tpu.memref_slice %arg3[%dma_wait3A_322, %dma_wait3A_323] : memref<10000x64xi32, #tpu.memory_space<hbm>> -> memref<10000x64xi32, #tpu.memory_space<hbm>>
      tpu.wait_indirect_dma semaphore(%arg12 : memref<!tpu.dma_semaphore, #tpu.memory_space<semaphore_mem>>) src(%dma_wait3A_324 : memref<10000x64xi32, #tpu.memory_space<hbm>>) dst(%dma_wait3A_320 : memref<80x64xi32, #tpu.memory_space<vmem>>)
      %dma_wait3A_325 = arith.constant 2 : i32
      %dma_wait3A_326 = arith.constant 0 : i32
      %dma_wait3A_327 = arith.constant 0 : i32
      %dma_wait3A_328 = tpu.memref_slice %arg10[%dma_wait3A_325, %dma_wait3A_326, %dma_wait3A_327] : memref<5x80x64xi32, #tpu.memory_space<vmem>> -> memref<1x80x64xi32, #tpu.memory_space<vmem>>
      %dma_wait3A_329 = tpu.memref_squeeze %dma_wait3A_328 : memref<1x80x64xi32, #tpu.memory_space<vmem>> -> memref<80x64xi32, #tpu.memory_space<vmem>>
      %dma_wait3A_330 = tpu.memref_slice %arg8[%mul3A_216] : memref<10000xi32, #tpu.memory_space<vmem>> -> memref<80xi32, #tpu.memory_space<vmem>>
      %dma_wait3A_331 = arith.constant 0 : i32
      %dma_wait3A_332 = arith.constant 0 : i32
      %dma_wait3A_333 = tpu.memref_slice %arg2[%dma_wait3A_331, %dma_wait3A_332] : memref<10000x64xi32, #tpu.memory_space<hbm>> -> memref<10000x64xi32, #tpu.memory_space<hbm>>
      tpu.wait_indirect_dma semaphore(%arg12 : memref<!tpu.dma_semaphore, #tpu.memory_space<semaphore_mem>>) src(%dma_wait3A_333 : memref<10000x64xi32, #tpu.memory_space<hbm>>) dst(%dma_wait3A_329 : memref<80x64xi32, #tpu.memory_space<vmem>>)
      %dma_wait3A_334 = arith.constant 2 : i32
      %dma_wait3A_335 = arith.constant 0 : i32
      %dma_wait3A_336 = arith.constant 0 : i32
      %dma_wait3A_337 = tpu.memref_slice %arg11[%dma_wait3A_334, %dma_wait3A_335, %dma_wait3A_336] : memref<5x80x64xi32, #tpu.memory_space<vmem>> -> memref<1x80x64xi32, #tpu.memory_space<vmem>>
      %dma_wait3A_338 = tpu.memref_squeeze %dma_wait3A_337 : memref<1x80x64xi32, #tpu.memory_space<vmem>> -> memref<80x64xi32, #tpu.memory_space<vmem>>
      %dma_wait3A_339 = tpu.memref_slice %arg9[%mul3A_227] : memref<10000xi32, #tpu.memory_space<vmem>> -> memref<80xi32, #tpu.memory_space<vmem>>
      %dma_wait3A_340 = arith.constant 0 : i32
      %dma_wait3A_341 = arith.constant 0 : i32
      %dma_wait3A_342 = tpu.memref_slice %arg3[%dma_wait3A_340, %dma_wait3A_341] : memref<10000x64xi32, #tpu.memory_space<hbm>> -> memref<10000x64xi32, #tpu.memory_space<hbm>>
      tpu.wait_indirect_dma semaphore(%arg12 : memref<!tpu.dma_semaphore, #tpu.memory_space<semaphore_mem>>) src(%dma_wait3A_342 : memref<10000x64xi32, #tpu.memory_space<hbm>>) dst(%dma_wait3A_338 : memref<80x64xi32, #tpu.memory_space<vmem>>)
      %dma_wait3A_343 = arith.constant 3 : i32
      %dma_wait3A_344 = arith.constant 0 : i32
      %dma_wait3A_345 = arith.constant 0 : i32
      %dma_wait3A_346 = tpu.memref_slice %arg10[%dma_wait3A_343, %dma_wait3A_344, %dma_wait3A_345] : memref<5x80x64xi32, #tpu.memory_space<vmem>> -> memref<1x80x64xi32, #tpu.memory_space<vmem>>
      %dma_wait3A_347 = tpu.memref_squeeze %dma_wait3A_346 : memref<1x80x64xi32, #tpu.memory_space<vmem>> -> memref<80x64xi32, #tpu.memory_space<vmem>>
      %dma_wait3A_348 = tpu.memref_slice %arg8[%mul3A_242] : memref<10000xi32, #tpu.memory_space<vmem>> -> memref<80xi32, #tpu.memory_space<vmem>>
      %dma_wait3A_349 = arith.constant 0 : i32
      %dma_wait3A_350 = arith.constant 0 : i32
      %dma_wait3A_351 = tpu.memref_slice %arg2[%dma_wait3A_349, %dma_wait3A_350] : memref<10000x64xi32, #tpu.memory_space<hbm>> -> memref<10000x64xi32, #tpu.memory_space<hbm>>
      tpu.wait_indirect_dma semaphore(%arg12 : memref<!tpu.dma_semaphore, #tpu.memory_space<semaphore_mem>>) src(%dma_wait3A_351 : memref<10000x64xi32, #tpu.memory_space<hbm>>) dst(%dma_wait3A_347 : memref<80x64xi32, #tpu.memory_space<vmem>>)
      %dma_wait3A_352 = arith.constant 3 : i32
      %dma_wait3A_353 = arith.constant 0 : i32
      %dma_wait3A_354 = arith.constant 0 : i32
      %dma_wait3A_355 = tpu.memref_slice %arg11[%dma_wait3A_352, %dma_wait3A_353, %dma_wait3A_354] : memref<5x80x64xi32, #tpu.memory_space<vmem>> -> memref<1x80x64xi32, #tpu.memory_space<vmem>>
      %dma_wait3A_356 = tpu.memref_squeeze %dma_wait3A_355 : memref<1x80x64xi32, #tpu.memory_space<vmem>> -> memref<80x64xi32, #tpu.memory_space<vmem>>
      %dma_wait3A_357 = tpu.memref_slice %arg9[%mul3A_253] : memref<10000xi32, #tpu.memory_space<vmem>> -> memref<80xi32, #tpu.memory_space<vmem>>
      %dma_wait3A_358 = arith.constant 0 : i32
      %dma_wait3A_359 = arith.constant 0 : i32
      %dma_wait3A_360 = tpu.memref_slice %arg3[%dma_wait3A_358, %dma_wait3A_359] : memref<10000x64xi32, #tpu.memory_space<hbm>> -> memref<10000x64xi32, #tpu.memory_space<hbm>>
      tpu.wait_indirect_dma semaphore(%arg12 : memref<!tpu.dma_semaphore, #tpu.memory_space<semaphore_mem>>) src(%dma_wait3A_360 : memref<10000x64xi32, #tpu.memory_space<hbm>>) dst(%dma_wait3A_356 : memref<80x64xi32, #tpu.memory_space<vmem>>)
      %dma_wait3A_361 = arith.constant 4 : i32
      %dma_wait3A_362 = arith.constant 0 : i32
      %dma_wait3A_363 = arith.constant 0 : i32
      %dma_wait3A_364 = tpu.memref_slice %arg10[%dma_wait3A_361, %dma_wait3A_362, %dma_wait3A_363] : memref<5x80x64xi32, #tpu.memory_space<vmem>> -> memref<1x80x64xi32, #tpu.memory_space<vmem>>
      %dma_wait3A_365 = tpu.memref_squeeze %dma_wait3A_364 : memref<1x80x64xi32, #tpu.memory_space<vmem>> -> memref<80x64xi32, #tpu.memory_space<vmem>>
      %dma_wait3A_366 = tpu.memref_slice %arg8[%mul3A_268] : memref<10000xi32, #tpu.memory_space<vmem>> -> memref<80xi32, #tpu.memory_space<vmem>>
      %dma_wait3A_367 = arith.constant 0 : i32
      %dma_wait3A_368 = arith.constant 0 : i32
      %dma_wait3A_369 = tpu.memref_slice %arg2[%dma_wait3A_367, %dma_wait3A_368] : memref<10000x64xi32, #tpu.memory_space<hbm>> -> memref<10000x64xi32, #tpu.memory_space<hbm>>
      tpu.wait_indirect_dma semaphore(%arg12 : memref<!tpu.dma_semaphore, #tpu.memory_space<semaphore_mem>>) src(%dma_wait3A_369 : memref<10000x64xi32, #tpu.memory_space<hbm>>) dst(%dma_wait3A_365 : memref<80x64xi32, #tpu.memory_space<vmem>>)
      %dma_wait3A_370 = arith.constant 4 : i32
      %dma_wait3A_371 = arith.constant 0 : i32
      %dma_wait3A_372 = arith.constant 0 : i32
      %dma_wait3A_373 = tpu.memref_slice %arg11[%dma_wait3A_370, %dma_wait3A_371, %dma_wait3A_372] : memref<5x80x64xi32, #tpu.memory_space<vmem>> -> memref<1x80x64xi32, #tpu.memory_space<vmem>>
      %dma_wait3A_374 = tpu.memref_squeeze %dma_wait3A_373 : memref<1x80x64xi32, #tpu.memory_space<vmem>> -> memref<80x64xi32, #tpu.memory_space<vmem>>
      %dma_wait3A_375 = tpu.memref_slice %arg9[%mul3A_279] : memref<10000xi32, #tpu.memory_space<vmem>> -> memref<80xi32, #tpu.memory_space<vmem>>
      %dma_wait3A_376 = arith.constant 0 : i32
      %dma_wait3A_377 = arith.constant 0 : i32
      %dma_wait3A_378 = tpu.memref_slice %arg3[%dma_wait3A_376, %dma_wait3A_377] : memref<10000x64xi32, #tpu.memory_space<hbm>> -> memref<10000x64xi32, #tpu.memory_space<hbm>>
      tpu.wait_indirect_dma semaphore(%arg12 : memref<!tpu.dma_semaphore, #tpu.memory_space<semaphore_mem>>) src(%dma_wait3A_378 : memref<10000x64xi32, #tpu.memory_space<hbm>>) dst(%dma_wait3A_374 : memref<80x64xi32, #tpu.memory_space<vmem>>)
      %mul3A_379 = arith.constant 5 : i32
      %mul3A_380 = arith.muli %scan3A_157, %mul3A_379 : i32
      %add3A_381 = arith.constant 0 : i32
      %add3A_382 = arith.addi %mul3A_380, %add3A_381 : i32
      %mul3A_383 = arith.constant 80 : i32
      %mul3A_384 = arith.muli %add3A_382, %mul3A_383 : i32
      %add3A_385 = arith.addi %mul3A_2, %mul3A_384 : i32
      %dma_start3A_386 = arith.constant 0 : i32
      %dma_start3A_387 = arith.constant 0 : i32
      %dma_start3A_388 = arith.constant 0 : i32
      %dma_start3A_389 = tpu.memref_slice %arg10[%dma_start3A_386, %dma_start3A_387, %dma_start3A_388] : memref<5x80x64xi32, #tpu.memory_space<vmem>> -> memref<1x80x64xi32, #tpu.memory_space<vmem>>
      %dma_start3A_390 = tpu.memref_squeeze %dma_start3A_389 : memref<1x80x64xi32, #tpu.memory_space<vmem>> -> memref<80x64xi32, #tpu.memory_space<vmem>>
      %dma_start3A_391 = arith.constant 0 : i32
      %dma_start3A_392 = tpu.memref_slice %arg6[%add3A_385, %dma_start3A_391] : memref<320000x64xi32, #tpu.memory_space<hbm>> -> memref<80x64xi32, #tpu.memory_space<hbm>>
      %dma_start3A_393 = arith.constant 0 : i32
      %dma_start3A_394 = tpu.memref_slice %arg6[%add3A_385, %dma_start3A_393] : memref<320000x64xi32, #tpu.memory_space<hbm>> -> memref<80x64xi32, #tpu.memory_space<hbm>>
      %dma_start3A_395 = arith.constant 0 : i32
      %dma_start3A_396 = arith.constant 0 : i32
      %dma_start3A_397 = tpu.memref_slice %arg10[%dma_start3A_386, %dma_start3A_395, %dma_start3A_396] : memref<5x80x64xi32, #tpu.memory_space<vmem>> -> memref<1x80x64xi32, #tpu.memory_space<vmem>>
      %dma_start3A_398 = tpu.memref_squeeze %dma_start3A_397 : memref<1x80x64xi32, #tpu.memory_space<vmem>> -> memref<80x64xi32, #tpu.memory_space<vmem>>
      tpu.enqueue_dma source(%dma_start3A_398 : memref<80x64xi32, #tpu.memory_space<vmem>>) target(%dma_start3A_394 : memref<80x64xi32, #tpu.memory_space<hbm>>) target_semaphore(%arg13 : memref<!tpu.dma_semaphore, #tpu.memory_space<semaphore_mem>>)
      %dma_start3A_399 = arith.constant 0 : i32
      %dma_start3A_400 = arith.constant 0 : i32
      %dma_start3A_401 = arith.constant 0 : i32
      %dma_start3A_402 = tpu.memref_slice %arg11[%dma_start3A_399, %dma_start3A_400, %dma_start3A_401] : memref<5x80x64xi32, #tpu.memory_space<vmem>> -> memref<1x80x64xi32, #tpu.memory_space<vmem>>
      %dma_start3A_403 = tpu.memref_squeeze %dma_start3A_402 : memref<1x80x64xi32, #tpu.memory_space<vmem>> -> memref<80x64xi32, #tpu.memory_space<vmem>>
      %dma_start3A_404 = arith.constant 0 : i32
      %dma_start3A_405 = tpu.memref_slice %arg7[%add3A_385, %dma_start3A_404] : memref<320000x64xi32, #tpu.memory_space<hbm>> -> memref<80x64xi32, #tpu.memory_space<hbm>>
      %dma_start3A_406 = arith.constant 0 : i32
      %dma_start3A_407 = tpu.memref_slice %arg7[%add3A_385, %dma_start3A_406] : memref<320000x64xi32, #tpu.memory_space<hbm>> -> memref<80x64xi32, #tpu.memory_space<hbm>>
      %dma_start3A_408 = arith.constant 0 : i32
      %dma_start3A_409 = arith.constant 0 : i32
      %dma_start3A_410 = tpu.memref_slice %arg11[%dma_start3A_399, %dma_start3A_408, %dma_start3A_409] : memref<5x80x64xi32, #tpu.memory_space<vmem>> -> memref<1x80x64xi32, #tpu.memory_space<vmem>>
      %dma_start3A_411 = tpu.memref_squeeze %dma_start3A_410 : memref<1x80x64xi32, #tpu.memory_space<vmem>> -> memref<80x64xi32, #tpu.memory_space<vmem>>
      tpu.enqueue_dma source(%dma_start3A_411 : memref<80x64xi32, #tpu.memory_space<vmem>>) target(%dma_start3A_407 : memref<80x64xi32, #tpu.memory_space<hbm>>) target_semaphore(%arg13 : memref<!tpu.dma_semaphore, #tpu.memory_space<semaphore_mem>>)
      %mul3A_412 = arith.constant 5 : i32
      %mul3A_413 = arith.muli %scan3A_157, %mul3A_412 : i32
      %add3A_414 = arith.constant 1 : i32
      %add3A_415 = arith.addi %mul3A_413, %add3A_414 : i32
      %mul3A_416 = arith.constant 80 : i32
      %mul3A_417 = arith.muli %add3A_415, %mul3A_416 : i32
      %add3A_418 = arith.addi %mul3A_2, %mul3A_417 : i32
      %dma_start3A_419 = arith.constant 1 : i32
      %dma_start3A_420 = arith.constant 0 : i32
      %dma_start3A_421 = arith.constant 0 : i32
      %dma_start3A_422 = tpu.memref_slice %arg10[%dma_start3A_419, %dma_start3A_420, %dma_start3A_421] : memref<5x80x64xi32, #tpu.memory_space<vmem>> -> memref<1x80x64xi32, #tpu.memory_space<vmem>>
      %dma_start3A_423 = tpu.memref_squeeze %dma_start3A_422 : memref<1x80x64xi32, #tpu.memory_space<vmem>> -> memref<80x64xi32, #tpu.memory_space<vmem>>
      %dma_start3A_424 = arith.constant 0 : i32
      %dma_start3A_425 = tpu.memref_slice %arg6[%add3A_418, %dma_start3A_424] : memref<320000x64xi32, #tpu.memory_space<hbm>> -> memref<80x64xi32, #tpu.memory_space<hbm>>
      %dma_start3A_426 = arith.constant 0 : i32
      %dma_start3A_427 = tpu.memref_slice %arg6[%add3A_418, %dma_start3A_426] : memref<320000x64xi32, #tpu.memory_space<hbm>> -> memref<80x64xi32, #tpu.memory_space<hbm>>
      %dma_start3A_428 = arith.constant 0 : i32
      %dma_start3A_429 = arith.constant 0 : i32
      %dma_start3A_430 = tpu.memref_slice %arg10[%dma_start3A_419, %dma_start3A_428, %dma_start3A_429] : memref<5x80x64xi32, #tpu.memory_space<vmem>> -> memref<1x80x64xi32, #tpu.memory_space<vmem>>
      %dma_start3A_431 = tpu.memref_squeeze %dma_start3A_430 : memref<1x80x64xi32, #tpu.memory_space<vmem>> -> memref<80x64xi32, #tpu.memory_space<vmem>>
      tpu.enqueue_dma source(%dma_start3A_431 : memref<80x64xi32, #tpu.memory_space<vmem>>) target(%dma_start3A_427 : memref<80x64xi32, #tpu.memory_space<hbm>>) target_semaphore(%arg13 : memref<!tpu.dma_semaphore, #tpu.memory_space<semaphore_mem>>)
      %dma_start3A_432 = arith.constant 1 : i32
      %dma_start3A_433 = arith.constant 0 : i32
      %dma_start3A_434 = arith.constant 0 : i32
      %dma_start3A_435 = tpu.memref_slice %arg11[%dma_start3A_432, %dma_start3A_433, %dma_start3A_434] : memref<5x80x64xi32, #tpu.memory_space<vmem>> -> memref<1x80x64xi32, #tpu.memory_space<vmem>>
      %dma_start3A_436 = tpu.memref_squeeze %dma_start3A_435 : memref<1x80x64xi32, #tpu.memory_space<vmem>> -> memref<80x64xi32, #tpu.memory_space<vmem>>
      %dma_start3A_437 = arith.constant 0 : i32
      %dma_start3A_438 = tpu.memref_slice %arg7[%add3A_418, %dma_start3A_437] : memref<320000x64xi32, #tpu.memory_space<hbm>> -> memref<80x64xi32, #tpu.memory_space<hbm>>
      %dma_start3A_439 = arith.constant 0 : i32
      %dma_start3A_440 = tpu.memref_slice %arg7[%add3A_418, %dma_start3A_439] : memref<320000x64xi32, #tpu.memory_space<hbm>> -> memref<80x64xi32, #tpu.memory_space<hbm>>
      %dma_start3A_441 = arith.constant 0 : i32
      %dma_start3A_442 = arith.constant 0 : i32
      %dma_start3A_443 = tpu.memref_slice %arg11[%dma_start3A_432, %dma_start3A_441, %dma_start3A_442] : memref<5x80x64xi32, #tpu.memory_space<vmem>> -> memref<1x80x64xi32, #tpu.memory_space<vmem>>
      %dma_start3A_444 = tpu.memref_squeeze %dma_start3A_443 : memref<1x80x64xi32, #tpu.memory_space<vmem>> -> memref<80x64xi32, #tpu.memory_space<vmem>>
      tpu.enqueue_dma source(%dma_start3A_444 : memref<80x64xi32, #tpu.memory_space<vmem>>) target(%dma_start3A_440 : memref<80x64xi32, #tpu.memory_space<hbm>>) target_semaphore(%arg13 : memref<!tpu.dma_semaphore, #tpu.memory_space<semaphore_mem>>)
      %mul3A_445 = arith.constant 5 : i32
      %mul3A_446 = arith.muli %scan3A_157, %mul3A_445 : i32
      %add3A_447 = arith.constant 2 : i32
      %add3A_448 = arith.addi %mul3A_446, %add3A_447 : i32
      %mul3A_449 = arith.constant 80 : i32
      %mul3A_450 = arith.muli %add3A_448, %mul3A_449 : i32
      %add3A_451 = arith.addi %mul3A_2, %mul3A_450 : i32
      %dma_start3A_452 = arith.constant 2 : i32
      %dma_start3A_453 = arith.constant 0 : i32
      %dma_start3A_454 = arith.constant 0 : i32
      %dma_start3A_455 = tpu.memref_slice %arg10[%dma_start3A_452, %dma_start3A_453, %dma_start3A_454] : memref<5x80x64xi32, #tpu.memory_space<vmem>> -> memref<1x80x64xi32, #tpu.memory_space<vmem>>
      %dma_start3A_456 = tpu.memref_squeeze %dma_start3A_455 : memref<1x80x64xi32, #tpu.memory_space<vmem>> -> memref<80x64xi32, #tpu.memory_space<vmem>>
      %dma_start3A_457 = arith.constant 0 : i32
      %dma_start3A_458 = tpu.memref_slice %arg6[%add3A_451, %dma_start3A_457] : memref<320000x64xi32, #tpu.memory_space<hbm>> -> memref<80x64xi32, #tpu.memory_space<hbm>>
      %dma_start3A_459 = arith.constant 0 : i32
      %dma_start3A_460 = tpu.memref_slice %arg6[%add3A_451, %dma_start3A_459] : memref<320000x64xi32, #tpu.memory_space<hbm>> -> memref<80x64xi32, #tpu.memory_space<hbm>>
      %dma_start3A_461 = arith.constant 0 : i32
      %dma_start3A_462 = arith.constant 0 : i32
      %dma_start3A_463 = tpu.memref_slice %arg10[%dma_start3A_452, %dma_start3A_461, %dma_start3A_462] : memref<5x80x64xi32, #tpu.memory_space<vmem>> -> memref<1x80x64xi32, #tpu.memory_space<vmem>>
      %dma_start3A_464 = tpu.memref_squeeze %dma_start3A_463 : memref<1x80x64xi32, #tpu.memory_space<vmem>> -> memref<80x64xi32, #tpu.memory_space<vmem>>
      tpu.enqueue_dma source(%dma_start3A_464 : memref<80x64xi32, #tpu.memory_space<vmem>>) target(%dma_start3A_460 : memref<80x64xi32, #tpu.memory_space<hbm>>) target_semaphore(%arg13 : memref<!tpu.dma_semaphore, #tpu.memory_space<semaphore_mem>>)
      %dma_start3A_465 = arith.constant 2 : i32
      %dma_start3A_466 = arith.constant 0 : i32
      %dma_start3A_467 = arith.constant 0 : i32
      %dma_start3A_468 = tpu.memref_slice %arg11[%dma_start3A_465, %dma_start3A_466, %dma_start3A_467] : memref<5x80x64xi32, #tpu.memory_space<vmem>> -> memref<1x80x64xi32, #tpu.memory_space<vmem>>
      %dma_start3A_469 = tpu.memref_squeeze %dma_start3A_468 : memref<1x80x64xi32, #tpu.memory_space<vmem>> -> memref<80x64xi32, #tpu.memory_space<vmem>>
      %dma_start3A_470 = arith.constant 0 : i32
      %dma_start3A_471 = tpu.memref_slice %arg7[%add3A_451, %dma_start3A_470] : memref<320000x64xi32, #tpu.memory_space<hbm>> -> memref<80x64xi32, #tpu.memory_space<hbm>>
      %dma_start3A_472 = arith.constant 0 : i32
      %dma_start3A_473 = tpu.memref_slice %arg7[%add3A_451, %dma_start3A_472] : memref<320000x64xi32, #tpu.memory_space<hbm>> -> memref<80x64xi32, #tpu.memory_space<hbm>>
      %dma_start3A_474 = arith.constant 0 : i32
      %dma_start3A_475 = arith.constant 0 : i32
      %dma_start3A_476 = tpu.memref_slice %arg11[%dma_start3A_465, %dma_start3A_474, %dma_start3A_475] : memref<5x80x64xi32, #tpu.memory_space<vmem>> -> memref<1x80x64xi32, #tpu.memory_space<vmem>>
      %dma_start3A_477 = tpu.memref_squeeze %dma_start3A_476 : memref<1x80x64xi32, #tpu.memory_space<vmem>> -> memref<80x64xi32, #tpu.memory_space<vmem>>
      tpu.enqueue_dma source(%dma_start3A_477 : memref<80x64xi32, #tpu.memory_space<vmem>>) target(%dma_start3A_473 : memref<80x64xi32, #tpu.memory_space<hbm>>) target_semaphore(%arg13 : memref<!tpu.dma_semaphore, #tpu.memory_space<semaphore_mem>>)
      %mul3A_478 = arith.constant 5 : i32
      %mul3A_479 = arith.muli %scan3A_157, %mul3A_478 : i32
      %add3A_480 = arith.constant 3 : i32
      %add3A_481 = arith.addi %mul3A_479, %add3A_480 : i32
      %mul3A_482 = arith.constant 80 : i32
      %mul3A_483 = arith.muli %add3A_481, %mul3A_482 : i32
      %add3A_484 = arith.addi %mul3A_2, %mul3A_483 : i32
      %dma_start3A_485 = arith.constant 3 : i32
      %dma_start3A_486 = arith.constant 0 : i32
      %dma_start3A_487 = arith.constant 0 : i32
      %dma_start3A_488 = tpu.memref_slice %arg10[%dma_start3A_485, %dma_start3A_486, %dma_start3A_487] : memref<5x80x64xi32, #tpu.memory_space<vmem>> -> memref<1x80x64xi32, #tpu.memory_space<vmem>>
      %dma_start3A_489 = tpu.memref_squeeze %dma_start3A_488 : memref<1x80x64xi32, #tpu.memory_space<vmem>> -> memref<80x64xi32, #tpu.memory_space<vmem>>
      %dma_start3A_490 = arith.constant 0 : i32
      %dma_start3A_491 = tpu.memref_slice %arg6[%add3A_484, %dma_start3A_490] : memref<320000x64xi32, #tpu.memory_space<hbm>> -> memref<80x64xi32, #tpu.memory_space<hbm>>
      %dma_start3A_492 = arith.constant 0 : i32
      %dma_start3A_493 = tpu.memref_slice %arg6[%add3A_484, %dma_start3A_492] : memref<320000x64xi32, #tpu.memory_space<hbm>> -> memref<80x64xi32, #tpu.memory_space<hbm>>
      %dma_start3A_494 = arith.constant 0 : i32
      %dma_start3A_495 = arith.constant 0 : i32
      %dma_start3A_496 = tpu.memref_slice %arg10[%dma_start3A_485, %dma_start3A_494, %dma_start3A_495] : memref<5x80x64xi32, #tpu.memory_space<vmem>> -> memref<1x80x64xi32, #tpu.memory_space<vmem>>
      %dma_start3A_497 = tpu.memref_squeeze %dma_start3A_496 : memref<1x80x64xi32, #tpu.memory_space<vmem>> -> memref<80x64xi32, #tpu.memory_space<vmem>>
      tpu.enqueue_dma source(%dma_start3A_497 : memref<80x64xi32, #tpu.memory_space<vmem>>) target(%dma_start3A_493 : memref<80x64xi32, #tpu.memory_space<hbm>>) target_semaphore(%arg13 : memref<!tpu.dma_semaphore, #tpu.memory_space<semaphore_mem>>)
      %dma_start3A_498 = arith.constant 3 : i32
      %dma_start3A_499 = arith.constant 0 : i32
      %dma_start3A_500 = arith.constant 0 : i32
      %dma_start3A_501 = tpu.memref_slice %arg11[%dma_start3A_498, %dma_start3A_499, %dma_start3A_500] : memref<5x80x64xi32, #tpu.memory_space<vmem>> -> memref<1x80x64xi32, #tpu.memory_space<vmem>>
      %dma_start3A_502 = tpu.memref_squeeze %dma_start3A_501 : memref<1x80x64xi32, #tpu.memory_space<vmem>> -> memref<80x64xi32, #tpu.memory_space<vmem>>
      %dma_start3A_503 = arith.constant 0 : i32
      %dma_start3A_504 = tpu.memref_slice %arg7[%add3A_484, %dma_start3A_503] : memref<320000x64xi32, #tpu.memory_space<hbm>> -> memref<80x64xi32, #tpu.memory_space<hbm>>
      %dma_start3A_505 = arith.constant 0 : i32
      %dma_start3A_506 = tpu.memref_slice %arg7[%add3A_484, %dma_start3A_505] : memref<320000x64xi32, #tpu.memory_space<hbm>> -> memref<80x64xi32, #tpu.memory_space<hbm>>
      %dma_start3A_507 = arith.constant 0 : i32
      %dma_start3A_508 = arith.constant 0 : i32
      %dma_start3A_509 = tpu.memref_slice %arg11[%dma_start3A_498, %dma_start3A_507, %dma_start3A_508] : memref<5x80x64xi32, #tpu.memory_space<vmem>> -> memref<1x80x64xi32, #tpu.memory_space<vmem>>
      %dma_start3A_510 = tpu.memref_squeeze %dma_start3A_509 : memref<1x80x64xi32, #tpu.memory_space<vmem>> -> memref<80x64xi32, #tpu.memory_space<vmem>>
      tpu.enqueue_dma source(%dma_start3A_510 : memref<80x64xi32, #tpu.memory_space<vmem>>) target(%dma_start3A_506 : memref<80x64xi32, #tpu.memory_space<hbm>>) target_semaphore(%arg13 : memref<!tpu.dma_semaphore, #tpu.memory_space<semaphore_mem>>)
      %mul3A_511 = arith.constant 5 : i32
      %mul3A_512 = arith.muli %scan3A_157, %mul3A_511 : i32
      %add3A_513 = arith.constant 4 : i32
      %add3A_514 = arith.addi %mul3A_512, %add3A_513 : i32
      %mul3A_515 = arith.constant 80 : i32
      %mul3A_516 = arith.muli %add3A_514, %mul3A_515 : i32
      %add3A_517 = arith.addi %mul3A_2, %mul3A_516 : i32
      %dma_start3A_518 = arith.constant 4 : i32
      %dma_start3A_519 = arith.constant 0 : i32
      %dma_start3A_520 = arith.constant 0 : i32
      %dma_start3A_521 = tpu.memref_slice %arg10[%dma_start3A_518, %dma_start3A_519, %dma_start3A_520] : memref<5x80x64xi32, #tpu.memory_space<vmem>> -> memref<1x80x64xi32, #tpu.memory_space<vmem>>
      %dma_start3A_522 = tpu.memref_squeeze %dma_start3A_521 : memref<1x80x64xi32, #tpu.memory_space<vmem>> -> memref<80x64xi32, #tpu.memory_space<vmem>>
      %dma_start3A_523 = arith.constant 0 : i32
      %dma_start3A_524 = tpu.memref_slice %arg6[%add3A_517, %dma_start3A_523] : memref<320000x64xi32, #tpu.memory_space<hbm>> -> memref<80x64xi32, #tpu.memory_space<hbm>>
      %dma_start3A_525 = arith.constant 0 : i32
      %dma_start3A_526 = tpu.memref_slice %arg6[%add3A_517, %dma_start3A_525] : memref<320000x64xi32, #tpu.memory_space<hbm>> -> memref<80x64xi32, #tpu.memory_space<hbm>>
      %dma_start3A_527 = arith.constant 0 : i32
      %dma_start3A_528 = arith.constant 0 : i32
      %dma_start3A_529 = tpu.memref_slice %arg10[%dma_start3A_518, %dma_start3A_527, %dma_start3A_528] : memref<5x80x64xi32, #tpu.memory_space<vmem>> -> memref<1x80x64xi32, #tpu.memory_space<vmem>>
      %dma_start3A_530 = tpu.memref_squeeze %dma_start3A_529 : memref<1x80x64xi32, #tpu.memory_space<vmem>> -> memref<80x64xi32, #tpu.memory_space<vmem>>
      tpu.enqueue_dma source(%dma_start3A_530 : memref<80x64xi32, #tpu.memory_space<vmem>>) target(%dma_start3A_526 : memref<80x64xi32, #tpu.memory_space<hbm>>) target_semaphore(%arg13 : memref<!tpu.dma_semaphore, #tpu.memory_space<semaphore_mem>>)
      %dma_start3A_531 = arith.constant 4 : i32
      %dma_start3A_532 = arith.constant 0 : i32
      %dma_start3A_533 = arith.constant 0 : i32
      %dma_start3A_534 = tpu.memref_slice %arg11[%dma_start3A_531, %dma_start3A_532, %dma_start3A_533] : memref<5x80x64xi32, #tpu.memory_space<vmem>> -> memref<1x80x64xi32, #tpu.memory_space<vmem>>
      %dma_start3A_535 = tpu.memref_squeeze %dma_start3A_534 : memref<1x80x64xi32, #tpu.memory_space<vmem>> -> memref<80x64xi32, #tpu.memory_space<vmem>>
      %dma_start3A_536 = arith.constant 0 : i32
      %dma_start3A_537 = tpu.memref_slice %arg7[%add3A_517, %dma_start3A_536] : memref<320000x64xi32, #tpu.memory_space<hbm>> -> memref<80x64xi32, #tpu.memory_space<hbm>>
      %dma_start3A_538 = arith.constant 0 : i32
      %dma_start3A_539 = tpu.memref_slice %arg7[%add3A_517, %dma_start3A_538] : memref<320000x64xi32, #tpu.memory_space<hbm>> -> memref<80x64xi32, #tpu.memory_space<hbm>>
      %dma_start3A_540 = arith.constant 0 : i32
      %dma_start3A_541 = arith.constant 0 : i32
      %dma_start3A_542 = tpu.memref_slice %arg11[%dma_start3A_531, %dma_start3A_540, %dma_start3A_541] : memref<5x80x64xi32, #tpu.memory_space<vmem>> -> memref<1x80x64xi32, #tpu.memory_space<vmem>>
      %dma_start3A_543 = tpu.memref_squeeze %dma_start3A_542 : memref<1x80x64xi32, #tpu.memory_space<vmem>> -> memref<80x64xi32, #tpu.memory_space<vmem>>
      tpu.enqueue_dma source(%dma_start3A_543 : memref<80x64xi32, #tpu.memory_space<vmem>>) target(%dma_start3A_539 : memref<80x64xi32, #tpu.memory_space<hbm>>) target_semaphore(%arg13 : memref<!tpu.dma_semaphore, #tpu.memory_space<semaphore_mem>>)
    }
    %scan3A_7 = arith.constant 25 : i32
    %dma_wait3A = arith.constant 0 : i32
    %dma_wait3A_8 = arith.constant 0 : i32
    %dma_wait3A_9 = arith.constant 0 : i32
    %dma_wait3A_10 = tpu.memref_slice %arg10[%dma_wait3A, %dma_wait3A_8, %dma_wait3A_9] : memref<5x80x64xi32, #tpu.memory_space<vmem>> -> memref<1x80x64xi32, #tpu.memory_space<vmem>>
    %dma_wait3A_11 = tpu.memref_squeeze %dma_wait3A_10 : memref<1x80x64xi32, #tpu.memory_space<vmem>> -> memref<80x64xi32, #tpu.memory_space<vmem>>
    %dma_wait3A_12 = arith.constant 0 : i32
    %dma_wait3A_13 = arith.constant 0 : i32
    %dma_wait3A_14 = tpu.memref_slice %arg2[%dma_wait3A_12, %dma_wait3A_13] : memref<10000x64xi32, #tpu.memory_space<hbm>> -> memref<80x64xi32, #tpu.memory_space<hbm>>
    %dma_wait3A_15 = arith.constant 0 : i32
    %dma_wait3A_16 = arith.constant 0 : i32
    %dma_wait3A_17 = tpu.memref_slice %arg10[%dma_wait3A, %dma_wait3A_15, %dma_wait3A_16] : memref<5x80x64xi32, #tpu.memory_space<vmem>> -> memref<1x80x64xi32, #tpu.memory_space<vmem>>
    %dma_wait3A_18 = tpu.memref_squeeze %dma_wait3A_17 : memref<1x80x64xi32, #tpu.memory_space<vmem>> -> memref<80x64xi32, #tpu.memory_space<vmem>>
    %dma_wait3A_19 = arith.constant 0 : i32
    %dma_wait3A_20 = arith.constant 0 : i32
    %dma_wait3A_21 = tpu.memref_slice %arg2[%dma_wait3A_19, %dma_wait3A_20] : memref<10000x64xi32, #tpu.memory_space<hbm>> -> memref<80x64xi32, #tpu.memory_space<hbm>>
    tpu.wait_dma2 semaphore(%arg13 : memref<!tpu.dma_semaphore, #tpu.memory_space<semaphore_mem>>) src(%dma_wait3A_21 : memref<80x64xi32, #tpu.memory_space<hbm>>) dst(%dma_wait3A_18 : memref<80x64xi32, #tpu.memory_space<vmem>>)
    %dma_wait3A_22 = arith.constant 0 : i32
    %dma_wait3A_23 = arith.constant 0 : i32
    %dma_wait3A_24 = arith.constant 0 : i32
    %dma_wait3A_25 = tpu.memref_slice %arg11[%dma_wait3A_22, %dma_wait3A_23, %dma_wait3A_24] : memref<5x80x64xi32, #tpu.memory_space<vmem>> -> memref<1x80x64xi32, #tpu.memory_space<vmem>>
    %dma_wait3A_26 = tpu.memref_squeeze %dma_wait3A_25 : memref<1x80x64xi32, #tpu.memory_space<vmem>> -> memref<80x64xi32, #tpu.memory_space<vmem>>
    %dma_wait3A_27 = arith.constant 0 : i32
    %dma_wait3A_28 = arith.constant 0 : i32
    %dma_wait3A_29 = tpu.memref_slice %arg3[%dma_wait3A_27, %dma_wait3A_28] : memref<10000x64xi32, #tpu.memory_space<hbm>> -> memref<80x64xi32, #tpu.memory_space<hbm>>
    %dma_wait3A_30 = arith.constant 0 : i32
    %dma_wait3A_31 = arith.constant 0 : i32
    %dma_wait3A_32 = tpu.memref_slice %arg11[%dma_wait3A_22, %dma_wait3A_30, %dma_wait3A_31] : memref<5x80x64xi32, #tpu.memory_space<vmem>> -> memref<1x80x64xi32, #tpu.memory_space<vmem>>
    %dma_wait3A_33 = tpu.memref_squeeze %dma_wait3A_32 : memref<1x80x64xi32, #tpu.memory_space<vmem>> -> memref<80x64xi32, #tpu.memory_space<vmem>>
    %dma_wait3A_34 = arith.constant 0 : i32
    %dma_wait3A_35 = arith.constant 0 : i32
    %dma_wait3A_36 = tpu.memref_slice %arg3[%dma_wait3A_34, %dma_wait3A_35] : memref<10000x64xi32, #tpu.memory_space<hbm>> -> memref<80x64xi32, #tpu.memory_space<hbm>>
    tpu.wait_dma2 semaphore(%arg13 : memref<!tpu.dma_semaphore, #tpu.memory_space<semaphore_mem>>) src(%dma_wait3A_36 : memref<80x64xi32, #tpu.memory_space<hbm>>) dst(%dma_wait3A_33 : memref<80x64xi32, #tpu.memory_space<vmem>>)
    %dma_wait3A_37 = arith.constant 1 : i32
    %dma_wait3A_38 = arith.constant 0 : i32
    %dma_wait3A_39 = arith.constant 0 : i32
    %dma_wait3A_40 = tpu.memref_slice %arg10[%dma_wait3A_37, %dma_wait3A_38, %dma_wait3A_39] : memref<5x80x64xi32, #tpu.memory_space<vmem>> -> memref<1x80x64xi32, #tpu.memory_space<vmem>>
    %dma_wait3A_41 = tpu.memref_squeeze %dma_wait3A_40 : memref<1x80x64xi32, #tpu.memory_space<vmem>> -> memref<80x64xi32, #tpu.memory_space<vmem>>
    %dma_wait3A_42 = arith.constant 0 : i32
    %dma_wait3A_43 = arith.constant 0 : i32
    %dma_wait3A_44 = tpu.memref_slice %arg2[%dma_wait3A_42, %dma_wait3A_43] : memref<10000x64xi32, #tpu.memory_space<hbm>> -> memref<80x64xi32, #tpu.memory_space<hbm>>
    %dma_wait3A_45 = arith.constant 0 : i32
    %dma_wait3A_46 = arith.constant 0 : i32
    %dma_wait3A_47 = tpu.memref_slice %arg10[%dma_wait3A_37, %dma_wait3A_45, %dma_wait3A_46] : memref<5x80x64xi32, #tpu.memory_space<vmem>> -> memref<1x80x64xi32, #tpu.memory_space<vmem>>
    %dma_wait3A_48 = tpu.memref_squeeze %dma_wait3A_47 : memref<1x80x64xi32, #tpu.memory_space<vmem>> -> memref<80x64xi32, #tpu.memory_space<vmem>>
    %dma_wait3A_49 = arith.constant 0 : i32
    %dma_wait3A_50 = arith.constant 0 : i32
    %dma_wait3A_51 = tpu.memref_slice %arg2[%dma_wait3A_49, %dma_wait3A_50] : memref<10000x64xi32, #tpu.memory_space<hbm>> -> memref<80x64xi32, #tpu.memory_space<hbm>>
    tpu.wait_dma2 semaphore(%arg13 : memref<!tpu.dma_semaphore, #tpu.memory_space<semaphore_mem>>) src(%dma_wait3A_51 : memref<80x64xi32, #tpu.memory_space<hbm>>) dst(%dma_wait3A_48 : memref<80x64xi32, #tpu.memory_space<vmem>>)
    %dma_wait3A_52 = arith.constant 1 : i32
    %dma_wait3A_53 = arith.constant 0 : i32
    %dma_wait3A_54 = arith.constant 0 : i32
    %dma_wait3A_55 = tpu.memref_slice %arg11[%dma_wait3A_52, %dma_wait3A_53, %dma_wait3A_54] : memref<5x80x64xi32, #tpu.memory_space<vmem>> -> memref<1x80x64xi32, #tpu.memory_space<vmem>>
    %dma_wait3A_56 = tpu.memref_squeeze %dma_wait3A_55 : memref<1x80x64xi32, #tpu.memory_space<vmem>> -> memref<80x64xi32, #tpu.memory_space<vmem>>
    %dma_wait3A_57 = arith.constant 0 : i32
    %dma_wait3A_58 = arith.constant 0 : i32
    %dma_wait3A_59 = tpu.memref_slice %arg3[%dma_wait3A_57, %dma_wait3A_58] : memref<10000x64xi32, #tpu.memory_space<hbm>> -> memref<80x64xi32, #tpu.memory_space<hbm>>
    %dma_wait3A_60 = arith.constant 0 : i32
    %dma_wait3A_61 = arith.constant 0 : i32
    %dma_wait3A_62 = tpu.memref_slice %arg11[%dma_wait3A_52, %dma_wait3A_60, %dma_wait3A_61] : memref<5x80x64xi32, #tpu.memory_space<vmem>> -> memref<1x80x64xi32, #tpu.memory_space<vmem>>
    %dma_wait3A_63 = tpu.memref_squeeze %dma_wait3A_62 : memref<1x80x64xi32, #tpu.memory_space<vmem>> -> memref<80x64xi32, #tpu.memory_space<vmem>>
    %dma_wait3A_64 = arith.constant 0 : i32
    %dma_wait3A_65 = arith.constant 0 : i32
    %dma_wait3A_66 = tpu.memref_slice %arg3[%dma_wait3A_64, %dma_wait3A_65] : memref<10000x64xi32, #tpu.memory_space<hbm>> -> memref<80x64xi32, #tpu.memory_space<hbm>>
    tpu.wait_dma2 semaphore(%arg13 : memref<!tpu.dma_semaphore, #tpu.memory_space<semaphore_mem>>) src(%dma_wait3A_66 : memref<80x64xi32, #tpu.memory_space<hbm>>) dst(%dma_wait3A_63 : memref<80x64xi32, #tpu.memory_space<vmem>>)
    %dma_wait3A_67 = arith.constant 2 : i32
    %dma_wait3A_68 = arith.constant 0 : i32
    %dma_wait3A_69 = arith.constant 0 : i32
    %dma_wait3A_70 = tpu.memref_slice %arg10[%dma_wait3A_67, %dma_wait3A_68, %dma_wait3A_69] : memref<5x80x64xi32, #tpu.memory_space<vmem>> -> memref<1x80x64xi32, #tpu.memory_space<vmem>>
    %dma_wait3A_71 = tpu.memref_squeeze %dma_wait3A_70 : memref<1x80x64xi32, #tpu.memory_space<vmem>> -> memref<80x64xi32, #tpu.memory_space<vmem>>
    %dma_wait3A_72 = arith.constant 0 : i32
    %dma_wait3A_73 = arith.constant 0 : i32
    %dma_wait3A_74 = tpu.memref_slice %arg2[%dma_wait3A_72, %dma_wait3A_73] : memref<10000x64xi32, #tpu.memory_space<hbm>> -> memref<80x64xi32, #tpu.memory_space<hbm>>
    %dma_wait3A_75 = arith.constant 0 : i32
    %dma_wait3A_76 = arith.constant 0 : i32
    %dma_wait3A_77 = tpu.memref_slice %arg10[%dma_wait3A_67, %dma_wait3A_75, %dma_wait3A_76] : memref<5x80x64xi32, #tpu.memory_space<vmem>> -> memref<1x80x64xi32, #tpu.memory_space<vmem>>
    %dma_wait3A_78 = tpu.memref_squeeze %dma_wait3A_77 : memref<1x80x64xi32, #tpu.memory_space<vmem>> -> memref<80x64xi32, #tpu.memory_space<vmem>>
    %dma_wait3A_79 = arith.constant 0 : i32
    %dma_wait3A_80 = arith.constant 0 : i32
    %dma_wait3A_81 = tpu.memref_slice %arg2[%dma_wait3A_79, %dma_wait3A_80] : memref<10000x64xi32, #tpu.memory_space<hbm>> -> memref<80x64xi32, #tpu.memory_space<hbm>>
    tpu.wait_dma2 semaphore(%arg13 : memref<!tpu.dma_semaphore, #tpu.memory_space<semaphore_mem>>) src(%dma_wait3A_81 : memref<80x64xi32, #tpu.memory_space<hbm>>) dst(%dma_wait3A_78 : memref<80x64xi32, #tpu.memory_space<vmem>>)
    %dma_wait3A_82 = arith.constant 2 : i32
    %dma_wait3A_83 = arith.constant 0 : i32
    %dma_wait3A_84 = arith.constant 0 : i32
    %dma_wait3A_85 = tpu.memref_slice %arg11[%dma_wait3A_82, %dma_wait3A_83, %dma_wait3A_84] : memref<5x80x64xi32, #tpu.memory_space<vmem>> -> memref<1x80x64xi32, #tpu.memory_space<vmem>>
    %dma_wait3A_86 = tpu.memref_squeeze %dma_wait3A_85 : memref<1x80x64xi32, #tpu.memory_space<vmem>> -> memref<80x64xi32, #tpu.memory_space<vmem>>
    %dma_wait3A_87 = arith.constant 0 : i32
    %dma_wait3A_88 = arith.constant 0 : i32
    %dma_wait3A_89 = tpu.memref_slice %arg3[%dma_wait3A_87, %dma_wait3A_88] : memref<10000x64xi32, #tpu.memory_space<hbm>> -> memref<80x64xi32, #tpu.memory_space<hbm>>
    %dma_wait3A_90 = arith.constant 0 : i32
    %dma_wait3A_91 = arith.constant 0 : i32
    %dma_wait3A_92 = tpu.memref_slice %arg11[%dma_wait3A_82, %dma_wait3A_90, %dma_wait3A_91] : memref<5x80x64xi32, #tpu.memory_space<vmem>> -> memref<1x80x64xi32, #tpu.memory_space<vmem>>
    %dma_wait3A_93 = tpu.memref_squeeze %dma_wait3A_92 : memref<1x80x64xi32, #tpu.memory_space<vmem>> -> memref<80x64xi32, #tpu.memory_space<vmem>>
    %dma_wait3A_94 = arith.constant 0 : i32
    %dma_wait3A_95 = arith.constant 0 : i32
    %dma_wait3A_96 = tpu.memref_slice %arg3[%dma_wait3A_94, %dma_wait3A_95] : memref<10000x64xi32, #tpu.memory_space<hbm>> -> memref<80x64xi32, #tpu.memory_space<hbm>>
    tpu.wait_dma2 semaphore(%arg13 : memref<!tpu.dma_semaphore, #tpu.memory_space<semaphore_mem>>) src(%dma_wait3A_96 : memref<80x64xi32, #tpu.memory_space<hbm>>) dst(%dma_wait3A_93 : memref<80x64xi32, #tpu.memory_space<vmem>>)
    %dma_wait3A_97 = arith.constant 3 : i32
    %dma_wait3A_98 = arith.constant 0 : i32
    %dma_wait3A_99 = arith.constant 0 : i32
    %dma_wait3A_100 = tpu.memref_slice %arg10[%dma_wait3A_97, %dma_wait3A_98, %dma_wait3A_99] : memref<5x80x64xi32, #tpu.memory_space<vmem>> -> memref<1x80x64xi32, #tpu.memory_space<vmem>>
    %dma_wait3A_101 = tpu.memref_squeeze %dma_wait3A_100 : memref<1x80x64xi32, #tpu.memory_space<vmem>> -> memref<80x64xi32, #tpu.memory_space<vmem>>
    %dma_wait3A_102 = arith.constant 0 : i32
    %dma_wait3A_103 = arith.constant 0 : i32
    %dma_wait3A_104 = tpu.memref_slice %arg2[%dma_wait3A_102, %dma_wait3A_103] : memref<10000x64xi32, #tpu.memory_space<hbm>> -> memref<80x64xi32, #tpu.memory_space<hbm>>
    %dma_wait3A_105 = arith.constant 0 : i32
    %dma_wait3A_106 = arith.constant 0 : i32
    %dma_wait3A_107 = tpu.memref_slice %arg10[%dma_wait3A_97, %dma_wait3A_105, %dma_wait3A_106] : memref<5x80x64xi32, #tpu.memory_space<vmem>> -> memref<1x80x64xi32, #tpu.memory_space<vmem>>
    %dma_wait3A_108 = tpu.memref_squeeze %dma_wait3A_107 : memref<1x80x64xi32, #tpu.memory_space<vmem>> -> memref<80x64xi32, #tpu.memory_space<vmem>>
    %dma_wait3A_109 = arith.constant 0 : i32
    %dma_wait3A_110 = arith.constant 0 : i32
    %dma_wait3A_111 = tpu.memref_slice %arg2[%dma_wait3A_109, %dma_wait3A_110] : memref<10000x64xi32, #tpu.memory_space<hbm>> -> memref<80x64xi32, #tpu.memory_space<hbm>>
    tpu.wait_dma2 semaphore(%arg13 : memref<!tpu.dma_semaphore, #tpu.memory_space<semaphore_mem>>) src(%dma_wait3A_111 : memref<80x64xi32, #tpu.memory_space<hbm>>) dst(%dma_wait3A_108 : memref<80x64xi32, #tpu.memory_space<vmem>>)
    %dma_wait3A_112 = arith.constant 3 : i32
    %dma_wait3A_113 = arith.constant 0 : i32
    %dma_wait3A_114 = arith.constant 0 : i32
    %dma_wait3A_115 = tpu.memref_slice %arg11[%dma_wait3A_112, %dma_wait3A_113, %dma_wait3A_114] : memref<5x80x64xi32, #tpu.memory_space<vmem>> -> memref<1x80x64xi32, #tpu.memory_space<vmem>>
    %dma_wait3A_116 = tpu.memref_squeeze %dma_wait3A_115 : memref<1x80x64xi32, #tpu.memory_space<vmem>> -> memref<80x64xi32, #tpu.memory_space<vmem>>
    %dma_wait3A_117 = arith.constant 0 : i32
    %dma_wait3A_118 = arith.constant 0 : i32
    %dma_wait3A_119 = tpu.memref_slice %arg3[%dma_wait3A_117, %dma_wait3A_118] : memref<10000x64xi32, #tpu.memory_space<hbm>> -> memref<80x64xi32, #tpu.memory_space<hbm>>
    %dma_wait3A_120 = arith.constant 0 : i32
    %dma_wait3A_121 = arith.constant 0 : i32
    %dma_wait3A_122 = tpu.memref_slice %arg11[%dma_wait3A_112, %dma_wait3A_120, %dma_wait3A_121] : memref<5x80x64xi32, #tpu.memory_space<vmem>> -> memref<1x80x64xi32, #tpu.memory_space<vmem>>
    %dma_wait3A_123 = tpu.memref_squeeze %dma_wait3A_122 : memref<1x80x64xi32, #tpu.memory_space<vmem>> -> memref<80x64xi32, #tpu.memory_space<vmem>>
    %dma_wait3A_124 = arith.constant 0 : i32
    %dma_wait3A_125 = arith.constant 0 : i32
    %dma_wait3A_126 = tpu.memref_slice %arg3[%dma_wait3A_124, %dma_wait3A_125] : memref<10000x64xi32, #tpu.memory_space<hbm>> -> memref<80x64xi32, #tpu.memory_space<hbm>>
    tpu.wait_dma2 semaphore(%arg13 : memref<!tpu.dma_semaphore, #tpu.memory_space<semaphore_mem>>) src(%dma_wait3A_126 : memref<80x64xi32, #tpu.memory_space<hbm>>) dst(%dma_wait3A_123 : memref<80x64xi32, #tpu.memory_space<vmem>>)
    %dma_wait3A_127 = arith.constant 4 : i32
    %dma_wait3A_128 = arith.constant 0 : i32
    %dma_wait3A_129 = arith.constant 0 : i32
    %dma_wait3A_130 = tpu.memref_slice %arg10[%dma_wait3A_127, %dma_wait3A_128, %dma_wait3A_129] : memref<5x80x64xi32, #tpu.memory_space<vmem>> -> memref<1x80x64xi32, #tpu.memory_space<vmem>>
    %dma_wait3A_131 = tpu.memref_squeeze %dma_wait3A_130 : memref<1x80x64xi32, #tpu.memory_space<vmem>> -> memref<80x64xi32, #tpu.memory_space<vmem>>
    %dma_wait3A_132 = arith.constant 0 : i32
    %dma_wait3A_133 = arith.constant 0 : i32
    %dma_wait3A_134 = tpu.memref_slice %arg2[%dma_wait3A_132, %dma_wait3A_133] : memref<10000x64xi32, #tpu.memory_space<hbm>> -> memref<80x64xi32, #tpu.memory_space<hbm>>
    %dma_wait3A_135 = arith.constant 0 : i32
    %dma_wait3A_136 = arith.constant 0 : i32
    %dma_wait3A_137 = tpu.memref_slice %arg10[%dma_wait3A_127, %dma_wait3A_135, %dma_wait3A_136] : memref<5x80x64xi32, #tpu.memory_space<vmem>> -> memref<1x80x64xi32, #tpu.memory_space<vmem>>
    %dma_wait3A_138 = tpu.memref_squeeze %dma_wait3A_137 : memref<1x80x64xi32, #tpu.memory_space<vmem>> -> memref<80x64xi32, #tpu.memory_space<vmem>>
    %dma_wait3A_139 = arith.constant 0 : i32
    %dma_wait3A_140 = arith.constant 0 : i32
    %dma_wait3A_141 = tpu.memref_slice %arg2[%dma_wait3A_139, %dma_wait3A_140] : memref<10000x64xi32, #tpu.memory_space<hbm>> -> memref<80x64xi32, #tpu.memory_space<hbm>>
    tpu.wait_dma2 semaphore(%arg13 : memref<!tpu.dma_semaphore, #tpu.memory_space<semaphore_mem>>) src(%dma_wait3A_141 : memref<80x64xi32, #tpu.memory_space<hbm>>) dst(%dma_wait3A_138 : memref<80x64xi32, #tpu.memory_space<vmem>>)
    %dma_wait3A_142 = arith.constant 4 : i32
    %dma_wait3A_143 = arith.constant 0 : i32
    %dma_wait3A_144 = arith.constant 0 : i32
    %dma_wait3A_145 = tpu.memref_slice %arg11[%dma_wait3A_142, %dma_wait3A_143, %dma_wait3A_144] : memref<5x80x64xi32, #tpu.memory_space<vmem>> -> memref<1x80x64xi32, #tpu.memory_space<vmem>>
    %dma_wait3A_146 = tpu.memref_squeeze %dma_wait3A_145 : memref<1x80x64xi32, #tpu.memory_space<vmem>> -> memref<80x64xi32, #tpu.memory_space<vmem>>
    %dma_wait3A_147 = arith.constant 0 : i32
    %dma_wait3A_148 = arith.constant 0 : i32
    %dma_wait3A_149 = tpu.memref_slice %arg3[%dma_wait3A_147, %dma_wait3A_148] : memref<10000x64xi32, #tpu.memory_space<hbm>> -> memref<80x64xi32, #tpu.memory_space<hbm>>
    %dma_wait3A_150 = arith.constant 0 : i32
    %dma_wait3A_151 = arith.constant 0 : i32
    %dma_wait3A_152 = tpu.memref_slice %arg11[%dma_wait3A_142, %dma_wait3A_150, %dma_wait3A_151] : memref<5x80x64xi32, #tpu.memory_space<vmem>> -> memref<1x80x64xi32, #tpu.memory_space<vmem>>
    %dma_wait3A_153 = tpu.memref_squeeze %dma_wait3A_152 : memref<1x80x64xi32, #tpu.memory_space<vmem>> -> memref<80x64xi32, #tpu.memory_space<vmem>>
    %dma_wait3A_154 = arith.constant 0 : i32
    %dma_wait3A_155 = arith.constant 0 : i32
    %dma_wait3A_156 = tpu.memref_slice %arg3[%dma_wait3A_154, %dma_wait3A_155] : memref<10000x64xi32, #tpu.memory_space<hbm>> -> memref<80x64xi32, #tpu.memory_space<hbm>>
    tpu.wait_dma2 semaphore(%arg13 : memref<!tpu.dma_semaphore, #tpu.memory_space<semaphore_mem>>) src(%dma_wait3A_156 : memref<80x64xi32, #tpu.memory_space<hbm>>) dst(%dma_wait3A_153 : memref<80x64xi32, #tpu.memory_space<vmem>>)
    return
  }
}

module attributes {stable_mosaic.version = 14 : i64} {
  func.func @_q_body(%arg0: i32, %arg1: memref<2000x128xf32, #tpu.memory_space<vmem>>, %arg2: memref<128x128xf32, #tpu.memory_space<vmem>>, %arg3: memref<2000x128xf32, #tpu.memory_space<vmem>>) attributes {dimension_semantics = [#tpu.dimension_semantics<arbitrary>], iteration_bounds = array<i64: 5>, scalar_prefetch = 0 : i64, scratch_operands = 0 : i64, tpu.core_type = #tpu.core_type<tc>, window_params = [{transform_indices = @transform_0, window_bounds = array<i64: 2000, 128>}, {pipeline_mode = #tpu.pipeline_mode<synchronous>, transform_indices = @transform_1, window_bounds = array<i64: 128, 128>}, {transform_indices = @transform_2, window_bounds = array<i64: 2000, 128>}]} {
    %get3A = arith.constant 0 : index
    %get3A_0 = arith.constant 0 : index
    %get3A_1 = vector.load %arg1[%get3A, %get3A_0] : memref<2000x128xf32, #tpu.memory_space<vmem>>, vector<2000x128xf32>
    %get3A_2 = arith.constant 0 : index
    %get3A_3 = arith.constant 0 : index
    %get3A_4 = vector.load %arg2[%get3A_2, %get3A_3] : memref<128x128xf32, #tpu.memory_space<vmem>>, vector<128x128xf32>
    %dot_general3A = arith.constant dense<0.000000e+00> : vector<2000x128xf32>
    %dot_general3A_5 = tpu.matmul %get3A_1, %get3A_4, %dot_general3A {dimension_numbers = #tpu.dot_dimension_numbers<[1], [0], [0], [1], [0, 0, 1, 1], [], []>, transpose_lhs_hint = false} : vector<2000x128xf32>, vector<128x128xf32>, vector<2000x128xf32> -> vector<2000x128xf32>
    %swap3A = arith.constant 0 : index
    %swap3A_6 = arith.constant 0 : index
    %swap3A_7 = vector.load %arg3[%swap3A, %swap3A_6] : memref<2000x128xf32, #tpu.memory_space<vmem>>, vector<2000x128xf32>
    tpu.vector_store %arg3[%swap3A, %swap3A_6], %dot_general3A_5 {strides = array<i32>} : memref<2000x128xf32, #tpu.memory_space<vmem>>, vector<2000x128xf32>,
    return
  }
  func.func @transform_0(%arg0: i32) -> (i32, i32) {
    %c0_i32 = arith.constant 0 : i32
    %c0_i32_0 = arith.constant 0 : i32
    return %arg0, %c0_i32 : i32, i32
  }
  func.func @transform_1(%arg0: i32) -> (i32, i32) {
    %c0_i32 = arith.constant 0 : i32
    %c0_i32_0 = arith.constant 0 : i32
    %c0_i32_1 = arith.constant 0 : i32
    return %c0_i32, %c0_i32_0 : i32, i32
  }
  func.func @transform_2(%arg0: i32) -> (i32, i32) {
    %c0_i32 = arith.constant 0 : i32
    %c0_i32_0 = arith.constant 0 : i32
    return %arg0, %c0_i32 : i32, i32
  }
}

module attributes {stable_mosaic.version = 14 : i64} {
  func.func @_edge_body(%arg0: i32, %arg1: memref<2560x128xf32, #tpu.memory_space<vmem>>, %arg2: memref<2560x64xi32, #tpu.memory_space<vmem>>, %arg3: memref<2560x64xi32, #tpu.memory_space<vmem>>, %arg4: memref<2560x1xi32, #tpu.memory_space<vmem>>, %arg5: memref<1x2560xi32, #tpu.memory_space<vmem>>, %arg6: memref<128x128xf32, #tpu.memory_space<vmem>>, %arg7: memref<128x128xf32, #tpu.memory_space<vmem>>, %arg8: memref<128x128xf32, #tpu.memory_space<vmem>>, %arg9: memref<1x128xf32, #tpu.memory_space<vmem>>, %arg10: memref<128x128xf32, #tpu.memory_space<vmem>>, %arg11: memref<128x128xf32, #tpu.memory_space<vmem>>, %arg12: memref<128x128xf32, #tpu.memory_space<vmem>>, %arg13: memref<2560x128xf32, #tpu.memory_space<vmem>>, %arg14: memref<2560x128xf32, #tpu.memory_space<vmem>>, %arg15: memref<320x128xf32, #tpu.memory_space<vmem>>) attributes {dimension_semantics = [#tpu.dimension_semantics<arbitrary>], iteration_bounds = array<i64: 125>, scalar_prefetch = 0 : i64, scratch_operands = 0 : i64, tpu.core_type = #tpu.core_type<tc>, window_params = [{transform_indices = @transform_0, window_bounds = array<i64: 2560, 128>}, {transform_indices = @transform_1, window_bounds = array<i64: 2560, 64>}, {transform_indices = @transform_2, window_bounds = array<i64: 2560, 64>}, {transform_indices = @transform_3, window_bounds = array<i64: 2560, 1>}, {transform_indices = @transform_4, window_bounds = array<i64: 1, 2560>}, {pipeline_mode = #tpu.pipeline_mode<synchronous>, transform_indices = @transform_5, window_bounds = array<i64: 128, 128>}, {pipeline_mode = #tpu.pipeline_mode<synchronous>, transform_indices = @transform_6, window_bounds = array<i64: 128, 128>}, {pipeline_mode = #tpu.pipeline_mode<synchronous>, transform_indices = @transform_7, window_bounds = array<i64: 128, 128>}, {pipeline_mode = #tpu.pipeline_mode<synchronous>, transform_indices = @transform_8, window_bounds = array<i64: 1, 128>}, {pipeline_mode = #tpu.pipeline_mode<synchronous>, transform_indices = @transform_9, window_bounds = array<i64: 128, 128>}, {pipeline_mode = #tpu.pipeline_mode<synchronous>, transform_indices = @transform_10, window_bounds = array<i64: 128, 128>}, {pipeline_mode = #tpu.pipeline_mode<synchronous>, transform_indices = @transform_11, window_bounds = array<i64: 128, 128>}, {transform_indices = @transform_12, window_bounds = array<i64: 2560, 128>}, {transform_indices = @transform_13, window_bounds = array<i64: 2560, 128>}, {pipeline_mode = #tpu.pipeline_mode<synchronous>, transform_indices = @transform_14, window_bounds = array<i64: 320, 128>}]} {
    %get3A = arith.constant 0 : index
    %get3A_0 = arith.constant 0 : index
    %get3A_1 = vector.load %arg2[%get3A, %get3A_0] : memref<2560x64xi32, #tpu.memory_space<vmem>>, vector<2560x64xi32>
    %shift_left3A = arith.constant 16 : i32
    %shift_left3A_2 = vector.broadcast %shift_left3A : i32 to vector<2560x64xi32>
    %shift_left3A_3 = arith.shli %get3A_1, %shift_left3A_2 : vector<2560x64xi32>
    %bitcast_convert_type3A = tpu.bitcast %shift_left3A_3 : vector<2560x64xi32> -> vector<2560x64xf32>
    %and3A = arith.constant -65536 : i32
    %and3A_4 = vector.broadcast %and3A : i32 to vector<2560x64xi32>
    %and3A_5 = arith.andi %get3A_1, %and3A_4 : vector<2560x64xi32>
    %bitcast_convert_type3A_6 = tpu.bitcast %and3A_5 : vector<2560x64xi32> -> vector<2560x64xf32>
    %get3A_7 = arith.constant 0 : index
    %get3A_8 = arith.constant 0 : index
    %get3A_9 = vector.load %arg3[%get3A_7, %get3A_8] : memref<2560x64xi32, #tpu.memory_space<vmem>>, vector<2560x64xi32>
    %shift_left3A_10 = arith.constant 16 : i32
    %shift_left3A_11 = vector.broadcast %shift_left3A_10 : i32 to vector<2560x64xi32>
    %shift_left3A_12 = arith.shli %get3A_9, %shift_left3A_11 : vector<2560x64xi32>
    %bitcast_convert_type3A_13 = tpu.bitcast %shift_left3A_12 : vector<2560x64xi32> -> vector<2560x64xf32>
    %and3A_14 = arith.constant -65536 : i32
    %and3A_15 = vector.broadcast %and3A_14 : i32 to vector<2560x64xi32>
    %and3A_16 = arith.andi %get3A_9, %and3A_15 : vector<2560x64xi32>
    %bitcast_convert_type3A_17 = tpu.bitcast %and3A_16 : vector<2560x64xi32> -> vector<2560x64xf32>
    %get3A_18 = arith.constant 0 : index
    %get3A_19 = arith.constant 0 : index
    %get3A_20 = vector.load %arg1[%get3A_18, %get3A_19] : memref<2560x128xf32, #tpu.memory_space<vmem>>, vector<2560x64xf32>
    %mul3A = arith.mulf %get3A_20, %bitcast_convert_type3A : vector<2560x64xf32>
    %get3A_21 = arith.constant 0 : index
    %get3A_22 = arith.constant 64 : index
    %get3A_23 = vector.load %arg1[%get3A_21, %get3A_22] : memref<2560x128xf32, #tpu.memory_space<vmem>>, vector<2560x64xf32>
    %mul3A_24 = arith.mulf %get3A_23, %bitcast_convert_type3A_6 : vector<2560x64xf32>
    %get3A_25 = arith.constant 0 : index
    %get3A_26 = arith.constant 0 : index
    %get3A_27 = vector.load %arg6[%get3A_25, %get3A_26] : memref<128x128xf32, #tpu.memory_space<vmem>>, vector<64x128xf32>
    %dot_general3A = arith.constant dense<0.000000e+00> : vector<2560x128xf32>
    %dot_general3A_28 = tpu.matmul %mul3A, %get3A_27, %dot_general3A {dimension_numbers = #tpu.dot_dimension_numbers<[1], [0], [0], [1], [0, 0, 1, 1], [], []>, transpose_lhs_hint = false} : vector<2560x64xf32>, vector<64x128xf32>, vector<2560x128xf32> -> vector<2560x128xf32>
    %get3A_29 = arith.constant 64 : index
    %get3A_30 = arith.constant 0 : index
    %get3A_31 = vector.load %arg6[%get3A_29, %get3A_30] : memref<128x128xf32, #tpu.memory_space<vmem>>, vector<64x128xf32>
    %dot_general3A_32 = arith.constant dense<0.000000e+00> : vector<2560x128xf32>
    %dot_general3A_33 = tpu.matmul %mul3A_24, %get3A_31, %dot_general3A_32 {dimension_numbers = #tpu.dot_dimension_numbers<[1], [0], [0], [1], [0, 0, 1, 1], [], []>, transpose_lhs_hint = false} : vector<2560x64xf32>, vector<64x128xf32>, vector<2560x128xf32> -> vector<2560x128xf32>
    %add3A = arith.addf %dot_general3A_28, %dot_general3A_33 : vector<2560x128xf32>
    %slice3A = vector.extract_strided_slice %add3A {offsets = [0, 0], sizes = [2560, 64], strides = [1, 1]} : vector<2560x128xf32> to vector<2560x64xf32>
    %mul3A_34 = arith.mulf %bitcast_convert_type3A_13, %slice3A : vector<2560x64xf32>
    %slice3A_35 = vector.extract_strided_slice %add3A {offsets = [0, 64], sizes = [2560, 64], strides = [1, 1]} : vector<2560x128xf32> to vector<2560x64xf32>
    %mul3A_36 = arith.mulf %bitcast_convert_type3A_17, %slice3A_35 : vector<2560x64xf32>
    %get3A_37 = arith.constant 0 : index
    %get3A_38 = arith.constant 0 : index
    %get3A_39 = vector.load %arg10[%get3A_37, %get3A_38] : memref<128x128xf32, #tpu.memory_space<vmem>>, vector<64x128xf32>
    %dot_general3A_40 = arith.constant dense<0.000000e+00> : vector<2560x128xf32>
    %dot_general3A_41 = tpu.matmul %mul3A_34, %get3A_39, %dot_general3A_40 {dimension_numbers = #tpu.dot_dimension_numbers<[1], [0], [0], [1], [0, 0, 1, 1], [], []>, transpose_lhs_hint = false} : vector<2560x64xf32>, vector<64x128xf32>, vector<2560x128xf32> -> vector<2560x128xf32>
    %get3A_42 = arith.constant 64 : index
    %get3A_43 = arith.constant 0 : index
    %get3A_44 = vector.load %arg10[%get3A_42, %get3A_43] : memref<128x128xf32, #tpu.memory_space<vmem>>, vector<64x128xf32>
    %dot_general3A_45 = arith.constant dense<0.000000e+00> : vector<2560x128xf32>
    %dot_general3A_46 = tpu.matmul %mul3A_36, %get3A_44, %dot_general3A_45 {dimension_numbers = #tpu.dot_dimension_numbers<[1], [0], [0], [1], [0, 0, 1, 1], [], []>, transpose_lhs_hint = false} : vector<2560x64xf32>, vector<64x128xf32>, vector<2560x128xf32> -> vector<2560x128xf32>
    %add3A_47 = arith.addf %dot_general3A_41, %dot_general3A_46 : vector<2560x128xf32>
    %min3A = arith.constant 8.000000e+01 : f32
    %min3A_48 = vector.broadcast %min3A : f32 to vector<2560x128xf32>
    %min3A_49 = arith.minimumf %add3A_47, %min3A_48 : vector<2560x128xf32>
    %exp3A = math.exp %min3A_49 : vector<2560x128xf32>
    %get3A_50 = arith.constant 0 : index
    %get3A_51 = arith.constant 0 : index
    %get3A_52 = vector.load %arg11[%get3A_50, %get3A_51] : memref<128x128xf32, #tpu.memory_space<vmem>>, vector<128x128xf32>
    %dot_general3A_53 = arith.constant dense<0.000000e+00> : vector<2560x128xf32>
    %dot_general3A_54 = tpu.matmul %exp3A, %get3A_52, %dot_general3A_53 {dimension_numbers = #tpu.dot_dimension_numbers<[1], [0], [0], [1], [0, 0, 1, 1], [], []>, transpose_lhs_hint = false} : vector<2560x128xf32>, vector<128x128xf32>, vector<2560x128xf32> -> vector<2560x128xf32>
    %get3A_55 = arith.constant 0 : index
    %get3A_56 = arith.constant 0 : index
    %get3A_57 = vector.load %arg7[%get3A_55, %get3A_56] : memref<128x128xf32, #tpu.memory_space<vmem>>, vector<64x128xf32>
    %dot_general3A_58 = arith.constant dense<0.000000e+00> : vector<2560x128xf32>
    %dot_general3A_59 = tpu.matmul %mul3A, %get3A_57, %dot_general3A_58 {dimension_numbers = #tpu.dot_dimension_numbers<[1], [0], [0], [1], [0, 0, 1, 1], [], []>, transpose_lhs_hint = false} : vector<2560x64xf32>, vector<64x128xf32>, vector<2560x128xf32> -> vector<2560x128xf32>
    %get3A_60 = arith.constant 64 : index
    %get3A_61 = arith.constant 0 : index
    %get3A_62 = vector.load %arg7[%get3A_60, %get3A_61] : memref<128x128xf32, #tpu.memory_space<vmem>>, vector<64x128xf32>
    %dot_general3A_63 = arith.constant dense<0.000000e+00> : vector<2560x128xf32>
    %dot_general3A_64 = tpu.matmul %mul3A_24, %get3A_62, %dot_general3A_63 {dimension_numbers = #tpu.dot_dimension_numbers<[1], [0], [0], [1], [0, 0, 1, 1], [], []>, transpose_lhs_hint = false} : vector<2560x64xf32>, vector<64x128xf32>, vector<2560x128xf32> -> vector<2560x128xf32>
    %add3A_65 = arith.addf %dot_general3A_59, %dot_general3A_64 : vector<2560x128xf32>
    %mul3A_66 = arith.mulf %add3A_65, %dot_general3A_54 : vector<2560x128xf32>
    %swap3A = arith.constant 0 : index
    %swap3A_67 = arith.constant 0 : index
    %swap3A_68 = vector.load %arg13[%swap3A, %swap3A_67] : memref<2560x128xf32, #tpu.memory_space<vmem>>, vector<2560x128xf32>
    tpu.vector_store %arg13[%swap3A, %swap3A_67], %mul3A_66 {strides = array<i32>} : memref<2560x128xf32, #tpu.memory_space<vmem>>, vector<2560x128xf32>,
    %get3A_69 = arith.constant 0 : index
    %get3A_70 = arith.constant 0 : index
    %get3A_71 = vector.load %arg8[%get3A_69, %get3A_70] : memref<128x128xf32, #tpu.memory_space<vmem>>, vector<64x128xf32>
    %dot_general3A_72 = arith.constant dense<0.000000e+00> : vector<2560x128xf32>
    %dot_general3A_73 = tpu.matmul %mul3A, %get3A_71, %dot_general3A_72 {dimension_numbers = #tpu.dot_dimension_numbers<[1], [0], [0], [1], [0, 0, 1, 1], [], []>, transpose_lhs_hint = false} : vector<2560x64xf32>, vector<64x128xf32>, vector<2560x128xf32> -> vector<2560x128xf32>
    %get3A_74 = arith.constant 64 : index
    %get3A_75 = arith.constant 0 : index
    %get3A_76 = vector.load %arg8[%get3A_74, %get3A_75] : memref<128x128xf32, #tpu.memory_space<vmem>>, vector<64x128xf32>
    %dot_general3A_77 = arith.constant dense<0.000000e+00> : vector<2560x128xf32>
    %dot_general3A_78 = tpu.matmul %mul3A_24, %get3A_76, %dot_general3A_77 {dimension_numbers = #tpu.dot_dimension_numbers<[1], [0], [0], [1], [0, 0, 1, 1], [], []>, transpose_lhs_hint = false} : vector<2560x64xf32>, vector<64x128xf32>, vector<2560x128xf32> -> vector<2560x128xf32>
    %add3A_79 = arith.addf %dot_general3A_73, %dot_general3A_78 : vector<2560x128xf32>
    %get3A_80 = arith.constant 0 : index
    %get3A_81 = arith.constant 0 : index
    %get3A_82 = vector.load %arg9[%get3A_80, %get3A_81] : memref<1x128xf32, #tpu.memory_space<vmem>>, vector<1x128xf32>
    %add3A_83 = vector.broadcast %get3A_82 : vector<1x128xf32> to vector<2560x128xf32>
    %add3A_84 = arith.addf %add3A_79, %add3A_83 : vector<2560x128xf32>
    %swap3A_85 = arith.constant 0 : index
    %swap3A_86 = arith.constant 0 : index
    %swap3A_87 = vector.load %arg14[%swap3A_85, %swap3A_86] : memref<2560x128xf32, #tpu.memory_space<vmem>>, vector<2560x128xf32>
    tpu.vector_store %arg14[%swap3A_85, %swap3A_86], %add3A_84 {strides = array<i32>} : memref<2560x128xf32, #tpu.memory_space<vmem>>, vector<2560x128xf32>,
    %get3A_88 = arith.constant 0 : index
    %get3A_89 = arith.constant 0 : index
    %get3A_90 = vector.load %arg12[%get3A_88, %get3A_89] : memref<128x128xf32, #tpu.memory_space<vmem>>, vector<128x128xf32>
    %dot_general3A_91 = arith.constant dense<0.000000e+00> : vector<2560x128xf32>
    %dot_general3A_92 = tpu.matmul %exp3A, %get3A_90, %dot_general3A_91 {dimension_numbers = #tpu.dot_dimension_numbers<[1], [0], [0], [1], [0, 0, 1, 1], [], []>, transpose_lhs_hint = false} : vector<2560x128xf32>, vector<128x128xf32>, vector<2560x128xf32> -> vector<2560x128xf32>
    %get3A_93 = arith.constant 0 : index
    %get3A_94 = arith.constant 0 : index
    %get3A_95 = vector.load %arg4[%get3A_93, %get3A_94] : memref<2560x1xi32, #tpu.memory_space<vmem>>, vector<2560x1xi32>
    %and3A_96 = arith.constant 31 : i32
    %and3A_97 = vector.broadcast %and3A_96 : i32 to vector<2560x1xi32>
    %and3A_98 = arith.andi %get3A_95, %and3A_97 : vector<2560x1xi32>
    %iota3A = tpu.iota {dimensions = array<i32: 1>} : vector<1x128xi32>
    %jit3A = arith.constant 4 : i32
    %div3A = vector.broadcast %jit3A : i32 to vector<1x128xi32>
    %div3A_99 = arith.divsi %iota3A, %div3A : vector<1x128xi32>
    %sign3A = arith.constant 0 : i32
    %sign3A_100 = vector.broadcast %sign3A : i32 to vector<1x128xi32>
    %sign3A_101 = arith.cmpi sgt, %iota3A, %sign3A_100 : vector<1x128xi32>
    %sign3A_102 = arith.extui %sign3A_101 : vector<1x128xi1> to vector<1x128xi32>
    %sign3A_103 = arith.constant 0 : i32
    %sign3A_104 = vector.broadcast %sign3A_103 : i32 to vector<1x128xi32>
    %sign3A_105 = arith.cmpi slt, %iota3A, %sign3A_104 : vector<1x128xi32>
    %sign3A_106 = arith.extui %sign3A_105 : vector<1x128xi1> to vector<1x128xi32>
    %sign3A_107 = arith.subi %sign3A_102, %sign3A_106 : vector<1x128xi32>
    %sign3A_108 = arith.constant 0 : i32
    %sign3A_109 = arith.cmpi sgt, %jit3A, %sign3A_108 : i32
    %sign3A_110 = arith.extui %sign3A_109 : i1 to i32
    %sign3A_111 = arith.constant 0 : i32
    %sign3A_112 = arith.cmpi slt, %jit3A, %sign3A_111 : i32
    %sign3A_113 = arith.extui %sign3A_112 : i1 to i32
    %sign3A_114 = arith.subi %sign3A_110, %sign3A_113 : i32
    %ne3A = vector.broadcast %sign3A_114 : i32 to vector<1x128xi32>
    %ne3A_115 = arith.cmpi ne, %sign3A_107, %ne3A : vector<1x128xi32>
    %rem3A = vector.broadcast %jit3A : i32 to vector<1x128xi32>
    %rem3A_116 = arith.remsi %iota3A, %rem3A : vector<1x128xi32>
    %ne3A_117 = arith.constant 0 : i32
    %ne3A_118 = vector.broadcast %ne3A_117 : i32 to vector<1x128xi32>
    %ne3A_119 = arith.cmpi ne, %rem3A_116, %ne3A_118 : vector<1x128xi32>
    %and3A_120 = arith.andi %ne3A_115, %ne3A_119 : vector<1x128xi1>
    %sub3A = arith.constant 1 : i32
    %sub3A_121 = vector.broadcast %sub3A : i32 to vector<1x128xi32>
    %sub3A_122 = arith.subi %div3A_99, %sub3A_121 : vector<1x128xi32>
    %select_n3A = arith.select %and3A_120, %sub3A_122, %div3A_99 : vector<1x128xi1>, vector<1x128xi32>
    %eq3A = vector.broadcast %and3A_98 : vector<2560x1xi32> to vector<2560x128xi32>
    %eq3A_123 = vector.broadcast %select_n3A : vector<1x128xi32> to vector<2560x128xi32>
    %eq3A_124 = arith.cmpi eq, %eq3A, %eq3A_123 : vector<2560x128xi32>
    %convert_element_type3A = arith.extui %eq3A_124 : vector<2560x128xi1> to vector<2560x128xi32>
    %convert_element_type3A_125 = arith.sitofp %convert_element_type3A : vector<2560x128xi32> to vector<2560x128xf32>
    %mul3A_126 = arith.mulf %dot_general3A_92, %convert_element_type3A_125 : vector<2560x128xf32>
    %iota3A_127 = tpu.iota {dimensions = array<i32: 0>} : vector<320x1xi32>
    %get3A_128 = arith.constant 0 : index
    %get3A_129 = arith.constant 0 : index
    %get3A_130 = vector.load %arg5[%get3A_128, %get3A_129] : memref<1x2560xi32, #tpu.memory_space<vmem>>, vector<1x2560xi32>
    %eq3A_131 = vector.broadcast %iota3A_127 : vector<320x1xi32> to vector<320x2560xi32>
    %eq3A_132 = vector.broadcast %get3A_130 : vector<1x2560xi32> to vector<320x2560xi32>
    %eq3A_133 = arith.cmpi eq, %eq3A_131, %eq3A_132 : vector<320x2560xi32>
    %convert_element_type3A_134 = arith.extui %eq3A_133 : vector<320x2560xi1> to vector<320x2560xi32>
    %convert_element_type3A_135 = arith.sitofp %convert_element_type3A_134 : vector<320x2560xi32> to vector<320x2560xf32>
    %dot_general3A_136 = arith.constant dense<0.000000e+00> : vector<320x128xf32>
    %dot_general3A_137 = tpu.matmul %convert_element_type3A_135, %mul3A_126, %dot_general3A_136 {dimension_numbers = #tpu.dot_dimension_numbers<[1], [0], [0], [1], [0, 0, 1, 1], [], []>, transpose_lhs_hint = false} : vector<320x2560xf32>, vector<2560x128xf32>, vector<320x128xf32> -> vector<320x128xf32>
    %eq3A_138 = arith.constant 0 : i32
    %eq3A_139 = arith.cmpi eq, %arg0, %eq3A_138 : i32
    %convert_element_type3A_140 = arith.extui %eq3A_139 : i1 to i32
    %cond3A = arith.constant 0 : i32
    %cond3A_141 = arith.cmpi ne, %convert_element_type3A_140, %cond3A : i32
    scf.if %cond3A_141 {
      %swap3A_146 = arith.constant 0 : index
      %swap3A_147 = arith.constant 0 : index
      %swap3A_148 = vector.load %arg15[%swap3A_146, %swap3A_147] : memref<320x128xf32, #tpu.memory_space<vmem>>, vector<320x128xf32>
      tpu.vector_store %arg15[%swap3A_146, %swap3A_147], %dot_general3A_137 {strides = array<i32>} : memref<320x128xf32, #tpu.memory_space<vmem>>, vector<320x128xf32>,
    } else {
    }
    %gt3A = arith.constant 0 : i32
    %gt3A_142 = arith.cmpi sgt, %arg0, %gt3A : i32
    %convert_element_type3A_143 = arith.extui %gt3A_142 : i1 to i32
    %cond3A_144 = arith.constant 0 : i32
    %cond3A_145 = arith.cmpi ne, %convert_element_type3A_143, %cond3A_144 : i32
    scf.if %cond3A_145 {
      %get3A_146 = arith.constant 0 : index
      %get3A_147 = arith.constant 0 : index
      %get3A_148 = vector.load %arg15[%get3A_146, %get3A_147] : memref<320x128xf32, #tpu.memory_space<vmem>>, vector<320x128xf32>
      %add3A_149 = arith.addf %get3A_148, %dot_general3A_137 : vector<320x128xf32>
      %swap3A_150 = arith.constant 0 : index
      %swap3A_151 = arith.constant 0 : index
      %swap3A_152 = vector.load %arg15[%swap3A_150, %swap3A_151] : memref<320x128xf32, #tpu.memory_space<vmem>>, vector<320x128xf32>
      tpu.vector_store %arg15[%swap3A_150, %swap3A_151], %add3A_149 {strides = array<i32>} : memref<320x128xf32, #tpu.memory_space<vmem>>, vector<320x128xf32>,
    } else {
    }
    return
  }
  func.func @transform_0(%arg0: i32) -> (i32, i32) {
    %c0_i32 = arith.constant 0 : i32
    %c0_i32_0 = arith.constant 0 : i32
    return %arg0, %c0_i32 : i32, i32
  }
  func.func @transform_1(%arg0: i32) -> (i32, i32) {
    %c0_i32 = arith.constant 0 : i32
    %c0_i32_0 = arith.constant 0 : i32
    return %arg0, %c0_i32 : i32, i32
  }
  func.func @transform_2(%arg0: i32) -> (i32, i32) {
    %c0_i32 = arith.constant 0 : i32
    %c0_i32_0 = arith.constant 0 : i32
    return %arg0, %c0_i32 : i32, i32
  }
  func.func @transform_3(%arg0: i32) -> (i32, i32) {
    %c0_i32 = arith.constant 0 : i32
    %c0_i32_0 = arith.constant 0 : i32
    return %arg0, %c0_i32 : i32, i32
  }
  func.func @transform_4(%arg0: i32) -> (i32, i32) {
    %c0_i32 = arith.constant 0 : i32
    %c0_i32_0 = arith.constant 0 : i32
    return %c0_i32, %arg0 : i32, i32
  }
  func.func @transform_5(%arg0: i32) -> (i32, i32) {
    %c0_i32 = arith.constant 0 : i32
    %c0_i32_0 = arith.constant 0 : i32
    %c0_i32_1 = arith.constant 0 : i32
    return %c0_i32, %c0_i32_0 : i32, i32
  }
  func.func @transform_6(%arg0: i32) -> (i32, i32) {
    %c0_i32 = arith.constant 0 : i32
    %c0_i32_0 = arith.constant 0 : i32
    %c0_i32_1 = arith.constant 0 : i32
    return %c0_i32, %c0_i32_0 : i32, i32
  }
  func.func @transform_7(%arg0: i32) -> (i32, i32) {
    %c0_i32 = arith.constant 0 : i32
    %c0_i32_0 = arith.constant 0 : i32
    %c0_i32_1 = arith.constant 0 : i32
    return %c0_i32, %c0_i32_0 : i32, i32
  }
  func.func @transform_8(%arg0: i32) -> (i32, i32) {
    %c0_i32 = arith.constant 0 : i32
    %c0_i32_0 = arith.constant 0 : i32
    %c0_i32_1 = arith.constant 0 : i32
    return %c0_i32, %c0_i32_0 : i32, i32
  }
  func.func @transform_9(%arg0: i32) -> (i32, i32) {
    %c0_i32 = arith.constant 0 : i32
    %c0_i32_0 = arith.constant 0 : i32
    %c0_i32_1 = arith.constant 0 : i32
    return %c0_i32, %c0_i32_0 : i32, i32
  }
  func.func @transform_10(%arg0: i32) -> (i32, i32) {
    %c0_i32 = arith.constant 0 : i32
    %c0_i32_0 = arith.constant 0 : i32
    %c0_i32_1 = arith.constant 0 : i32
    return %c0_i32, %c0_i32_0 : i32, i32
  }
  func.func @transform_11(%arg0: i32) -> (i32, i32) {
    %c0_i32 = arith.constant 0 : i32
    %c0_i32_0 = arith.constant 0 : i32
    %c0_i32_1 = arith.constant 0 : i32
    return %c0_i32, %c0_i32_0 : i32, i32
  }
  func.func @transform_12(%arg0: i32) -> (i32, i32) {
    %c0_i32 = arith.constant 0 : i32
    %c0_i32_0 = arith.constant 0 : i32
    return %arg0, %c0_i32 : i32, i32
  }
  func.func @transform_13(%arg0: i32) -> (i32, i32) {
    %c0_i32 = arith.constant 0 : i32
    %c0_i32_0 = arith.constant 0 : i32
    return %arg0, %c0_i32 : i32, i32
  }
  func.func @transform_14(%arg0: i32) -> (i32, i32) {
    %c0_i32 = arith.constant 0 : i32
    %c0_i32_0 = arith.constant 0 : i32
    %c0_i32_1 = arith.constant 0 : i32
    return %c0_i32, %c0_i32_0 : i32, i32
  }
}

module attributes {stable_mosaic.version = 14 : i64} {
  func.func @_fin_body(%arg0: i32, %arg1: memref<2x2048x128xf32, #tpu.memory_space<vmem>>, %arg2: memref<2048x4xf32, #tpu.memory_space<vmem>>, %arg3: memref<4x128xf32, #tpu.memory_space<vmem>>, %arg4: memref<2048x128xf32, #tpu.memory_space<vmem>>) attributes {dimension_semantics = [#tpu.dimension_semantics<arbitrary>], iteration_bounds = array<i64: 5>, scalar_prefetch = 0 : i64, scratch_operands = 0 : i64, tpu.core_type = #tpu.core_type<tc>, window_params = [{transform_indices = @transform_0, window_bounds = array<i64: 2, 2048, 128>}, {transform_indices = @transform_1, window_bounds = array<i64: 2048, 4>}, {pipeline_mode = #tpu.pipeline_mode<synchronous>, transform_indices = @transform_2, window_bounds = array<i64: 4, 128>}, {transform_indices = @transform_3, window_bounds = array<i64: 2048, 128>}]} {
    %get3A = arith.constant 0 : index
    %get3A_0 = arith.constant 0 : index
    %get3A_1 = arith.constant 0 : index
    %get3A_2 = vector.load %arg1[%get3A, %get3A_0, %get3A_1] : memref<2x2048x128xf32, #tpu.memory_space<vmem>>, vector<1x2048x128xf32>
    %get3A_3 = vector.shape_cast %get3A_2 : vector<1x2048x128xf32> to vector<2048x128xf32>
    %get3A_4 = arith.constant 1 : index
    %get3A_5 = arith.constant 0 : index
    %get3A_6 = arith.constant 0 : index
    %get3A_7 = vector.load %arg1[%get3A_4, %get3A_5, %get3A_6] : memref<2x2048x128xf32, #tpu.memory_space<vmem>>, vector<1x2048x128xf32>
    %get3A_8 = vector.shape_cast %get3A_7 : vector<1x2048x128xf32> to vector<2048x128xf32>
    %add3A = arith.addf %get3A_3, %get3A_8 : vector<2048x128xf32>
    %get3A_9 = arith.constant 0 : index
    %get3A_10 = arith.constant 0 : index
    %get3A_11 = vector.load %arg2[%get3A_9, %get3A_10] : memref<2048x4xf32, #tpu.memory_space<vmem>>, vector<2048x4xf32>
    %get3A_12 = arith.constant 0 : index
    %get3A_13 = arith.constant 0 : index
    %get3A_14 = vector.load %arg3[%get3A_12, %get3A_13] : memref<4x128xf32, #tpu.memory_space<vmem>>, vector<4x128xf32>
    %dot_general3A = arith.constant dense<0.000000e+00> : vector<2048x128xf32>
    %dot_general3A_15 = tpu.matmul %get3A_11, %get3A_14, %dot_general3A {dimension_numbers = #tpu.dot_dimension_numbers<[1], [0], [0], [1], [0, 0, 1, 1], [], []>, transpose_lhs_hint = false} : vector<2048x4xf32>, vector<4x128xf32>, vector<2048x128xf32> -> vector<2048x128xf32>
    %add3A_16 = arith.constant 1.000000e-16 : f32
    %add3A_17 = vector.broadcast %add3A_16 : f32 to vector<2048x128xf32>
    %add3A_18 = arith.addf %dot_general3A_15, %add3A_17 : vector<2048x128xf32>
    %div3A = arith.divf %add3A, %add3A_18 : vector<2048x128xf32>
    %swap3A = arith.constant 0 : index
    %swap3A_19 = arith.constant 0 : index
    %swap3A_20 = vector.load %arg4[%swap3A, %swap3A_19] : memref<2048x128xf32, #tpu.memory_space<vmem>>, vector<2048x128xf32>
    tpu.vector_store %arg4[%swap3A, %swap3A_19], %div3A {strides = array<i32>} : memref<2048x128xf32, #tpu.memory_space<vmem>>, vector<2048x128xf32>,
    return
  }
  func.func @transform_0(%arg0: i32) -> (i32, i32, i32) {
    %c0_i32 = arith.constant 0 : i32
    %c0_i32_0 = arith.constant 0 : i32
    %c0_i32_1 = arith.constant 0 : i32
    return %c0_i32, %arg0, %c0_i32_0 : i32, i32, i32
  }
  func.func @transform_1(%arg0: i32) -> (i32, i32) {
    %c0_i32 = arith.constant 0 : i32
    %c0_i32_0 = arith.constant 0 : i32
    return %arg0, %c0_i32 : i32, i32
  }
  func.func @transform_2(%arg0: i32) -> (i32, i32) {
    %c0_i32 = arith.constant 0 : i32
    %c0_i32_0 = arith.constant 0 : i32
    %c0_i32_1 = arith.constant 0 : i32
    return %c0_i32, %c0_i32_0 : i32, i32
  }
  func.func @transform_3(%arg0: i32) -> (i32, i32) {
    %c0_i32 = arith.constant 0 : i32
    %c0_i32_0 = arith.constant 0 : i32
    return %arg0, %c0_i32 : i32, i32
  }
}

</mosaic_0001>

<sc_bundles>
// kernel: kernel.10.cloned.1.call-start
scs
__scs_entry_jumppad:
0x0: {  	(pc) =	sbr.rel $0x88, $3  }
0x1: {  	(tag) =	ssettag $0x0;
	lr =	simm.s32 $0x1  }
0x2: {  	[smem:$0x3F99] =	sst lr;
	_ =	strace $0xD0000000  }
0x3: {  	_ = 	snop  }
0x4: {  	_ = 	snop  }
0x5: {  	_ = 	snop  }
0x6: {  	_ = 	snop  }
0x7: {  	_ = 	snop  }
__scs_overlays_trampoline_lowered:
0x8: {  	[smem:$0x3FA8] =	sst s0  }
0x9: {  	[smem:$0x3FA9] =	sst s1  }
0xa: {  	[smem:$0x3FAA] =	sst s2  }
0xb: {  	[smem:$0x3FAB] =	sst s3  }
0xc: {  	[smem:$0x3FAC] =	sst s4  }
0xd: {  	[smem:$0x3FAD] =	sst s5  }
0xe: {  	[smem:$0x3FAE] =	sst s6  }
0xf: {  	[smem:$0x3FAF] =	sst s7  }
0x10: {  	[smem:$0x3FB0] =	sst s8  }
0x11: {  	[smem:$0x3FB1] =	sst s9;
	s0 =	simm.s32 @!p0 $0x0  }
0x12: {  	s1 =	sld [smem:$0x3F97];
	s0 =	simm.s32 @p0 $0x1  }
0x13: {  	[smem:$0x3FB2] =	sst s0;
	s0 =	simm.s32 @!p1 $0x0  }
0x14: {  	s2 =	sld [smem:$0x3F96];
	s0 =	simm.s32 @p1 $0x1  }
0x15: {  	[smem:$0x3FB3] =	sst s0;
	s0 =	simm.s32 @!p2 $0x0  }
0x16: {  	s3 =	sld [smem:$0x3FDB];
	s0 =	simm.s32 @p2 $0x1  }
0x17: {  	s4 =	simm.s32 $0x1BF5;
	[smem:$0x3FB5] =	sst s0  }
0x18: {  	s0 =	sld [smem:$0x3F98];
	_ =	swait.ge [sflag:s4], $0x0  }
0x19: {  	s7 =	sld [smem:$0x3F99]  }
0x1a: {  	s8 =	sadd.s32 $0xFFFFE003, lr  }
0x1b: {  	s9 =	sadd.s32 $0xFFFFFEF7, lr;
	s5 =	simm.s32 $0xFFFFFFFF;
	p2 =	slt.u32 s8, $0xFFFFF086  }
0x1c: {  	p1 =	slt.u32 s9, $0xF7A;
	s5 =	simm.s32 @!p2 $0x0  }
0x1d: {  	s5 =	simm.s32 @p1 $0x1;
	p0 =	seq.s32 s7, s2  }
0x1e: {  	s7 =	smul.u32 @!p0 $0xF7A, s2;
	p2 =	seq.s32 @!p0 s5, $0x0  }
0x1f: {  	s9 =	smul.u32 $0xF7A, s1;
	s8 =	simm.s32 @!p0 $0x1BF5;
	p2 =	por !p2, p0  }
0x20: {  	[sflag:s8] =	ssyncset.s32 @!p0 $0xFFFFF086;
	s6 =	sadd.s32 @!p0 s3, s7;
	s7 =	simm.s32 @!p0 $0x108  }
0x21: {  	s3 =	sadd.s32 s3, s9;
	s6 =	sadd.s32 @!p0 $0x88, s6;
	s7 =	simm.s32 @p2 $0x1082  }
0x22: {  	[simem:s7], [sflag:s8] =	dma.local @!p0 [hbm:s6], $0xF7A  }
0x23: {  	s9 =	sor.u32 $0xD0000000, s2;
	s6 =	simm.s32 $0x108;
	_ =	swait.ge @!p0 [sflag:s8], $0x0  }
0x24: {  	s3 =	sadd.s32 $0x88, s3;
	s6 =	simm.s32 @!p1 $0x1082;
	[sflag:s4] =	ssyncset.s32 $0xFFFFF086  }
0x25: {  	[simem:s6], [sflag:s4] =	dma.local [hbm:s3], $0xF7A  }
0x26: {  	[smem:$0x3F99] =	sst s1;
	(tag) =	ssettag s2;
	_ =	strace s9  }
0x27: {  	s1 =	sld [smem:$0x3FA9]  }
0x28: {  	s2 =	sld [smem:$0x3FAA]  }
0x29: {  	s4 =	sld [smem:$0x3FAC]  }
0x2a: {  	p0 =	seq.s32 s5, $0x0;
	s5 =	sld [smem:$0x3FAD]  }
0x2b: {  	s6 =	sld [smem:$0x3FAE]  }
0x2c: {  	s7 =	sld [smem:$0x3FAF]  }
0x2d: {  	s3 =	simm.s32 $0x108;
	s8 =	sld [smem:$0x3FB0]  }
0x2e: {  	s3 =	simm.s32 @!p0 $0x1082;
	s9 =	sld [smem:$0x3FB1]  }
0x2f: {  	lr =	sadd.s32 s0, s3;
	s0 =	sld [smem:$0x3FA8]  }
0x30: {  	s3 =	sld [smem:$0x3FAB]  }
0x31: {  	[smem:$0x3FB4] =	sst s10  }
0x32: {  	s10 =	sld [smem:$0x3FB2];
	_ =	sdelay $0x3  }
0x33: {  	p0 =	seq.s32 s10, $0x1;
	s10 =	sld [smem:$0x3FB4];
	_ =	sdelay $0x3  }
0x34: {  	[smem:$0x3FB4] =	sst s10  }
0x35: {  	s10 =	sld [smem:$0x3FB3];
	_ =	sdelay $0x3  }
0x36: {  	p1 =	seq.s32 s10, $0x1;
	s10 =	sld [smem:$0x3FB4];
	_ =	sdelay $0x3  }
0x37: {  	[smem:$0x3FB4] =	sst s10  }
0x38: {  	s10 =	sld [smem:$0x3FB5]  }
0x39: {  	_ = 	snop;
	(pc) =	sbr.ind lr, $3  }
0x3a: {  	_ = 	snop  }
0x3b: {  	_ = 	snop  }
0x3c: {  	p2 =	seq.s32 s10, $0x1;
	s10 =	sld [smem:$0x3FB4]  }
0x3d: {  	_ =	shalt  }
0x3e: {  	_ =	shalt  }
0x3f: {  	_ =	shalt  }
0x40: {  	_ =	shalt  }
0x41: {  	_ =	shalt  }
0x42: {  	_ =	shalt  }
0x43: {  	_ =	shalt  }
0x44: {  	_ =	shalt  }
0x45: {  	_ =	shalt  }
0x46: {  	_ =	shalt  }
0x47: {  	_ =	shalt  }
0x48: {  	_ =	shalt  }
0x49: {  	_ =	shalt  }
0x4a: {  	_ =	shalt  }
0x4b: {  	_ =	shalt  }
0x4c: {  	_ =	shalt  }
0x4d: {  	_ =	shalt  }
0x4e: {  	_ =	shalt  }
0x4f: {  	_ =	shalt  }
0x50: {  	_ =	shalt  }
0x51: {  	_ =	shalt  }
0x52: {  	_ =	shalt  }
0x53: {  	_ =	shalt  }
0x54: {  	_ =	shalt  }
0x55: {  	_ =	shalt  }
0x56: {  	_ =	shalt  }
0x57: {  	_ =	shalt  }
0x58: {  	_ =	shalt  }
0x59: {  	_ =	shalt  }
0x5a: {  	_ =	shalt  }
0x5b: {  	_ =	shalt  }
0x5c: {  	_ =	shalt  }
0x5d: {  	_ =	shalt  }
0x5e: {  	_ =	shalt  }
0x5f: {  	_ =	shalt  }
0x60: {  	_ =	shalt  }
0x61: {  	_ =	shalt  }
0x62: {  	_ =	shalt  }
0x63: {  	_ =	shalt  }
0x64: {  	_ =	shalt  }
0x65: {  	_ =	shalt  }
0x66: {  	_ =	shalt  }
0x67: {  	_ =	shalt  }
0x68: {  	_ =	shalt  }
0x69: {  	_ =	shalt  }
0x6a: {  	_ =	shalt  }
0x6b: {  	_ =	shalt  }
0x6c: {  	_ =	shalt  }
0x6d: {  	_ =	shalt  }
0x6e: {  	_ =	shalt  }
0x6f: {  	_ =	shalt  }
0x70: {  	_ =	shalt  }
0x71: {  	_ =	shalt  }
0x72: {  	_ =	shalt  }
0x73: {  	_ =	shalt  }
0x74: {  	_ =	shalt  }
0x75: {  	_ =	shalt  }
0x76: {  	_ =	shalt  }
0x77: {  	_ =	shalt  }
0x78: {  	_ =	shalt  }
0x79: {  	_ =	shalt  }
0x7a: {  	_ =	shalt  }
0x7b: {  	_ =	shalt  }
0x7c: {  	_ =	shalt  }
0x7d: {  	_ =	shalt  }
0x7e: {  	_ =	shalt  }
0x7f: {  	_ =	shalt  }
0x80: {  	_ =	shalt  }
0x81: {  	_ =	shalt  }
0x82: {  	_ =	shalt  }
0x83: {  	_ =	shalt  }
0x84: {  	_ =	shalt  }
0x85: {  	_ =	shalt  }
0x86: {  	_ =	shalt  }
0x87: {  	_ =	shalt  }
.Lfunc_end0:
.L_simem_size_0:
called_computation.1_lowered:
.L_overlay_start_0:
0x88: {  	s2 =	sld [smem:$0x3FD9]  }
0x89: {  	s3 =	sld [smem:$0x3FFE];
	_ =	sdelay $0x1  }
0x8a: {  	s1 =	srdreg.scid  }
0x8b: {  	s0 =	sand.u32 $0x1, s1  }
0x8c: {  	s16 =	sshll.u32 s0, $0xA;
	s2 =	sadd.s32 s3, s2  }
0x8d: {  	s2 =	sadd.s32 s2, s16  }
0x8e: {  	[smem:$0x3FC0] =	sst s2  }
0x8f: {  	_ = 	snop  }
0x90: {  	(tm) =	ssettm $0x1  }
0x91: {  	s17 =	sld [smem:$0x3FFB];
	_ =	sdelay $0x3  }
0x92: {  	_ =	strace s17  }
0x93: {  	s2 =	sld [smem:$0x3FFC];
	_ =	sdelay $0x3  }
0x94: {  	_ =	strace s2  }
0x95: {  	s2 =	sld [smem:$0x3FFD];
	_ =	sdelay $0x3  }
0x96: {  	_ =	strace s2  }
0x97: {  	_ =	strace $0x8FFFFFFF  }
0x98: {  	s18 =	sld [smem:$0x3FDB];
	_ =	sdelay $0x1  }
0x99: {  	s19 =	simm.s32 $_scs_section_size  }
0x9a: {  	s4 =	simm.s32 $_size__tile_overlayer_lowered;
	s5 =	simm.s32 $_tile_overlayer_lowered  }
0x9b: {  	s22 =	simm.s32 $0x1BFF;
	s21 =	sshll.u32 s5, $0x1;
	s2 =	sadd.s32 s19, s18  }
0x9c: {  	s6 =	simm.s32 $0x0;
	s20 =	sshll.u32 s4, $0x1;
	s4 =	sadd.s32 s21, s2  }
0x9d: {  	[timem:s6], [sflag:s22] =	dma.local [hbm:s4], s20  }
0x9e: {  	_ =	swait.ge [sflag:s22], s20  }
0x9f: {  	s3 =	ssub.s32 $0x0, s20;
	[sflag:s22] =	ssyncset.done $0x0  }
0xa0: {  	[sflag:s22] =	ssyncadd.s32 s3;
	_ =	sdelay $0x1  }
0xa1: {  	s23 =	simm.s32 $0x1B8B  }
0xa2: {  	_ =	swait.ge [sflag:s23], $0x1  }
0xa3: {  	[sflag:s23] =	ssyncset.done $0x0  }
0xa4: {  	s25 =	simm.s32 $0x1B8E;
	s24 =	sld [smem:$0x3FFE];
	[sflag:s23] =	ssyncadd.s32 $0xFFFFFFFF  }
0xa5: {  	s26 =	simm.s32 $execute0_lowered;
	[smem:$0x3FD2] =	sst s25  }
0xa6: {  	s4 =	sshll.u32 s26, $0x1;
	_ =	strace $0x80000049;
	[dreg:$0x1] =	wrdreg $0xFFFFFFFF  }
0xa7: {  	s28 =	simm.s32 $_size_execute0_lowered;
	s2 =	sadd.s32 s2, s4;
	[dreg:$0x0] =	wrdreg $0x0  }
0xa8: {  	s4 =	sshll.u32 s28, $0x1;
	[dreg:$0x2] =	wrdreg s2  }
0xa9: {  	[dreg:$0x3] =	wrdreg s4  }
0xaa: {  	[dreg:$0x4] =	wrdreg $0xC0  }
0xab: {  	_ =	task [dreg:s6], $0x5FFFF  }
0xac: {  	[dreg:$0x1] =	wrdreg $0xFFFFFFFF  }
0xad: {  	[dreg:$0x0] =	wrdreg $0x60  }
0xae: {  	[dreg:$0x2] =	wrdreg s24  }
0xaf: {  	[dreg:$0x3] =	wrdreg $0x91000  }
0xb0: {  	[dreg:$0x4] =	wrdreg $0x9  }
0xb1: {  	_ =	task.clear_ibuf [dreg:s6], $0x5FFFF;
	_ =	strace $0x90000049  }
0xb2: {  	s29 =	simm.s32 $0x9;
	_ =	strace $0x8000004B  }
0xb3: {  	_ =	swait.ge [sflag:s29], $0x1  }
0xb4: {  	[sflag:s29] =	ssyncadd.s32 $0xFFFFFFFF  }
0xb5: {  	_ =	strace $0x9000004B  }
0xb6: {  	_ =	sfence  }
0xb7: {  	s30 =	sld [smem:$0x0];
	_ =	sdelay $0x2  }
0xb8: {  	s31 =	sshll.u32 s1, $0xD;
	s1 =	sshrl.u32 s1, $0x2  }
0xb9: {  	s3 =	sand.u32 $0x4000, s31;
	s1 =	sadd.s32 s1, s30  }
0xba: {  	s0 =	sor.u32 s3, s0;
	s1 =	sshll.u32 s1, $0x11  }
0xbb: {  	s0 =	sor.u32 s1, s0  }
0xbc: {  	s0 =	sadd.s32 $0x8F2B, s0  }
0xbd: {  	[sflag:s0] =	ssyncadd.remote.s32 $0x1  }
0xbe: {  	_ =	sfence.sel $0xFFFF  }
0xbf: {  	[dreg:$0x0] =	wrdreg $0xFFFFFFFF;
	(pc) =	sbr.abs _section_cstart, $3  }
0xc0: {  	[dreg:$0x1] =	wrdreg $0xFFFFFFFF  }
0xc1: {  	_ =	task.clear_ibuf [dreg:s6], $0x2FFFF;
	_ =	strace $0x9FFFFFFF  }
0xc2: {  	(tm) =	ssettm $0x7FFFFFFF  }
0xc3: {  	_ =	shalt  }
tec
execute0_lowered:
.L_overlay_start_1:
0x0: {  	(tag) =	ssettag $0x1  }
0x1: {  	s0 =	srdreg.scid;
	s19 =	stileid.u32  }
0x2: {  	s2 =	sand.u32 $0x1, s0;
	s9 =	smul.u32 $0x14000, s19  }
0x3: {  	s4 =	rddreg [dreg:$0x0];
	s6 =	smul.u32 $0x140000, s2  }
0x4: {  	s12 =	sshll.u32 s19, $0x1;
	s5 =	sadd.s32 $0x1149C00, s4;
	s28 =	smul.u32 $0x27100, s2  }
0x5: {  	s0 =	sor.u32 s2, s12;
	s13 =	ssub.s32 $0x2, s2;
	s2 =	smul.u32 $0x2710, s2  }
0x6: {  	s7 =	sadd.s32 $0x1F000, s4;
	s4 =	sadd.s32 $0x15200, s4;
	s3 =	smul.u32 $0x2710, s0  }
0x7: {  	s1 =	smul.u32 $0x27100, s0;
	s8 =	sshrl.u32 s13, $0x1;
	s12 =	sadd.s32 $0x6000, s9  }
0x8: {  	s0 =	ssub.s32 s13, s8;
	s11 =	sadd.s32 s6, s9;
	s13 =	sadd.s32 s6, s12  }
0x9: {  	s1 =	sadd.s32 s5, s1;
	s8 =	sadd.s32 $0x50, s3;
	s14 =	sshrl.u32 s11, $0x3  }
0xa: {  	s11 =	sadd.s32 $0x4000, s9;
	s18 =	sshrl.u32 s13, $0x3;
	s3 =	sshrl.u32 s3, $0x3  }
0xb: {  	s0 =	smax.u32 s0, $0x1;
	[dreg:$0x3] =	wrdreg s1;
	s10 =	sshll.u32 s8, $0x4  }
0xc: {  	s1 =	sor.u32 $0x2000, s9;
	s17 =	sadd.s32 s6, s11;
	s3 =	sadd.s32 s4, s3  }
0xd: {  	s10 =	sadd.s32 s5, s10;
	s15 =	sadd.s32 s6, s1;
	[dreg:$0xf] =	wrdreg s3  }
0xe: {  	[dreg:$0x4] =	wrdreg s10;
	s10 =	sadd.s32 s7, s14;
	s16 =	sshrl.u32 s15, $0x3  }
0xf: {  	s14 =	sadd.s32 $0x8000, s9;
	s15 =	sadd.s32 $0xA000, s9;
	[dreg:$0x5] =	wrdreg s10  }
0x10: {  	s10 =	sadd.s32 s7, s16;
	s20 =	sadd.s32 s6, s14;
	s22 =	sadd.s32 s6, s15  }
0x11: {  	s16 =	smul.u32 $0x4E200, s19;
	[dreg:$0x6] =	wrdreg s10;
	s10 =	sshrl.u32 s17, $0x3  }
0x12: {  	s21 =	sshrl.u32 s20, $0x3;
	s17 =	sadd.s32 $0xC000, s9;
	s23 =	sshrl.u32 s22, $0x3  }
0x13: {  	s20 =	sadd.s32 $0xE000, s9;
	s10 =	sadd.s32 s7, s10;
	s24 =	sadd.s32 s6, s17  }
0x14: {  	s5 =	sadd.s32 s16, s5;
	[dreg:$0x7] =	wrdreg s10;
	s10 =	sadd.s32 s7, s18  }
0x15: {  	s13 =	sshrl.u32 s24, $0x3;
	[dreg:$0x8] =	wrdreg s10;
	s10 =	sadd.s32 s7, s21  }
0x16: {  	s26 =	sadd.s32 s6, s20;
	s25 =	sadd.s32 s7, s13;
	[dreg:$0x9] =	wrdreg s10  }
0x17: {  	s21 =	sadd.s32 $0x10000, s9;
	s13 =	simm.s32 $0x0;
	[dreg:$0xb] =	wrdreg s25  }
0x18: {  	s9 =	sadd.s32 $0x12000, s9;
	s10 =	sadd.s32 s7, s23;
	[smem:$0x7FF] =	sst s13  }
0x19: {  	s30 =	sadd.s32 s6, s21;
	s6 =	sadd.s32 s6, s9;
	[dreg:$0xa] =	wrdreg s10  }
0x1a: {  	s10 =	sshrl.u32 s26, $0x3;
	s16 =	sshrl.u32 s30, $0x3;
	s6 =	sshrl.u32 s6, $0x3  }
0x1b: {  	s10 =	sadd.s32 s7, s10;
	s31 =	sadd.s32 s7, s16;
	s16 =	rddreg [dreg:$0x1]  }
0x1c: {  	s18 =	smul.u32 $0x4E20, s19;
	s6 =	sadd.s32 s7, s6;
	[dreg:$0xc] =	wrdreg s10  }
0x1d: {  	s5 =	sadd.s32 s28, s5;
	[dreg:$0xe] =	wrdreg s6;
	s6 =	sshrl.u32 s8, $0x3  }
0x1e: {  	s2 =	sadd.s32 s2, s18;
	[dreg:$0xd] =	wrdreg s31;
	s3 =	sadd.s32 s4, s6  }
0x1f: {  	s29 =	sadd.s32 $0xA00, s5;
	s2 =	sadd.s32 $0xA0, s2;
	[dreg:$0x10] =	wrdreg s3  }
0x20: {  	s10 =	sadd.s32 s1, s16;
	_ =	strace $0x8000004A;
	[dreg:$0x11] =	wrdreg s0  }
0x21: {  	s7 =	smul.u32 $0x50000, s19;
	s11 =	sadd.s32 s11, s16;
	[dreg:$0x12] =	wrdreg s10  }
0x22: {  	s2 =	sshrl.u32 s2, $0x3;
	s12 =	sadd.s32 s12, s16;
	[dreg:$0x13] =	wrdreg s11  }
0x23: {  	s18 =	sadd.s32 s2, s4;
	s14 =	sadd.s32 s14, s16;
	[dreg:$0x14] =	wrdreg s12  }
0x24: {  	s15 =	sadd.s32 s15, s16;
	s22 =	sadd.s32 s17, s16;
	[dreg:$0x15] =	wrdreg s14  }
0x25: {  	s23 =	sadd.s32 s20, s16;
	s24 =	sadd.s32 s21, s16;
	[dreg:$0x16] =	wrdreg s15  }
0x26: {  	s25 =	sadd.s32 s9, s16;
	s9 =	simm.s32 $0x5;
	[dreg:$0x17] =	wrdreg s22  }
0x27: {  	s17 =	simm.s32 $0x3;
	s20 =	simm.s32 $0x6;
	[dreg:$0x18] =	wrdreg s23  }
0x28: {  	s21 =	simm.s32 $0x7100;
	s8 =	sshrl.u32 s7, $0x2;
	[dreg:$0x19] =	wrdreg s24  }
0x29: {  	s19 =	sadd.s32 s8, s16;
	s8 =	simm.s32 $0x5100;
	[dreg:$0x1a] =	wrdreg s25  }
0x2a: {  	s26 =	sadd.s32 $0x2000, s19;
	s28 =	sadd.s32 $0x4000, s19;
	s30 =	sadd.s32 $0x6000, s19  }
0x2b: {  	s31 =	sadd.s32 $0x8000, s19;
	s3 =	sadd.s32 $0xA000, s19;
	s4 =	sadd.s32 $0xC000, s19  }
0x2c: {  	s5 =	sadd.s32 $0xE000, s19;
	s6 =	sadd.s32 $0x10000, s19;
	[dreg:$0x1b] =	wrdreg s26  }
0x2d: {  	s7 =	sadd.s32 $0x12000, s19;
	s10 =	simm.s32 $0x100;
	[dreg:$0x1c] =	wrdreg s28  }
0x2e: {  	s11 =	simm.s32 $0x50;
	s12 =	simm.s32 $0x1;
	[dreg:$0x1d] =	wrdreg s30  }
0x2f: {  	v0 =	vimm.f32 $0.0e+00;
	s14 =	simm.s32 $0x4;
	s22 =	simm.s32 $0x0;
	[dreg:$0x1e] =	wrdreg s31  }
.LBB2_1:
0x30: {  	s15 =	sand.u32 $0x7E00, s13  }
0x31: {  	s23 =	sand.u32 $0x70, s13;
	s24 =	sshrl.u32 s15, $0x2  }
0x32: {  	s15 =	simm.s32 $0x40;
	s24 =	sor.u32 s23, s24;
	s23 =	simm.s32 $0x0  }
.LBB2_2:
0x33: {  	p0 =	sne.s32 s15, $0x7FC0  }
0x34: {  	[tilespmem:s24+$0x5100] =	vst v0;
	s23 =	sadd.s32 $0x10, s23;
	s24 =	smov.u32 s15;
	s15 =	sadd.s32 $0x40, s15  }
.Ltmp0:
0x35: {  	(pc) =	sbr.rel @p0 .LBB2_2-.Ltmp0, $4  }
0x36: {  	_ = 	snop  }
0x37: {  	s24 =	sand.u32 $0x7E00, s24  }
0x38: {  	s25 =	sand.u32 $0x70, s23;
	s24 =	sshrl.u32 s24, $0x2  }
0x39: {  	s24 =	sor.u32 s25, s24  }
0x3a: {  	[tilespmem:s24+$0x5100] =	vst v0  }
0x3b: {  	[spmem:s19] =	stream.linear.scatter [tilespmem:s8], [sflag:$0x5], $0x2000, $0x38;
	[tilespmem:$0x1D100] =	vst v63  }
0x3c: {  	s0 =	rddreg [dreg:$0x1b]  }
0x3d: {  	[spmem:s0] =	stream.linear.scatter [tilespmem:s8], [sflag:$0x5], $0x2000, $0x38;
	[tilespmem:$0x1D100] =	vst v63  }
0x3e: {  	s2 =	rddreg [dreg:$0x1c]  }
0x3f: {  	[spmem:s2] =	stream.linear.scatter [tilespmem:s8], [sflag:$0x5], $0x2000, $0x38;
	[tilespmem:$0x1D100] =	vst v63  }
0x40: {  	s15 =	rddreg [dreg:$0x1d]  }
0x41: {  	[spmem:s15] =	stream.linear.scatter [tilespmem:s8], [sflag:$0x5], $0x2000, $0x38;
	[tilespmem:$0x1D100] =	vst v63  }
0x42: {  	s23 =	rddreg [dreg:$0x1e]  }
0x43: {  	[spmem:s23] =	stream.linear.scatter [tilespmem:s8], [sflag:$0x5], $0x2000, $0x38;
	[tilespmem:$0x1D100] =	vst v63  }
0x44: {  	_ = 	snop  }
0x45: {  	[spmem:s3] =	stream.linear.scatter [tilespmem:s8], [sflag:$0x5], $0x2000, $0x38;
	[tilespmem:$0x1D100] =	vst v63  }
0x46: {  	_ = 	snop  }
0x47: {  	[spmem:s4] =	stream.linear.scatter [tilespmem:s8], [sflag:$0x5], $0x2000, $0x38;
	[tilespmem:$0x1D100] =	vst v63  }
0x48: {  	_ = 	snop  }
0x49: {  	[spmem:s5] =	stream.linear.scatter [tilespmem:s8], [sflag:$0x5], $0x2000, $0x38;
	[tilespmem:$0x1D100] =	vst v63  }
0x4a: {  	_ = 	snop  }
0x4b: {  	[spmem:s6] =	stream.linear.scatter [tilespmem:s8], [sflag:$0x5], $0x2000, $0x38;
	[tilespmem:$0x1D100] =	vst v63  }
0x4c: {  	_ = 	snop  }
0x4d: {  	[spmem:s7] =	stream.linear.scatter [tilespmem:s8], [sflag:$0x5], $0x2000, $0x38;
	[tilespmem:$0x1D100] =	vst v63  }
0x4e: {  	_ =	swait.ge [sflag:s9], $0x2000  }
0x4f: {  	[sflag:s9] =	ssyncset.done $0x0  }
0x50: {  	[sflag:s9] =	ssyncadd.s32 $0xFFFFE000  }
0x51: {  	_ =	swait.ge [sflag:s9], $0x2000  }
0x52: {  	[sflag:s9] =	ssyncset.done $0x0  }
0x53: {  	[sflag:s9] =	ssyncadd.s32 $0xFFFFE000  }
0x54: {  	_ =	swait.ge [sflag:s9], $0x2000  }
0x55: {  	[sflag:s9] =	ssyncset.done $0x0  }
0x56: {  	[sflag:s9] =	ssyncadd.s32 $0xFFFFE000  }
0x57: {  	_ =	swait.ge [sflag:s9], $0x2000  }
0x58: {  	[sflag:s9] =	ssyncset.done $0x0  }
0x59: {  	[sflag:s9] =	ssyncadd.s32 $0xFFFFE000  }
0x5a: {  	_ =	swait.ge [sflag:s9], $0x2000  }
0x5b: {  	[sflag:s9] =	ssyncset.done $0x0  }
0x5c: {  	[sflag:s9] =	ssyncadd.s32 $0xFFFFE000  }
0x5d: {  	_ =	swait.ge [sflag:s9], $0x2000  }
0x5e: {  	[sflag:s9] =	ssyncset.done $0x0  }
0x5f: {  	[sflag:s9] =	ssyncadd.s32 $0xFFFFE000  }
0x60: {  	_ =	swait.ge [sflag:s9], $0x2000  }
0x61: {  	[sflag:s9] =	ssyncset.done $0x0  }
0x62: {  	[sflag:s9] =	ssyncadd.s32 $0xFFFFE000  }
0x63: {  	_ =	swait.ge [sflag:s9], $0x2000  }
0x64: {  	[sflag:s9] =	ssyncset.done $0x0  }
0x65: {  	[sflag:s9] =	ssyncadd.s32 $0xFFFFE000  }
0x66: {  	_ =	swait.ge [sflag:s9], $0x2000  }
0x67: {  	[sflag:s9] =	ssyncset.done $0x0  }
0x68: {  	[sflag:s9] =	ssyncadd.s32 $0xFFFFE000  }
0x69: {  	_ =	swait.ge [sflag:s9], $0x2000  }
0x6a: {  	[sflag:s9] =	ssyncset.done $0x0  }
0x6b: {  	[sflag:s9] =	ssyncadd.s32 $0xFFFFE000  }
0x6c: {  	[bflag:$0x0] =	sbarrier.arrive $0xFFFF  }
0x6d: {  	s24 =	rddreg [dreg:$0xf]  }
0x6e: {  	[tilespmem:s13], [sflag:$0x1] =	stream.linear.gather [hbm4b:s24+s13], $0x50, $0x38;
	[tilespmem:$0x1D100] =	vst v63  }
0x6f: {  	s15 =	simm.s32 $0x1;
	s25 =	rddreg [dreg:$0x3]  }
0x70: {  	[tilespmem:s10], [sflag:$0x1] =	stream.linear.gather [hbm4b:s25+s13], $0x2800, $0x38;
	[tilespmem:$0x1D100] =	vst v63  }
0x71: {  	_ =	swait.ge [sflag:s15], $0x50  }
0x72: {  	[sflag:s15] =	ssyncset.done $0x0  }
0x73: {  	[sflag:s15] =	ssyncadd.s32 $0xFFFFFFB0  }
0x74: {  	_ =	swait.ge [sflag:s15], $0x2800  }
0x75: {  	s1 =	simm.s32 $0x80;
	[sflag:s15] =	ssyncset.done $0x0  }
0x76: {  	s26 =	rddreg [dreg:$0x10];
	[sflag:s15] =	ssyncadd.s32 $0xFFFFD800;
	s15 =	sand.u32 $0x1, s15  }
0x77: {  	[tilespmem:s1], [sflag:$0x2] =	stream.linear.gather [hbm4b:s26+s13], $0x50, $0x38;
	[tilespmem:$0x1D100] =	vst v63  }
0x78: {  	s23 =	simm.s32 $0x2900;
	s2 =	rddreg [dreg:$0x4];
	p1 =	seq.s32 s15, $0x1  }
0x79: {  	[tilespmem:s23], [sflag:$0x2] =	stream.linear.gather [hbm4b:s2+s13], $0x2800, $0x38;
	[tilespmem:$0x1D100] =	vst v63  }
0x7a: {  	s15 =	simm.s32 @p1 $0x2  }
0x7b: {  	[spmem:s16] =	stream.indirect.scatter.add.f32 [tilespmem:s10], [sflag:$0x3], $0x80, s13, s11, $0xb8;
	[tilespmem:$0x1D100] =	vst v63  }
0x7c: {  	_ =	swait.ge @p1 [sflag:s15], $0x50  }
0x7d: {  	[sflag:s15] =	ssyncset.done @p1 $0x0  }
0x7e: {  	p0 =	por p1, p1;
	[sflag:s15] =	ssyncadd.s32 @p1 $0xFFFFFFB0  }
0x7f: {  	_ =	swait.ge @p0 [sflag:s15], $0x2800  }
0x80: {  	[sflag:s15] =	ssyncset.done @p0 $0x0  }
0x81: {  	[sflag:s15] =	ssyncadd.s32 @p0 $0xFFFFD800;
	s15 =	simm.s32 @p0 $0x3  }
0x82: {  	_ =	swait.ge @p0 [sflag:s15], $0x2800  }
0x83: {  	[sflag:s15] =	ssyncset.done @p0 $0x0  }
0x84: {  	[sflag:s15] =	ssyncadd.s32 @p0 $0xFFFFD800;
	s15 =	simm.s32 @p0 $0x0  }
0x85: {  	[tilespmem:s15], [sflag:$0x1] =	stream.linear.gather @p0 [hbm4b:s18+s15], $0x50, $0x38;
	[tilespmem:$0x1D100] =	vst v63  }
0x86: {  	s23 =	simm.s32 @p0 $0x100;
	s24 =	simm.s32 @!p0 $0x1  }
0x87: {  	[tilespmem:s23], [sflag:$0x1] =	stream.linear.gather @p0 [hbm4b:s29+s15], $0x2800, $0x38;
	[tilespmem:$0x1D100] =	vst v63  }
0x88: {  	s25 =	simm.s32 @p0 $0x2900;
	s15 =	simm.s32 @p0 $0x50;
	s23 =	simm.s32 @p0 $0x80  }
0x89: {  	[spmem:s16] =	stream.indirect.scatter.add.f32 @p0 [tilespmem:s25], [sflag:$0x4], $0x80, s23, s15, $0xb8;
	[tilespmem:$0x1D100] =	vst v63  }
0x8a: {  	_ =	swait.ge @!p0 [sflag:s24], $0x50  }
0x8b: {  	[sflag:s24] =	ssyncset.done @!p0 $0x0  }
0x8c: {  	[sflag:s24] =	ssyncadd.s32 @!p0 $0xFFFFFFB0  }
0x8d: {  	_ =	swait.ge @!p0 [sflag:s24], $0x2800  }
0x8e: {  	s28 =	simm.s32 $0x3;
	s31 =	smov.u32 s29;
	[sflag:s24] =	ssyncset.done @!p0 $0x0  }
0x8f: {  	s26 =	simm.s32 @!p1 $0x100;
	s15 =	simm.s32 @!p0 $0x4;
	[sflag:s24] =	ssyncadd.s32 @!p0 $0xFFFFD800  }
0x90: {  	s30 =	simm.s32 @!p0 $0x0;
	s24 =	simm.s32 $0x2;
	_ =	swait.ge @!p0 [sflag:s15], $0x2800  }
0x91: {  	s25 =	simm.s32 @!p1 $0x50;
	s23 =	sand.u32 $0x1, s24;
	[sflag:s15] =	ssyncset.done @!p0 $0x0  }
0x92: {  	s24 =	sadd.s32 $0xA, s18;
	[sflag:s15] =	ssyncadd.s32 @!p0 $0xFFFFD800;
	s15 =	simm.s32 @!p0 $0x80  }
0x93: {  	[tilespmem:s15], [sflag:$0x2] =	stream.linear.gather @!p0 [hbm4b:s18+s30], $0x50, $0x38;
	[tilespmem:$0x1D100] =	vst v63  }
0x94: {  	p1 =	seq.s32 s23, $0x1;
	s23 =	sadd.s32 $0x500, s29;
	s15 =	simm.s32 @!p0 $0x2900  }
.LBB2_4:
0x95: {  	[tilespmem:s15], [sflag:$0x2] =	stream.linear.gather @!p0 [hbm4b:s31+s30], $0x2800, $0x38;
	[tilespmem:$0x1D100] =	vst v63  }
0x96: {  	s15 =	smov.u32 s28;
	s31 =	smov.u32 s23  }
0x97: {  	s0 =	simm.s32 @p1 $0x2;
	s1 =	simm.s32 @!p1 $0x50;
	s2 =	simm.s32 @!p1 $0x100  }
0x98: {  	[spmem:s16] =	stream.indirect.scatter.add.f32 @!p0 [tilespmem:s26], [sflag:$0x3], $0x80, s30, s25, $0xb8;
	[tilespmem:$0x1D100] =	vst v63  }
0x99: {  	s28 =	sadd.s32 $0x1, s28;
	s25 =	smov.u32 s1;
	_ =	swait.ge @p1 [sflag:s0], $0x50  }
0x9a: {  	p2 =	sne.s32 s28, $0x7C;
	s26 =	smov.u32 s2;
	[sflag:s0] =	ssyncset.done @p1 $0x0  }
0x9b: {  	p0 =	por p1, p1;
	[sflag:s0] =	ssyncadd.s32 @p1 $0xFFFFFFB0  }
0x9c: {  	_ =	swait.ge @p0 [sflag:s0], $0x2800  }
0x9d: {  	[sflag:s0] =	ssyncset.done @p0 $0x0  }
0x9e: {  	[sflag:s0] =	ssyncadd.s32 @p0 $0xFFFFD800;
	s0 =	simm.s32 @p0 $0x3  }
0x9f: {  	_ =	swait.ge @p0 [sflag:s0], $0x2800  }
0xa0: {  	[sflag:s0] =	ssyncset.done @p0 $0x0  }
0xa1: {  	[sflag:s0] =	ssyncadd.s32 @p0 $0xFFFFD800;
	s0 =	simm.s32 @p0 $0x0  }
0xa2: {  	[tilespmem:s0], [sflag:$0x1] =	stream.linear.gather @p0 [hbm4b:s24+s0], $0x50, $0x38;
	[tilespmem:$0x1D100] =	vst v63  }
0xa3: {  	s1 =	simm.s32 @p0 $0x100;
	s2 =	simm.s32 @!p0 $0x1  }
0xa4: {  	[tilespmem:s1], [sflag:$0x1] =	stream.linear.gather @p0 [hbm4b:s23+s0], $0x2800, $0x38;
	[tilespmem:$0x1D100] =	vst v63  }
0xa5: {  	s30 =	simm.s32 @p0 $0x2900;
	s0 =	simm.s32 @p0 $0x50;
	s1 =	simm.s32 @p0 $0x80  }
0xa6: {  	[spmem:s16] =	stream.indirect.scatter.add.f32 @p0 [tilespmem:s30], [sflag:$0x4], $0x80, s1, s0, $0xb8;
	[tilespmem:$0x1D100] =	vst v63  }
0xa7: {  	_ =	swait.ge @!p0 [sflag:s2], $0x50  }
0xa8: {  	[sflag:s2] =	ssyncset.done @!p0 $0x0  }
0xa9: {  	[sflag:s2] =	ssyncadd.s32 @!p0 $0xFFFFFFB0  }
0xaa: {  	_ =	swait.ge @!p0 [sflag:s2], $0x2800  }
0xab: {  	[sflag:s2] =	ssyncset.done @!p0 $0x0  }
0xac: {  	s0 =	simm.s32 @!p0 $0x4;
	[sflag:s2] =	ssyncadd.s32 @!p0 $0xFFFFD800  }
.Ltmp1:
0xad: {  	_ =	swait.ge @!p0 [sflag:s0], $0x2800;
	(pc) =	sbr.rel @p2 .LBB2_4-.Ltmp1, $4  }
0xae: {  	s1 =	sand.u32 $0x1, s15;
	s15 =	simm.s32 @!p0 $0x2900;
	[sflag:s0] =	ssyncset.done @!p0 $0x0  }
0xaf: {  	s30 =	simm.s32 @!p0 $0x0;
	[sflag:s0] =	ssyncadd.s32 @!p0 $0xFFFFD800;
	s0 =	simm.s32 @!p0 $0x80  }
0xb0: {  	[tilespmem:s0], [sflag:$0x2] =	stream.linear.gather @!p0 [hbm4b:s24+s30], $0x50, $0x38;
	[tilespmem:$0x1D100] =	vst v63  }
0xb1: {  	s23 =	sadd.s32 $0x500, s23;
	p1 =	seq.s32 s1, $0x1;
	s24 =	sadd.s32 $0xA, s24  }
0xb2: {  	[tilespmem:s15], [sflag:$0x2] =	stream.linear.gather @!p0 [hbm4b:s31+s30], $0x2800, $0x38;
	[tilespmem:$0x1D100] =	vst v63  }
0xb3: {  	s0 =	simm.s32 @p1 $0x2  }
0xb4: {  	[spmem:s16] =	stream.indirect.scatter.add.f32 @!p0 [tilespmem:s26], [sflag:$0x3], $0x80, s30, s25, $0xb8;
	[tilespmem:$0x1D100] =	vst v63  }
0xb5: {  	_ =	swait.ge @p1 [sflag:s0], $0x50  }
0xb6: {  	[sflag:s0] =	ssyncset.done @p1 $0x0  }
0xb7: {  	p0 =	por p1, p1;
	[sflag:s0] =	ssyncadd.s32 @p1 $0xFFFFFFB0  }
0xb8: {  	_ =	swait.ge @p0 [sflag:s0], $0x2800  }
0xb9: {  	[sflag:s0] =	ssyncset.done @p0 $0x0  }
0xba: {  	[sflag:s0] =	ssyncadd.s32 @p0 $0xFFFFD800;
	s0 =	simm.s32 @p0 $0x3  }
0xbb: {  	_ =	swait.ge @p0 [sflag:s0], $0x2800  }
0xbc: {  	[sflag:s0] =	ssyncset.done @p0 $0x0  }
0xbd: {  	[sflag:s0] =	ssyncadd.s32 @p0 $0xFFFFD800;
	s0 =	simm.s32 @p0 $0x0  }
0xbe: {  	[tilespmem:s0], [sflag:$0x1] =	stream.linear.gather @p0 [hbm4b:s24+s0], $0x50, $0x38;
	[tilespmem:$0x1D100] =	vst v63  }
0xbf: {  	s1 =	simm.s32 @p0 $0x100  }
0xc0: {  	[tilespmem:s1], [sflag:$0x1] =	stream.linear.gather @p0 [hbm4b:s23+s0], $0x2800, $0x38;
	[tilespmem:$0x1D100] =	vst v63  }
0xc1: {  	s2 =	simm.s32 @p0 $0x2900;
	s0 =	simm.s32 @p0 $0x50;
	s1 =	simm.s32 @p0 $0x80  }
0xc2: {  	[spmem:s16] =	stream.indirect.scatter.add.f32 @p0 [tilespmem:s2], [sflag:$0x4], $0x80, s1, s0, $0xb8;
	[tilespmem:$0x1D100] =	vst v63  }
0xc3: {  	s0 =	simm.s32 @!p0 $0x1  }
0xc4: {  	_ =	swait.ge @!p0 [sflag:s0], $0x50  }
0xc5: {  	[sflag:s0] =	ssyncset.done @!p0 $0x0  }
0xc6: {  	[sflag:s0] =	ssyncadd.s32 @!p0 $0xFFFFFFB0  }
0xc7: {  	_ =	swait.ge @!p0 [sflag:s0], $0x2800  }
0xc8: {  	[sflag:s0] =	ssyncset.done @!p0 $0x0  }
0xc9: {  	[sflag:s0] =	ssyncadd.s32 @!p0 $0xFFFFD800;
	s0 =	simm.s32 @!p0 $0x4  }
0xca: {  	_ =	swait.ge @!p0 [sflag:s0], $0x2800  }
0xcb: {  	[sflag:s0] =	ssyncset.done @!p0 $0x0  }
0xcc: {  	s1 =	simm.s32 @!p0 $0x80;
	[sflag:s0] =	ssyncadd.s32 @!p0 $0xFFFFD800;
	s0 =	simm.s32 @!p0 $0x0  }
0xcd: {  	[tilespmem:s1], [sflag:$0x2] =	stream.linear.gather @!p0 [hbm4b:s24+s0], $0x50, $0x38;
	[tilespmem:$0x1D100] =	vst v63  }
0xce: {  	s1 =	simm.s32 @!p0 $0x2900  }
0xcf: {  	[tilespmem:s1], [sflag:$0x2] =	stream.linear.gather @!p0 [hbm4b:s23+s0], $0x2800, $0x38;
	[tilespmem:$0x1D100] =	vst v63  }
0xd0: {  	s2 =	simm.s32 @!p1 $0x100;
	s1 =	simm.s32 @!p1 $0x50  }
0xd1: {  	[spmem:s16] =	stream.indirect.scatter.add.f32 @!p0 [tilespmem:s2], [sflag:$0x3], $0x80, s0, s1, $0xb8;
	[tilespmem:$0x1D100] =	vst v63  }
0xd2: {  	_ =	swait.ge [sflag:s12], $0x50  }
0xd3: {  	[sflag:s12] =	ssyncset.done $0x0  }
0xd4: {  	[sflag:s12] =	ssyncadd.s32 $0xFFFFFFB0  }
0xd5: {  	_ =	swait.ge [sflag:s12], $0x2800  }
0xd6: {  	[sflag:s12] =	ssyncset.done $0x0  }
0xd7: {  	[sflag:s12] =	ssyncadd.s32 $0xFFFFD800  }
0xd8: {  	_ =	swait.ge [sflag:s14], $0x2800  }
0xd9: {  	[sflag:s14] =	ssyncset.done $0x0  }
0xda: {  	[sflag:s14] =	ssyncadd.s32 $0xFFFFD800  }
0xdb: {  	[spmem:s16] =	stream.indirect.scatter.add.f32 [tilespmem:s10], [sflag:$0x3], $0x80, s13, s11, $0xb8;
	[tilespmem:$0x1D100] =	vst v63  }
0xdc: {  	_ =	swait.ge [sflag:s17], $0x2800  }
0xdd: {  	[sflag:s17] =	ssyncset.done $0x0  }
0xde: {  	[sflag:s17] =	ssyncadd.s32 $0xFFFFD800  }
0xdf: {  	[bflag:$0x0] =	sbarrier.arrive $0xFFFF  }
0xe0: {  	[tilespmem:s8], [sflag:$0x6] =	stream.linear.gather [spmem:s19], $0x2000, $0x38;
	[tilespmem:$0x1D100] =	vst v63  }
0xe1: {  	_ =	swait.ge [sflag:s20], $0x2000  }
0xe2: {  	[sflag:s20] =	ssyncset.done $0x0  }
0xe3: {  	s1 =	rddreg [dreg:$0x5];
	[sflag:s20] =	ssyncadd.s32 $0xFFFFE000  }
0xe4: {  	[hbm4b:s1+s13] =	stream.linear.scatter [tilespmem:s8], [sflag:$0x5], $0x2000, $0x38;
	[tilespmem:$0x1D100] =	vst v63  }
0xe5: {  	s2 =	rddreg [dreg:$0x12]  }
0xe6: {  	[tilespmem:s21], [sflag:$0x6] =	stream.linear.gather [spmem:s2], $0x2000, $0x38;
	[tilespmem:$0x1D100] =	vst v63  }
0xe7: {  	_ =	swait.ge [sflag:s20], $0x2000  }
0xe8: {  	[sflag:s20] =	ssyncset.done $0x0  }
0xe9: {  	s15 =	rddreg [dreg:$0x6];
	[sflag:s20] =	ssyncadd.s32 $0xFFFFE000  }
0xea: {  	[hbm4b:s15+s13] =	stream.linear.scatter [tilespmem:s21], [sflag:$0x5], $0x2000, $0x38;
	[tilespmem:$0x1D100] =	vst v63  }
0xeb: {  	_ =	swait.ge [sflag:s9], $0x2000  }
0xec: {  	[sflag:s9] =	ssyncset.done $0x0  }
0xed: {  	s23 =	rddreg [dreg:$0x13];
	[sflag:s9] =	ssyncadd.s32 $0xFFFFE000  }
0xee: {  	[tilespmem:s8], [sflag:$0x6] =	stream.linear.gather [spmem:s23], $0x2000, $0x38;
	[tilespmem:$0x1D100] =	vst v63  }
0xef: {  	_ =	swait.ge [sflag:s20], $0x2000  }
0xf0: {  	[sflag:s20] =	ssyncset.done $0x0  }
0xf1: {  	s24 =	rddreg [dreg:$0x7];
	[sflag:s20] =	ssyncadd.s32 $0xFFFFE000  }
0xf2: {  	[hbm4b:s24+s13] =	stream.linear.scatter [tilespmem:s8], [sflag:$0x5], $0x2000, $0x38;
	[tilespmem:$0x1D100] =	vst v63  }
0xf3: {  	_ =	swait.ge [sflag:s9], $0x2000  }
0xf4: {  	[sflag:s9] =	ssyncset.done $0x0  }
0xf5: {  	s25 =	rddreg [dreg:$0x14];
	[sflag:s9] =	ssyncadd.s32 $0xFFFFE000  }
0xf6: {  	[tilespmem:s21], [sflag:$0x6] =	stream.linear.gather [spmem:s25], $0x2000, $0x38;
	[tilespmem:$0x1D100] =	vst v63  }
0xf7: {  	_ =	swait.ge [sflag:s20], $0x2000  }
0xf8: {  	[sflag:s20] =	ssyncset.done $0x0  }
0xf9: {  	s26 =	rddreg [dreg:$0x8];
	[sflag:s20] =	ssyncadd.s32 $0xFFFFE000  }
0xfa: {  	[hbm4b:s26+s13] =	stream.linear.scatter [tilespmem:s21], [sflag:$0x5], $0x2000, $0x38;
	[tilespmem:$0x1D100] =	vst v63  }
0xfb: {  	_ =	swait.ge [sflag:s9], $0x2000  }
0xfc: {  	[sflag:s9] =	ssyncset.done $0x0  }
0xfd: {  	s28 =	rddreg [dreg:$0x15];
	[sflag:s9] =	ssyncadd.s32 $0xFFFFE000  }
0xfe: {  	[tilespmem:s8], [sflag:$0x6] =	stream.linear.gather [spmem:s28], $0x2000, $0x38;
	[tilespmem:$0x1D100] =	vst v63  }
0xff: {  	_ =	swait.ge [sflag:s20], $0x2000  }
0x100: {  	[sflag:s20] =	ssyncset.done $0x0  }
0x101: {  	s30 =	rddreg [dreg:$0x9];
	[sflag:s20] =	ssyncadd.s32 $0xFFFFE000  }
0x102: {  	[hbm4b:s30+s13] =	stream.linear.scatter [tilespmem:s8], [sflag:$0x5], $0x2000, $0x38;
	[tilespmem:$0x1D100] =	vst v63  }
0x103: {  	_ =	swait.ge [sflag:s9], $0x2000  }
0x104: {  	[sflag:s9] =	ssyncset.done $0x0  }
0x105: {  	s31 =	rddreg [dreg:$0x16];
	[sflag:s9] =	ssyncadd.s32 $0xFFFFE000  }
0x106: {  	[tilespmem:s21], [sflag:$0x6] =	stream.linear.gather [spmem:s31], $0x2000, $0x38;
	[tilespmem:$0x1D100] =	vst v63  }
0x107: {  	_ =	swait.ge [sflag:s20], $0x2000  }
0x108: {  	[sflag:s20] =	ssyncset.done $0x0  }
0x109: {  	s1 =	rddreg [dreg:$0xa];
	[sflag:s20] =	ssyncadd.s32 $0xFFFFE000  }
0x10a: {  	[hbm4b:s1+s13] =	stream.linear.scatter [tilespmem:s21], [sflag:$0x5], $0x2000, $0x38;
	[tilespmem:$0x1D100] =	vst v63  }
0x10b: {  	_ =	swait.ge [sflag:s9], $0x2000  }
0x10c: {  	[sflag:s9] =	ssyncset.done $0x0  }
0x10d: {  	s2 =	rddreg [dreg:$0x17];
	[sflag:s9] =	ssyncadd.s32 $0xFFFFE000  }
0x10e: {  	[tilespmem:s8], [sflag:$0x6] =	stream.linear.gather [spmem:s2], $0x2000, $0x38;
	[tilespmem:$0x1D100] =	vst v63  }
0x10f: {  	_ =	swait.ge [sflag:s20], $0x2000  }
0x110: {  	[sflag:s20] =	ssyncset.done $0x0  }
0x111: {  	s15 =	rddreg [dreg:$0xb];
	[sflag:s20] =	ssyncadd.s32 $0xFFFFE000  }
0x112: {  	[hbm4b:s15+s13] =	stream.linear.scatter [tilespmem:s8], [sflag:$0x5], $0x2000, $0x38;
	[tilespmem:$0x1D100] =	vst v63  }
0x113: {  	_ =	swait.ge [sflag:s9], $0x2000  }
0x114: {  	[sflag:s9] =	ssyncset.done $0x0  }
0x115: {  	s23 =	rddreg [dreg:$0x18];
	[sflag:s9] =	ssyncadd.s32 $0xFFFFE000  }
0x116: {  	[tilespmem:s21], [sflag:$0x6] =	stream.linear.gather [spmem:s23], $0x2000, $0x38;
	[tilespmem:$0x1D100] =	vst v63  }
0x117: {  	_ =	swait.ge [sflag:s20], $0x2000  }
0x118: {  	[sflag:s20] =	ssyncset.done $0x0  }
0x119: {  	s24 =	rddreg [dreg:$0xc];
	[sflag:s20] =	ssyncadd.s32 $0xFFFFE000  }
0x11a: {  	[hbm4b:s24+s13] =	stream.linear.scatter [tilespmem:s21], [sflag:$0x5], $0x2000, $0x38;
	[tilespmem:$0x1D100] =	vst v63  }
0x11b: {  	_ =	swait.ge [sflag:s9], $0x2000  }
0x11c: {  	[sflag:s9] =	ssyncset.done $0x0  }
0x11d: {  	s25 =	rddreg [dreg:$0x19];
	[sflag:s9] =	ssyncadd.s32 $0xFFFFE000  }
0x11e: {  	[tilespmem:s8], [sflag:$0x6] =	stream.linear.gather [spmem:s25], $0x2000, $0x38;
	[tilespmem:$0x1D100] =	vst v63  }
0x11f: {  	_ =	swait.ge [sflag:s20], $0x2000  }
0x120: {  	[sflag:s20] =	ssyncset.done $0x0  }
0x121: {  	s26 =	rddreg [dreg:$0xd];
	[sflag:s20] =	ssyncadd.s32 $0xFFFFE000  }
0x122: {  	[hbm4b:s26+s13] =	stream.linear.scatter [tilespmem:s8], [sflag:$0x5], $0x2000, $0x38;
	[tilespmem:$0x1D100] =	vst v63  }
0x123: {  	_ =	swait.ge [sflag:s9], $0x2000  }
0x124: {  	[sflag:s9] =	ssyncset.done $0x0  }
0x125: {  	s28 =	rddreg [dreg:$0x1a];
	[sflag:s9] =	ssyncadd.s32 $0xFFFFE000  }
0x126: {  	[tilespmem:s21], [sflag:$0x6] =	stream.linear.gather [spmem:s28], $0x2000, $0x38;
	[tilespmem:$0x1D100] =	vst v63  }
0x127: {  	_ =	swait.ge [sflag:s20], $0x2000  }
0x128: {  	[sflag:s20] =	ssyncset.done $0x0  }
0x129: {  	s30 =	rddreg [dreg:$0xe];
	[sflag:s20] =	ssyncadd.s32 $0xFFFFE000  }
0x12a: {  	[hbm4b:s30+s13] =	stream.linear.scatter [tilespmem:s21], [sflag:$0x5], $0x2000, $0x38;
	[tilespmem:$0x1D100] =	vst v63  }
0x12b: {  	_ =	swait.ge [sflag:s9], $0x2000  }
0x12c: {  	[sflag:s9] =	ssyncset.done $0x0  }
0x12d: {  	[sflag:s9] =	ssyncadd.s32 $0xFFFFE000  }
0x12e: {  	_ =	swait.ge [sflag:s9], $0x2000  }
0x12f: {  	s22 =	sadd.s32 $0x1, s22;
	s31 =	rddreg [dreg:$0x11]  }
0x130: {  	p0 =	sne.s32 s22, s31  }
.Ltmp2:
0x131: {  	_ = 	snop;
	(pc) =	sbr.rel @p0 .LBB2_1-.Ltmp2, $3  }
0x132: {  	_ =	sdelay $0x1  }
0x133: {  	[sflag:s9] =	ssyncset.done $0x0  }
0x134: {  	[sflag:s9] =	ssyncadd.s32 $0xFFFFE000  }
0x135: {  	_ =	sfence.sel $0x180000  }
0x136: {  	[bflag:$0x0] =	sbarrier.arrive $0xFFFF  }
0x137: {  	_ =	strace $0x9000004A  }
0x138: {  	s0 =	stileid.u32;
	[bflag:$0x2] =	sbarrier.arrive $0xFFFF  }
0x139: {  	p0 =	sne.s32 s0, $0x0;
	s0 =	rddreg [dreg:$0x2]  }
0x13a: {  	s0 =	sadd.s32 @!p0 $0x100000, s0  }
0x13b: {  	[sflag:s0] =	ssyncadd.tile.s32 @!p0 $0x1;
	_ =	shalt  }
.Lfunc_end2:
_tile_overlayer_lowered:
.L_overlay_start_2:
0x13c: {  	(tag) =	ssettag $0x2  }
0x13d: {  	s0 =	rddreg [dreg:$0x0];
	s2 =	stileid.u32  }
0x13e: {  	s1 =	rddreg [dreg:$0x1];
	p0 =	sne.s32 s2, $0x0  }
0x13f: {  	s3 =	rddreg [dreg:$0x2];
	[bflag:$0x3] =	sbarrier.arrive $0xFFFF;
	s2 =	simm.s32 @!p0 $0x1C06  }
0x140: {  	[timem:s3], [sflag:s2] =	dma.local @!p0 [hbm:s0], s1  }
0x141: {  	s0 =	simm.s32 @!p0 $0x6  }
0x142: {  	_ =	swait.ge @!p0 [sflag:s0], s1  }
0x143: {  	s1 =	ssub.s32 @!p0 $0x0, s1;
	[sflag:s0] =	ssyncset.done @!p0 $0x0  }
0x144: {  	[sflag:s0] =	ssyncadd.s32 @!p0 s1  }
0x145: {  	[bflag:$0x3] =	sbarrier.arrive $0xFFFF  }
0x146: {  	_ =	shalt  }

// kernel: kernel.7.cloned.1.call-start
scs
__scs_entry_jumppad:
0x0: {  	(pc) =	sbr.rel $0x88, $3  }
0x1: {  	(tag) =	ssettag $0x0;
	lr =	simm.s32 $0x1  }
0x2: {  	[smem:$0x3F99] =	sst lr;
	_ =	strace $0xD0000000  }
0x3: {  	_ = 	snop  }
0x4: {  	_ = 	snop  }
0x5: {  	_ = 	snop  }
0x6: {  	_ = 	snop  }
0x7: {  	_ = 	snop  }
__scs_overlays_trampoline_lowered:
0x8: {  	[smem:$0x3FA8] =	sst s0  }
0x9: {  	[smem:$0x3FA9] =	sst s1  }
0xa: {  	[smem:$0x3FAA] =	sst s2  }
0xb: {  	[smem:$0x3FAB] =	sst s3  }
0xc: {  	[smem:$0x3FAC] =	sst s4  }
0xd: {  	[smem:$0x3FAD] =	sst s5  }
0xe: {  	[smem:$0x3FAE] =	sst s6  }
0xf: {  	[smem:$0x3FAF] =	sst s7  }
0x10: {  	[smem:$0x3FB0] =	sst s8  }
0x11: {  	[smem:$0x3FB1] =	sst s9;
	s0 =	simm.s32 @!p0 $0x0  }
0x12: {  	s1 =	sld [smem:$0x3F97];
	s0 =	simm.s32 @p0 $0x1  }
0x13: {  	[smem:$0x3FB2] =	sst s0;
	s0 =	simm.s32 @!p1 $0x0  }
0x14: {  	s2 =	sld [smem:$0x3F96];
	s0 =	simm.s32 @p1 $0x1  }
0x15: {  	[smem:$0x3FB3] =	sst s0;
	s0 =	simm.s32 @!p2 $0x0  }
0x16: {  	s3 =	sld [smem:$0x3FDB];
	s0 =	simm.s32 @p2 $0x1  }
0x17: {  	s4 =	simm.s32 $0x1BF5;
	[smem:$0x3FB5] =	sst s0  }
0x18: {  	s0 =	sld [smem:$0x3F98];
	_ =	swait.ge [sflag:s4], $0x0  }
0x19: {  	s7 =	sld [smem:$0x3F99]  }
0x1a: {  	s8 =	sadd.s32 $0xFFFFE003, lr  }
0x1b: {  	s9 =	sadd.s32 $0xFFFFFEF7, lr;
	s5 =	simm.s32 $0xFFFFFFFF;
	p2 =	slt.u32 s8, $0xFFFFF086  }
0x1c: {  	p1 =	slt.u32 s9, $0xF7A;
	s5 =	simm.s32 @!p2 $0x0  }
0x1d: {  	s5 =	simm.s32 @p1 $0x1;
	p0 =	seq.s32 s7, s2  }
0x1e: {  	s7 =	smul.u32 @!p0 $0xF7A, s2;
	p2 =	seq.s32 @!p0 s5, $0x0  }
0x1f: {  	s9 =	smul.u32 $0xF7A, s1;
	s8 =	simm.s32 @!p0 $0x1BF5;
	p2 =	por !p2, p0  }
0x20: {  	[sflag:s8] =	ssyncset.s32 @!p0 $0xFFFFF086;
	s6 =	sadd.s32 @!p0 s3, s7;
	s7 =	simm.s32 @!p0 $0x108  }
0x21: {  	s3 =	sadd.s32 s3, s9;
	s6 =	sadd.s32 @!p0 $0x88, s6;
	s7 =	simm.s32 @p2 $0x1082  }
0x22: {  	[simem:s7], [sflag:s8] =	dma.local @!p0 [hbm:s6], $0xF7A  }
0x23: {  	s9 =	sor.u32 $0xD0000000, s2;
	s6 =	simm.s32 $0x108;
	_ =	swait.ge @!p0 [sflag:s8], $0x0  }
0x24: {  	s3 =	sadd.s32 $0x88, s3;
	s6 =	simm.s32 @!p1 $0x1082;
	[sflag:s4] =	ssyncset.s32 $0xFFFFF086  }
0x25: {  	[simem:s6], [sflag:s4] =	dma.local [hbm:s3], $0xF7A  }
0x26: {  	[smem:$0x3F99] =	sst s1;
	(tag) =	ssettag s2;
	_ =	strace s9  }
0x27: {  	s1 =	sld [smem:$0x3FA9]  }
0x28: {  	s2 =	sld [smem:$0x3FAA]  }
0x29: {  	s4 =	sld [smem:$0x3FAC]  }
0x2a: {  	p0 =	seq.s32 s5, $0x0;
	s5 =	sld [smem:$0x3FAD]  }
0x2b: {  	s6 =	sld [smem:$0x3FAE]  }
0x2c: {  	s7 =	sld [smem:$0x3FAF]  }
0x2d: {  	s3 =	simm.s32 $0x108;
	s8 =	sld [smem:$0x3FB0]  }
0x2e: {  	s3 =	simm.s32 @!p0 $0x1082;
	s9 =	sld [smem:$0x3FB1]  }
0x2f: {  	lr =	sadd.s32 s0, s3;
	s0 =	sld [smem:$0x3FA8]  }
0x30: {  	s3 =	sld [smem:$0x3FAB]  }
0x31: {  	[smem:$0x3FB4] =	sst s10  }
0x32: {  	s10 =	sld [smem:$0x3FB2];
	_ =	sdelay $0x3  }
0x33: {  	p0 =	seq.s32 s10, $0x1;
	s10 =	sld [smem:$0x3FB4];
	_ =	sdelay $0x3  }
0x34: {  	[smem:$0x3FB4] =	sst s10  }
0x35: {  	s10 =	sld [smem:$0x3FB3];
	_ =	sdelay $0x3  }
0x36: {  	p1 =	seq.s32 s10, $0x1;
	s10 =	sld [smem:$0x3FB4];
	_ =	sdelay $0x3  }
0x37: {  	[smem:$0x3FB4] =	sst s10  }
0x38: {  	s10 =	sld [smem:$0x3FB5]  }
0x39: {  	_ = 	snop;
	(pc) =	sbr.ind lr, $3  }
0x3a: {  	_ = 	snop  }
0x3b: {  	_ = 	snop  }
0x3c: {  	p2 =	seq.s32 s10, $0x1;
	s10 =	sld [smem:$0x3FB4]  }
0x3d: {  	_ =	shalt  }
0x3e: {  	_ =	shalt  }
0x3f: {  	_ =	shalt  }
0x40: {  	_ =	shalt  }
0x41: {  	_ =	shalt  }
0x42: {  	_ =	shalt  }
0x43: {  	_ =	shalt  }
0x44: {  	_ =	shalt  }
0x45: {  	_ =	shalt  }
0x46: {  	_ =	shalt  }
0x47: {  	_ =	shalt  }
0x48: {  	_ =	shalt  }
0x49: {  	_ =	shalt  }
0x4a: {  	_ =	shalt  }
0x4b: {  	_ =	shalt  }
0x4c: {  	_ =	shalt  }
0x4d: {  	_ =	shalt  }
0x4e: {  	_ =	shalt  }
0x4f: {  	_ =	shalt  }
0x50: {  	_ =	shalt  }
0x51: {  	_ =	shalt  }
0x52: {  	_ =	shalt  }
0x53: {  	_ =	shalt  }
0x54: {  	_ =	shalt  }
0x55: {  	_ =	shalt  }
0x56: {  	_ =	shalt  }
0x57: {  	_ =	shalt  }
0x58: {  	_ =	shalt  }
0x59: {  	_ =	shalt  }
0x5a: {  	_ =	shalt  }
0x5b: {  	_ =	shalt  }
0x5c: {  	_ =	shalt  }
0x5d: {  	_ =	shalt  }
0x5e: {  	_ =	shalt  }
0x5f: {  	_ =	shalt  }
0x60: {  	_ =	shalt  }
0x61: {  	_ =	shalt  }
0x62: {  	_ =	shalt  }
0x63: {  	_ =	shalt  }
0x64: {  	_ =	shalt  }
0x65: {  	_ =	shalt  }
0x66: {  	_ =	shalt  }
0x67: {  	_ =	shalt  }
0x68: {  	_ =	shalt  }
0x69: {  	_ =	shalt  }
0x6a: {  	_ =	shalt  }
0x6b: {  	_ =	shalt  }
0x6c: {  	_ =	shalt  }
0x6d: {  	_ =	shalt  }
0x6e: {  	_ =	shalt  }
0x6f: {  	_ =	shalt  }
0x70: {  	_ =	shalt  }
0x71: {  	_ =	shalt  }
0x72: {  	_ =	shalt  }
0x73: {  	_ =	shalt  }
0x74: {  	_ =	shalt  }
0x75: {  	_ =	shalt  }
0x76: {  	_ =	shalt  }
0x77: {  	_ =	shalt  }
0x78: {  	_ =	shalt  }
0x79: {  	_ =	shalt  }
0x7a: {  	_ =	shalt  }
0x7b: {  	_ =	shalt  }
0x7c: {  	_ =	shalt  }
0x7d: {  	_ =	shalt  }
0x7e: {  	_ =	shalt  }
0x7f: {  	_ =	shalt  }
0x80: {  	_ =	shalt  }
0x81: {  	_ =	shalt  }
0x82: {  	_ =	shalt  }
0x83: {  	_ =	shalt  }
0x84: {  	_ =	shalt  }
0x85: {  	_ =	shalt  }
0x86: {  	_ =	shalt  }
0x87: {  	_ =	shalt  }
.Lfunc_end0:
.L_simem_size_0:
called_computation_lowered:
.L_overlay_start_0:
0x88: {  	s2 =	sld [smem:$0x3FD9]  }
0x89: {  	s3 =	sld [smem:$0x3FFE];
	_ =	sdelay $0x1  }
0x8a: {  	s1 =	srdreg.scid  }
0x8b: {  	s0 =	sand.u32 $0x1, s1  }
0x8c: {  	s14 =	sshll.u32 s0, $0xA;
	s2 =	sadd.s32 s3, s2  }
0x8d: {  	s2 =	sadd.s32 s2, s14  }
0x8e: {  	[smem:$0x3FC0] =	sst s2  }
0x8f: {  	_ = 	snop  }
0x90: {  	s2 =	sld [smem:$0x3FD0];
	_ =	sdelay $0x2  }
0x91: {  	s15 =	simm.s32 $0xA;
	s4 =	simm.s32 $0x10  }
0x92: {  	[smem:s4], [sflag:s15] =	dma.local [hbm:s2], $0x1  }
0x93: {  	_ =	swait.eq [sflag:s15], $0x1  }
0x94: {  	[sflag:s15] =	ssyncset.done $0x0  }
0x95: {  	s16 =	sld [smem:$0x10];
	[sflag:s15] =	ssyncadd.s32 $0xFFFFFFFF  }
0x96: {  	s17 =	sld [smem:$0x11];
	(tm) =	ssettm $0x1  }
0x97: {  	s18 =	sld [smem:$0x3FFB];
	_ =	sdelay $0x3  }
0x98: {  	_ =	strace s18  }
0x99: {  	s4 =	sld [smem:$0x3FFC];
	_ =	sdelay $0x3  }
0x9a: {  	_ =	strace s4  }
0x9b: {  	s4 =	sld [smem:$0x3FFD];
	_ =	sdelay $0x3  }
0x9c: {  	_ =	strace s4  }
0x9d: {  	_ =	strace $0x8FFFFFFF  }
0x9e: {  	s19 =	sld [smem:$0x3FDB];
	_ =	sdelay $0x1  }
0x9f: {  	s5 =	simm.s32 $_scs_section_size  }
0xa0: {  	s6 =	simm.s32 $_size__tile_overlayer_lowered;
	s7 =	simm.s32 $_tile_overlayer_lowered  }
0xa1: {  	s22 =	simm.s32 $0x1BFF;
	s21 =	sshll.u32 s7, $0x1;
	s4 =	sadd.s32 s5, s19  }
0xa2: {  	s8 =	simm.s32 $0x0;
	s20 =	sshll.u32 s6, $0x1;
	s6 =	sadd.s32 s21, s4  }
0xa3: {  	[timem:s8], [sflag:s22] =	dma.local [hbm:s6], s20  }
0xa4: {  	_ =	swait.ge [sflag:s22], s20  }
0xa5: {  	s5 =	ssub.s32 $0x0, s20;
	[sflag:s22] =	ssyncset.done $0x0  }
0xa6: {  	[sflag:s22] =	ssyncadd.s32 s5;
	_ =	sdelay $0x1  }
0xa7: {  	s23 =	simm.s32 $0x1B8B  }
0xa8: {  	_ =	swait.ge [sflag:s23], $0x1  }
0xa9: {  	[sflag:s23] =	ssyncset.done $0x0  }
0xaa: {  	s25 =	simm.s32 $0x1B8E;
	s24 =	sld [smem:$0x3FFE];
	[sflag:s23] =	ssyncadd.s32 $0xFFFFFFFF  }
0xab: {  	s26 =	simm.s32 $execute0_lowered;
	[smem:$0x3FD2] =	sst s25  }
0xac: {  	s6 =	sshll.u32 s26, $0x1;
	_ =	strace $0x80000046;
	[dreg:$0x1] =	wrdreg $0xFFFFFFFF  }
0xad: {  	s28 =	simm.s32 $_size_execute0_lowered;
	s4 =	sadd.s32 s4, s6;
	[dreg:$0x0] =	wrdreg $0x0  }
0xae: {  	s6 =	sshll.u32 s28, $0x1;
	[dreg:$0x2] =	wrdreg s4  }
0xaf: {  	[dreg:$0x3] =	wrdreg s6  }
0xb0: {  	[dreg:$0x4] =	wrdreg $0xC0  }
0xb1: {  	_ =	task [dreg:s8], $0x5FFFF  }
0xb2: {  	[dreg:$0x1] =	wrdreg $0xFFFFFFFF  }
0xb3: {  	[dreg:$0x0] =	wrdreg $0x60  }
0xb4: {  	[dreg:$0x2] =	wrdreg s16  }
0xb5: {  	[dreg:$0x3] =	wrdreg s24  }
0xb6: {  	[dreg:$0x4] =	wrdreg s17  }
0xb7: {  	[dreg:$0x5] =	wrdreg $0x9  }
0xb8: {  	_ =	task.clear_ibuf [dreg:s8], $0x6FFFF;
	_ =	strace $0x90000046  }
0xb9: {  	s29 =	simm.s32 $0x9;
	_ =	strace $0x80000048  }
0xba: {  	_ =	swait.ge [sflag:s29], $0x1  }
0xbb: {  	[sflag:s29] =	ssyncadd.s32 $0xFFFFFFFF  }
0xbc: {  	_ =	strace $0x90000048  }
0xbd: {  	_ =	sfence  }
0xbe: {  	s30 =	sld [smem:$0x0];
	_ =	sdelay $0x2  }
0xbf: {  	s31 =	sshll.u32 s1, $0xD;
	s1 =	sshrl.u32 s1, $0x2  }
0xc0: {  	s3 =	sand.u32 $0x4000, s31;
	s1 =	sadd.s32 s1, s30  }
0xc1: {  	s0 =	sor.u32 s3, s0;
	s1 =	sshll.u32 s1, $0x11  }
0xc2: {  	s0 =	sor.u32 s1, s0  }
0xc3: {  	s0 =	sadd.s32 $0x8F2B, s0  }
0xc4: {  	[sflag:s0] =	ssyncadd.remote.s32 $0x1  }
0xc5: {  	_ =	sfence.sel $0xFFFF  }
0xc6: {  	[dreg:$0x0] =	wrdreg $0xFFFFFFFF;
	(pc) =	sbr.abs _section_cstart, $3  }
0xc7: {  	[dreg:$0x1] =	wrdreg $0xFFFFFFFF  }
0xc8: {  	_ =	task.clear_ibuf [dreg:s8], $0x2FFFF;
	_ =	strace $0x9FFFFFFF  }
0xc9: {  	(tm) =	ssettm $0x7FFFFFFF  }
tec
execute0_lowered:
.L_overlay_start_1:
0x0: {  	(tag) =	ssettag $0x1  }
0x1: {  	s1 =	rddreg [dreg:$0x0]  }
0x2: {  	s2 =	srdreg.scid;
	s5 =	rddreg [dreg:$0x1]  }
0x3: {  	s0 =	stileid.u32;
	s7 =	rddreg [dreg:$0x2]  }
0x4: {  	s3 =	simm.s32 $0x0;
	s15 =	simm.s32 $0x7620;
	s16 =	simm.s32 $0xDA20  }
0x5: {  	s17 =	simm.s32 $0x8A20;
	s18 =	simm.s32 $0xEE20;
	s4 =	smul.u32 $0x4E20, s0  }
0x6: {  	s6 =	sand.u32 $0x1, s2;
	s2 =	rddreg [dreg:$0x3];
	s25 =	smul.u32 $0x27100, s0  }
0x7: {  	s8 =	sshll.u32 s0, $0x1;
	[smem:$0x7FF] =	sst s3;
	s9 =	smul.u32 $0x2710, s6  }
0x8: {  	s11 =	sadd.s32 $0x32A00, s5;
	s8 =	sor.u32 s6, s8;
	s28 =	smul.u32 $0x13880, s6  }
0x9: {  	_ =	strace $0x80000047;
	s12 =	ssub.s32 $0x2, s6;
	s8 =	smul.u32 $0x2710, s8  }
0xa: {  	s13 =	sshrl.u32 s12, $0x1;
	s30 =	sadd.s32 s25, s11;
	s4 =	sadd.s32 s9, s4  }
0xb: {  	s12 =	ssub.s32 s12, s13;
	s13 =	simm.s32 $0x6220;
	s9 =	sshll.u32 s4, $0x3  }
0xc: {  	s4 =	sadd.s32 $0x1F000, s5;
	s8 =	sshrl.u32 s8, $0x3;
	s10 =	sadd.s32 $0xA00, s9  }
0xd: {  	s8 =	sadd.s32 s8, s5;
	s21 =	sadd.s32 $0x780, s9;
	s19 =	sadd.s32 s10, s7  }
0xe: {  	s24 =	sadd.s32 $0x500, s9;
	s20 =	sadd.s32 s10, s11;
	[dreg:$0x4] =	wrdreg s19  }
0xf: {  	s9 =	sadd.s32 $0x280, s9;
	s22 =	sadd.s32 s21, s7;
	[dreg:$0x5] =	wrdreg s20  }
0x10: {  	s23 =	sadd.s32 s21, s11;
	s14 =	sadd.s32 s24, s7;
	[dreg:$0x6] =	wrdreg s22  }
0x11: {  	s5 =	sadd.s32 $0x1600, s8;
	s10 =	sadd.s32 s24, s11;
	[dreg:$0x7] =	wrdreg s23  }
0x12: {  	s26 =	sadd.s32 s9, s7;
	s29 =	sadd.s32 s9, s11;
	[dreg:$0x8] =	wrdreg s14  }
0x13: {  	s9 =	sadd.s32 s28, s30;
	s7 =	sadd.s32 s25, s7;
	[dreg:$0x9] =	wrdreg s10  }
0x14: {  	s6 =	sadd.s32 $0x15200, s8;
	s8 =	simm.s32 $0x3;
	[dreg:$0xa] =	wrdreg s26  }
0x15: {  	s11 =	simm.s32 $0x4E20;
	s21 =	simm.s32 $0x1;
	[dreg:$0xb] =	wrdreg s29  }
0x16: {  	[dreg:$0xc] =	wrdreg s9;
	s31 =	sadd.s32 s28, s7;
	s7 =	smax.u32 s12, $0x1  }
0x17: {  	s9 =	simm.s32 $0x2710;
	s10 =	simm.s32 $0x50;
	s12 =	simm.s32 $0xB220  }
0x18: {  	s14 =	simm.s32 $0xC620;
	s19 =	simm.s32 $0x9E20;
	s20 =	simm.s32 $0x10220  }
0x19: {  	s22 =	simm.s32 $0x2;
	s23 =	simm.s32 $0x0;
	[dreg:$0xd] =	wrdreg s31  }
.LBB2_1:
0x1a: {  	[tilespmem:s3], [sflag:$0x3] =	stream.linear.gather [hbm4b:s5+s3], $0x2710, $0x38;
	[tilespmem:$0x11620] =	vst v63  }
0x1b: {  	_ =	swait.ge [sflag:s8], $0x2710  }
0x1c: {  	[sflag:s8] =	ssyncset.done $0x0  }
0x1d: {  	[sflag:s8] =	ssyncadd.s32 $0xFFFFD8F0  }
0x1e: {  	[tilespmem:s9], [sflag:$0x3] =	stream.linear.gather [hbm4b:s6+s3], $0x2710, $0x38;
	[tilespmem:$0x11620] =	vst v63  }
0x1f: {  	p0 =	por $0x1, $0x1;
	_ =	swait.ge [sflag:s8], $0x2710  }
0x20: {  	p0 =	por p0, p0;
	[sflag:s8] =	ssyncset.done $0x0  }
0x21: {  	s24 =	simm.s32 @!p0 $0x2;
	[sflag:s8] =	ssyncadd.s32 $0xFFFFD8F0  }
0x22: {  	_ =	swait.ge @!p0 [sflag:s24], $0x1400  }
0x23: {  	[sflag:s24] =	ssyncset.done @!p0 $0x0  }
0x24: {  	[sflag:s24] =	ssyncadd.s32 @!p0 $0xFFFFEC00  }
0x25: {  	_ =	swait.ge @!p0 [sflag:s24], $0x1400  }
0x26: {  	[sflag:s24] =	ssyncset.done @!p0 $0x0  }
0x27: {  	[sflag:s24] =	ssyncadd.s32 @!p0 $0xFFFFEC00  }
0x28: {  	_ =	swait.ge @!p0 [sflag:s24], $0x1400  }
0x29: {  	[sflag:s24] =	ssyncset.done @!p0 $0x0  }
0x2a: {  	[sflag:s24] =	ssyncadd.s32 @!p0 $0xFFFFEC00  }
0x2b: {  	_ =	swait.ge @!p0 [sflag:s24], $0x1400  }
0x2c: {  	[sflag:s24] =	ssyncset.done @!p0 $0x0  }
0x2d: {  	[sflag:s24] =	ssyncadd.s32 @!p0 $0xFFFFEC00  }
0x2e: {  	_ =	swait.ge @!p0 [sflag:s24], $0x1400  }
0x2f: {  	[sflag:s24] =	ssyncset.done @!p0 $0x0  }
0x30: {  	[sflag:s24] =	ssyncadd.s32 @!p0 $0xFFFFEC00  }
0x31: {  	_ =	swait.ge @!p0 [sflag:s24], $0x1400  }
0x32: {  	[sflag:s24] =	ssyncset.done @!p0 $0x0  }
0x33: {  	[sflag:s24] =	ssyncadd.s32 @!p0 $0xFFFFEC00  }
0x34: {  	_ =	swait.ge @!p0 [sflag:s24], $0x1400  }
0x35: {  	[sflag:s24] =	ssyncset.done @!p0 $0x0  }
0x36: {  	[sflag:s24] =	ssyncadd.s32 @!p0 $0xFFFFEC00  }
0x37: {  	_ =	swait.ge @!p0 [sflag:s24], $0x1400  }
0x38: {  	[sflag:s24] =	ssyncset.done @!p0 $0x0  }
0x39: {  	[sflag:s24] =	ssyncadd.s32 @!p0 $0xFFFFEC00  }
0x3a: {  	_ =	swait.ge @!p0 [sflag:s24], $0x1400  }
0x3b: {  	[sflag:s24] =	ssyncset.done @!p0 $0x0  }
0x3c: {  	[sflag:s24] =	ssyncadd.s32 @!p0 $0xFFFFEC00  }
0x3d: {  	_ =	swait.ge @!p0 [sflag:s24], $0x1400  }
0x3e: {  	[sflag:s24] =	ssyncset.done @!p0 $0x0  }
0x3f: {  	s31 =	simm.s32 $0x0;
	[sflag:s24] =	ssyncadd.s32 @!p0 $0xFFFFEC00  }
0x40: {  	[tilespmem:s11], [sflag:$0x1] =	stream.indirect.gather [hbm4b:s1+s10], $0x40, s31, s10, $0xb8;
	[tilespmem:$0x11620] =	vst v63  }
0x41: {  	s25 =	simm.s32 $0x2710  }
0x42: {  	[tilespmem:s12], [sflag:$0x1] =	stream.indirect.gather [hbm4b:s4+s10], $0x40, s25, s10, $0xb8;
	[tilespmem:$0x11620] =	vst v63  }
0x43: {  	s26 =	simm.s32 $0x50  }
0x44: {  	[tilespmem:s13], [sflag:$0x1] =	stream.indirect.gather [hbm4b:s1+s10], $0x40, s26, s10, $0xb8;
	[tilespmem:$0x11620] =	vst v63  }
0x45: {  	s29 =	simm.s32 $0x2760  }
0x46: {  	[tilespmem:s14], [sflag:$0x1] =	stream.indirect.gather [hbm4b:s4+s10], $0x40, s29, s10, $0xb8;
	[tilespmem:$0x11620] =	vst v63  }
0x47: {  	s30 =	simm.s32 $0xA0  }
0x48: {  	[tilespmem:s15], [sflag:$0x1] =	stream.indirect.gather [hbm4b:s1+s10], $0x40, s30, s10, $0xb8;
	[tilespmem:$0x11620] =	vst v63  }
0x49: {  	s31 =	simm.s32 $0x27B0  }
0x4a: {  	[tilespmem:s16], [sflag:$0x1] =	stream.indirect.gather [hbm4b:s4+s10], $0x40, s31, s10, $0xb8;
	[tilespmem:$0x11620] =	vst v63  }
0x4b: {  	s25 =	simm.s32 $0xF0  }
0x4c: {  	[tilespmem:s17], [sflag:$0x1] =	stream.indirect.gather [hbm4b:s1+s10], $0x40, s25, s10, $0xb8;
	[tilespmem:$0x11620] =	vst v63  }
0x4d: {  	s26 =	simm.s32 $0x2800  }
0x4e: {  	[tilespmem:s18], [sflag:$0x1] =	stream.indirect.gather [hbm4b:s4+s10], $0x40, s26, s10, $0xb8;
	[tilespmem:$0x11620] =	vst v63  }
0x4f: {  	s29 =	simm.s32 $0x140  }
0x50: {  	[tilespmem:s19], [sflag:$0x1] =	stream.indirect.gather [hbm4b:s1+s10], $0x40, s29, s10, $0xb8;
	[tilespmem:$0x11620] =	vst v63  }
0x51: {  	s30 =	simm.s32 $0x2850  }
0x52: {  	[tilespmem:s20], [sflag:$0x1] =	stream.indirect.gather [hbm4b:s4+s10], $0x40, s30, s10, $0xb8;
	[tilespmem:$0x11620] =	vst v63  }
0x53: {  	_ =	swait.ge [sflag:s21], $0x1400  }
0x54: {  	[sflag:s21] =	ssyncset.done $0x0  }
0x55: {  	[sflag:s21] =	ssyncadd.s32 $0xFFFFEC00  }
0x56: {  	_ =	swait.ge [sflag:s21], $0x1400  }
0x57: {  	[sflag:s21] =	ssyncset.done $0x0  }
0x58: {  	[sflag:s21] =	ssyncadd.s32 $0xFFFFEC00  }
0x59: {  	_ =	swait.ge [sflag:s21], $0x1400  }
0x5a: {  	[sflag:s21] =	ssyncset.done $0x0  }
0x5b: {  	[sflag:s21] =	ssyncadd.s32 $0xFFFFEC00  }
0x5c: {  	_ =	swait.ge [sflag:s21], $0x1400  }
0x5d: {  	[sflag:s21] =	ssyncset.done $0x0  }
0x5e: {  	[sflag:s21] =	ssyncadd.s32 $0xFFFFEC00  }
0x5f: {  	_ =	swait.ge [sflag:s21], $0x1400  }
0x60: {  	[sflag:s21] =	ssyncset.done $0x0  }
0x61: {  	[sflag:s21] =	ssyncadd.s32 $0xFFFFEC00  }
0x62: {  	_ =	swait.ge [sflag:s21], $0x1400  }
0x63: {  	[sflag:s21] =	ssyncset.done $0x0  }
0x64: {  	[sflag:s21] =	ssyncadd.s32 $0xFFFFEC00  }
0x65: {  	_ =	swait.ge [sflag:s21], $0x1400  }
0x66: {  	[sflag:s21] =	ssyncset.done $0x0  }
0x67: {  	[sflag:s21] =	ssyncadd.s32 $0xFFFFEC00  }
0x68: {  	_ =	swait.ge [sflag:s21], $0x1400  }
0x69: {  	[sflag:s21] =	ssyncset.done $0x0  }
0x6a: {  	[sflag:s21] =	ssyncadd.s32 $0xFFFFEC00  }
0x6b: {  	_ =	swait.ge [sflag:s21], $0x1400  }
0x6c: {  	[sflag:s21] =	ssyncset.done $0x0  }
0x6d: {  	[sflag:s21] =	ssyncadd.s32 $0xFFFFEC00  }
0x6e: {  	_ =	swait.ge [sflag:s21], $0x1400  }
0x6f: {  	s31 =	rddreg [dreg:$0xd]  }
0x70: {  	s25 =	rddreg [dreg:$0xc]  }
0x71: {  	[sflag:s21] =	ssyncset.done $0x0;
	s26 =	rddreg [dreg:$0xa]  }
0x72: {  	s29 =	rddreg [dreg:$0xb];
	[sflag:s21] =	ssyncadd.s32 $0xFFFFEC00;
	s24 =	sadd.s32 $0x0, s31  }
0x73: {  	[hbm4b:s24+s3] =	stream.linear.scatter [tilespmem:s11], [sflag:$0x2], $0x1400, $0x38;
	[tilespmem:$0x11620] =	vst v63  }
0x74: {  	s30 =	rddreg [dreg:$0x8];
	s25 =	sadd.s32 $0x0, s25  }
0x75: {  	[hbm4b:s25+s3] =	stream.linear.scatter [tilespmem:s12], [sflag:$0x2], $0x1400, $0x38;
	[tilespmem:$0x11620] =	vst v63  }
0x76: {  	s26 =	sadd.s32 $0x0, s26;
	s31 =	rddreg [dreg:$0x9]  }
0x77: {  	[hbm4b:s26+s3] =	stream.linear.scatter [tilespmem:s13], [sflag:$0x2], $0x1400, $0x38;
	[tilespmem:$0x11620] =	vst v63  }
0x78: {  	s24 =	sadd.s32 $0x0, s29;
	s29 =	rddreg [dreg:$0x6]  }
0x79: {  	[hbm4b:s24+s3] =	stream.linear.scatter [tilespmem:s14], [sflag:$0x2], $0x1400, $0x38;
	[tilespmem:$0x11620] =	vst v63  }
0x7a: {  	s25 =	sadd.s32 $0x0, s30;
	s30 =	rddreg [dreg:$0x7]  }
0x7b: {  	[hbm4b:s25+s3] =	stream.linear.scatter [tilespmem:s15], [sflag:$0x2], $0x1400, $0x38;
	[tilespmem:$0x11620] =	vst v63  }
0x7c: {  	p6 =	por $0x0, $0x0;
	s26 =	sadd.s32 $0x0, s31;
	s31 =	rddreg [dreg:$0x4]  }
0x7d: {  	[hbm4b:s26+s3] =	stream.linear.scatter [tilespmem:s16], [sflag:$0x2], $0x1400, $0x38;
	[tilespmem:$0x11620] =	vst v63  }
0x7e: {  	s24 =	sadd.s32 $0x0, s29;
	s29 =	sadd.s32 $0x0, s30;
	s30 =	rddreg [dreg:$0x5]  }
0x7f: {  	[hbm4b:s24+s3] =	stream.linear.scatter [tilespmem:s17], [sflag:$0x2], $0x1400, $0x38;
	[tilespmem:$0x11620] =	vst v63  }
0x80: {  	p0 =	por p6, p6;
	s31 =	sadd.s32 $0x0, s31;
	s28 =	sadd.s32 $0x0, s30  }
0x81: {  	[hbm4b:s29+s3] =	stream.linear.scatter [tilespmem:s18], [sflag:$0x2], $0x1400, $0x38;
	[tilespmem:$0x11620] =	vst v63  }
0x82: {  	s25 =	simm.s32 $0x640;
	s26 =	simm.s32 $0xC80;
	s24 =	simm.s32 $0xC80  }
0x83: {  	[hbm4b:s31+s3] =	stream.linear.scatter [tilespmem:s19], [sflag:$0x2], $0x1400, $0x38;
	[tilespmem:$0x11620] =	vst v63  }
.LBB2_2:
0x84: {  	[hbm4b:s28+s3] =	stream.linear.scatter [tilespmem:s20], [sflag:$0x2], $0x1400, $0x38;
	[tilespmem:$0x11620] =	vst v63  }
0x85: {  	s29 =	simm.s32 @!p0 $0x2  }
0x86: {  	_ =	swait.ge @!p0 [sflag:s29], $0x1400  }
0x87: {  	[sflag:s29] =	ssyncset.done @!p0 $0x0  }
0x88: {  	[sflag:s29] =	ssyncadd.s32 @!p0 $0xFFFFEC00  }
0x89: {  	_ =	swait.ge @!p0 [sflag:s29], $0x1400  }
0x8a: {  	[sflag:s29] =	ssyncset.done @!p0 $0x0  }
0x8b: {  	[sflag:s29] =	ssyncadd.s32 @!p0 $0xFFFFEC00  }
0x8c: {  	_ =	swait.ge @!p0 [sflag:s29], $0x1400  }
0x8d: {  	[sflag:s29] =	ssyncset.done @!p0 $0x0  }
0x8e: {  	[sflag:s29] =	ssyncadd.s32 @!p0 $0xFFFFEC00  }
0x8f: {  	_ =	swait.ge @!p0 [sflag:s29], $0x1400  }
0x90: {  	[sflag:s29] =	ssyncset.done @!p0 $0x0  }
0x91: {  	[sflag:s29] =	ssyncadd.s32 @!p0 $0xFFFFEC00  }
0x92: {  	_ =	swait.ge @!p0 [sflag:s29], $0x1400  }
0x93: {  	[sflag:s29] =	ssyncset.done @!p0 $0x0  }
0x94: {  	[sflag:s29] =	ssyncadd.s32 @!p0 $0xFFFFEC00  }
0x95: {  	_ =	swait.ge @!p0 [sflag:s29], $0x1400  }
0x96: {  	[sflag:s29] =	ssyncset.done @!p0 $0x0  }
0x97: {  	[sflag:s29] =	ssyncadd.s32 @!p0 $0xFFFFEC00  }
0x98: {  	_ =	swait.ge @!p0 [sflag:s29], $0x1400  }
0x99: {  	[sflag:s29] =	ssyncset.done @!p0 $0x0  }
0x9a: {  	[sflag:s29] =	ssyncadd.s32 @!p0 $0xFFFFEC00  }
0x9b: {  	_ =	swait.ge @!p0 [sflag:s29], $0x1400  }
0x9c: {  	[sflag:s29] =	ssyncset.done @!p0 $0x0  }
0x9d: {  	[sflag:s29] =	ssyncadd.s32 @!p0 $0xFFFFEC00  }
0x9e: {  	_ =	swait.ge @!p0 [sflag:s29], $0x1400  }
0x9f: {  	[sflag:s29] =	ssyncset.done @!p0 $0x0  }
0xa0: {  	[sflag:s29] =	ssyncadd.s32 @!p0 $0xFFFFEC00  }
0xa1: {  	_ =	swait.ge @!p0 [sflag:s29], $0x1400  }
0xa2: {  	[sflag:s29] =	ssyncset.done @!p0 $0x0  }
0xa3: {  	s28 =	smov.u32 s26;
	s31 =	sshra.s32 s25, $0x2;
	[sflag:s29] =	ssyncadd.s32 @!p0 $0xFFFFEC00  }
0xa4: {  	[tilespmem:s11], [sflag:$0x1] =	stream.indirect.gather [hbm4b:s1+s10], $0x40, s31, s10, $0xb8;
	[tilespmem:$0x11620] =	vst v63  }
0xa5: {  	p2 =	seq.s32 s28, $0x0;
	s25 =	smov.u32 s28;
	s28 =	sadd.s32 $0x2710, s31  }
0xa6: {  	[tilespmem:s12], [sflag:$0x1] =	stream.indirect.gather [hbm4b:s4+s10], $0x40, s28, s10, $0xb8;
	[tilespmem:$0x11620] =	vst v63  }
0xa7: {  	s28 =	sadd.s32 $0x50, s31  }
0xa8: {  	[tilespmem:s13], [sflag:$0x1] =	stream.indirect.gather [hbm4b:s1+s10], $0x40, s28, s10, $0xb8;
	[tilespmem:$0x11620] =	vst v63  }
0xa9: {  	s28 =	sadd.s32 $0x2760, s31  }
0xaa: {  	[tilespmem:s14], [sflag:$0x1] =	stream.indirect.gather [hbm4b:s4+s10], $0x40, s28, s10, $0xb8;
	[tilespmem:$0x11620] =	vst v63  }
0xab: {  	s28 =	sadd.s32 $0xA0, s31  }
0xac: {  	[tilespmem:s15], [sflag:$0x1] =	stream.indirect.gather [hbm4b:s1+s10], $0x40, s28, s10, $0xb8;
	[tilespmem:$0x11620] =	vst v63  }
0xad: {  	s28 =	sadd.s32 $0x27B0, s31  }
0xae: {  	[tilespmem:s16], [sflag:$0x1] =	stream.indirect.gather [hbm4b:s4+s10], $0x40, s28, s10, $0xb8;
	[tilespmem:$0x11620] =	vst v63  }
0xaf: {  	s28 =	sadd.s32 $0xF0, s31  }
0xb0: {  	[tilespmem:s17], [sflag:$0x1] =	stream.indirect.gather [hbm4b:s1+s10], $0x40, s28, s10, $0xb8;
	[tilespmem:$0x11620] =	vst v63  }
0xb1: {  	s28 =	sadd.s32 $0x2800, s31  }
0xb2: {  	[tilespmem:s18], [sflag:$0x1] =	stream.indirect.gather [hbm4b:s4+s10], $0x40, s28, s10, $0xb8;
	[tilespmem:$0x11620] =	vst v63  }
0xb3: {  	s28 =	sadd.s32 $0x140, s31  }
0xb4: {  	[tilespmem:s19], [sflag:$0x1] =	stream.indirect.gather [hbm4b:s1+s10], $0x40, s28, s10, $0xb8;
	[tilespmem:$0x11620] =	vst v63  }
0xb5: {  	s28 =	sadd.s32 $0x2850, s31  }
0xb6: {  	[tilespmem:s20], [sflag:$0x1] =	stream.indirect.gather [hbm4b:s4+s10], $0x40, s28, s10, $0xb8;
	[tilespmem:$0x11620] =	vst v63  }
0xb7: {  	_ =	swait.ge [sflag:s21], $0x1400  }
0xb8: {  	[sflag:s21] =	ssyncset.done $0x0  }
0xb9: {  	[sflag:s21] =	ssyncadd.s32 $0xFFFFEC00  }
0xba: {  	_ =	swait.ge [sflag:s21], $0x1400  }
0xbb: {  	[sflag:s21] =	ssyncset.done $0x0  }
0xbc: {  	[sflag:s21] =	ssyncadd.s32 $0xFFFFEC00  }
0xbd: {  	_ =	swait.ge [sflag:s21], $0x1400  }
0xbe: {  	[sflag:s21] =	ssyncset.done $0x0  }
0xbf: {  	[sflag:s21] =	ssyncadd.s32 $0xFFFFEC00  }
0xc0: {  	_ =	swait.ge [sflag:s21], $0x1400  }
0xc1: {  	[sflag:s21] =	ssyncset.done $0x0  }
0xc2: {  	[sflag:s21] =	ssyncadd.s32 $0xFFFFEC00  }
0xc3: {  	_ =	swait.ge [sflag:s21], $0x1400  }
0xc4: {  	[sflag:s21] =	ssyncset.done $0x0  }
0xc5: {  	[sflag:s21] =	ssyncadd.s32 $0xFFFFEC00  }
0xc6: {  	_ =	swait.ge [sflag:s21], $0x1400  }
0xc7: {  	[sflag:s21] =	ssyncset.done $0x0  }
0xc8: {  	[sflag:s21] =	ssyncadd.s32 $0xFFFFEC00  }
0xc9: {  	_ =	swait.ge [sflag:s21], $0x1400  }
0xca: {  	[sflag:s21] =	ssyncset.done $0x0  }
0xcb: {  	[sflag:s21] =	ssyncadd.s32 $0xFFFFEC00  }
0xcc: {  	_ =	swait.ge [sflag:s21], $0x1400  }
0xcd: {  	[sflag:s21] =	ssyncset.done $0x0  }
0xce: {  	[sflag:s21] =	ssyncadd.s32 $0xFFFFEC00  }
0xcf: {  	_ =	swait.ge [sflag:s21], $0x1400  }
0xd0: {  	[sflag:s21] =	ssyncset.done $0x0  }
0xd1: {  	[sflag:s21] =	ssyncadd.s32 $0xFFFFEC00  }
0xd2: {  	_ =	swait.ge [sflag:s21], $0x1400  }
0xd3: {  	s28 =	rddreg [dreg:$0xd];
	[sflag:s21] =	ssyncset.done $0x0  }
0xd4: {  	s29 =	rddreg [dreg:$0xc];
	[sflag:s21] =	ssyncadd.s32 $0xFFFFEC00;
	s28 =	sadd.s32 s24, s28  }
0xd5: {  	[hbm4b:s28+s3] =	stream.linear.scatter [tilespmem:s11], [sflag:$0x2], $0x1400, $0x38;
	[tilespmem:$0x11620] =	vst v63  }
0xd6: {  	s30 =	rddreg [dreg:$0xa];
	s28 =	sadd.s32 s24, s29  }
0xd7: {  	[hbm4b:s28+s3] =	stream.linear.scatter [tilespmem:s12], [sflag:$0x2], $0x1400, $0x38;
	[tilespmem:$0x11620] =	vst v63  }
0xd8: {  	s31 =	rddreg [dreg:$0xb];
	s28 =	sadd.s32 s24, s30  }
0xd9: {  	[hbm4b:s28+s3] =	stream.linear.scatter [tilespmem:s13], [sflag:$0x2], $0x1400, $0x38;
	[tilespmem:$0x11620] =	vst v63  }
0xda: {  	s29 =	rddreg [dreg:$0x8];
	s28 =	sadd.s32 s24, s31  }
0xdb: {  	[hbm4b:s28+s3] =	stream.linear.scatter [tilespmem:s14], [sflag:$0x2], $0x1400, $0x38;
	[tilespmem:$0x11620] =	vst v63  }
0xdc: {  	s30 =	rddreg [dreg:$0x9];
	s28 =	sadd.s32 s24, s29  }
0xdd: {  	[hbm4b:s28+s3] =	stream.linear.scatter [tilespmem:s15], [sflag:$0x2], $0x1400, $0x38;
	[tilespmem:$0x11620] =	vst v63  }
0xde: {  	s26 =	sadd.s32 $0x640, s26;
	s31 =	rddreg [dreg:$0x6];
	s28 =	sadd.s32 s24, s30  }
0xdf: {  	[hbm4b:s28+s3] =	stream.linear.scatter [tilespmem:s16], [sflag:$0x2], $0x1400, $0x38;
	[tilespmem:$0x11620] =	vst v63  }
0xe0: {  	p1 =	sne.s32 s26, $0x9C40;
	s29 =	rddreg [dreg:$0x7];
	s28 =	sadd.s32 s24, s31  }
0xe1: {  	[hbm4b:s28+s3] =	stream.linear.scatter [tilespmem:s17], [sflag:$0x2], $0x1400, $0x38;
	[tilespmem:$0x11620] =	vst v63  }
.Ltmp0:
0xe2: {  	s30 =	rddreg [dreg:$0x4];
	s28 =	sadd.s32 s24, s29;
	(pc) =	sbr.rel @p1 .LBB2_2-.Ltmp0, $4  }
0xe3: {  	[hbm4b:s28+s3] =	stream.linear.scatter [tilespmem:s18], [sflag:$0x2], $0x1400, $0x38;
	[tilespmem:$0x11620] =	vst v63  }
0xe4: {  	s31 =	rddreg [dreg:$0x5];
	s28 =	sadd.s32 s24, s30  }
0xe5: {  	[hbm4b:s28+s3] =	stream.linear.scatter [tilespmem:s19], [sflag:$0x2], $0x1400, $0x38;
	[tilespmem:$0x11620] =	vst v63  }
0xe6: {  	p0 =	por p2, p2;
	s28 =	sadd.s32 s24, s31;
	s24 =	sadd.s32 $0xC80, s24  }
0xe7: {  	[hbm4b:s28+s3] =	stream.linear.scatter [tilespmem:s20], [sflag:$0x2], $0x1400, $0x38;
	[tilespmem:$0x11620] =	vst v63  }
0xe8: {  	s26 =	simm.s32 @!p0 $0x2  }
0xe9: {  	_ =	swait.ge @!p0 [sflag:s26], $0x1400  }
0xea: {  	[sflag:s26] =	ssyncset.done @!p0 $0x0  }
0xeb: {  	[sflag:s26] =	ssyncadd.s32 @!p0 $0xFFFFEC00  }
0xec: {  	_ =	swait.ge @!p0 [sflag:s26], $0x1400  }
0xed: {  	[sflag:s26] =	ssyncset.done @!p0 $0x0  }
0xee: {  	[sflag:s26] =	ssyncadd.s32 @!p0 $0xFFFFEC00  }
0xef: {  	_ =	swait.ge @!p0 [sflag:s26], $0x1400  }
0xf0: {  	[sflag:s26] =	ssyncset.done @!p0 $0x0  }
0xf1: {  	[sflag:s26] =	ssyncadd.s32 @!p0 $0xFFFFEC00  }
0xf2: {  	_ =	swait.ge @!p0 [sflag:s26], $0x1400  }
0xf3: {  	[sflag:s26] =	ssyncset.done @!p0 $0x0  }
0xf4: {  	[sflag:s26] =	ssyncadd.s32 @!p0 $0xFFFFEC00  }
0xf5: {  	_ =	swait.ge @!p0 [sflag:s26], $0x1400  }
0xf6: {  	[sflag:s26] =	ssyncset.done @!p0 $0x0  }
0xf7: {  	[sflag:s26] =	ssyncadd.s32 @!p0 $0xFFFFEC00  }
0xf8: {  	_ =	swait.ge @!p0 [sflag:s26], $0x1400  }
0xf9: {  	[sflag:s26] =	ssyncset.done @!p0 $0x0  }
0xfa: {  	[sflag:s26] =	ssyncadd.s32 @!p0 $0xFFFFEC00  }
0xfb: {  	_ =	swait.ge @!p0 [sflag:s26], $0x1400  }
0xfc: {  	[sflag:s26] =	ssyncset.done @!p0 $0x0  }
0xfd: {  	[sflag:s26] =	ssyncadd.s32 @!p0 $0xFFFFEC00  }
0xfe: {  	_ =	swait.ge @!p0 [sflag:s26], $0x1400  }
0xff: {  	[sflag:s26] =	ssyncset.done @!p0 $0x0  }
0x100: {  	[sflag:s26] =	ssyncadd.s32 @!p0 $0xFFFFEC00  }
0x101: {  	_ =	swait.ge @!p0 [sflag:s26], $0x1400  }
0x102: {  	[sflag:s26] =	ssyncset.done @!p0 $0x0  }
0x103: {  	[sflag:s26] =	ssyncadd.s32 @!p0 $0xFFFFEC00  }
0x104: {  	_ =	swait.ge @!p0 [sflag:s26], $0x1400  }
0x105: {  	[sflag:s26] =	ssyncset.done @!p0 $0x0  }
0x106: {  	s25 =	sshra.s32 s25, $0x2;
	[sflag:s26] =	ssyncadd.s32 @!p0 $0xFFFFEC00  }
0x107: {  	[tilespmem:s11], [sflag:$0x1] =	stream.indirect.gather [hbm4b:s1+s10], $0x40, s25, s10, $0xb8;
	[tilespmem:$0x11620] =	vst v63  }
0x108: {  	s29 =	sadd.s32 $0x2710, s25  }
0x109: {  	[tilespmem:s12], [sflag:$0x1] =	stream.indirect.gather [hbm4b:s4+s10], $0x40, s29, s10, $0xb8;
	[tilespmem:$0x11620] =	vst v63  }
0x10a: {  	s30 =	sadd.s32 $0x50, s25  }
0x10b: {  	[tilespmem:s13], [sflag:$0x1] =	stream.indirect.gather [hbm4b:s1+s10], $0x40, s30, s10, $0xb8;
	[tilespmem:$0x11620] =	vst v63  }
0x10c: {  	s31 =	sadd.s32 $0x2760, s25  }
0x10d: {  	[tilespmem:s14], [sflag:$0x1] =	stream.indirect.gather [hbm4b:s4+s10], $0x40, s31, s10, $0xb8;
	[tilespmem:$0x11620] =	vst v63  }
0x10e: {  	s28 =	sadd.s32 $0xA0, s25  }
0x10f: {  	[tilespmem:s15], [sflag:$0x1] =	stream.indirect.gather [hbm4b:s1+s10], $0x40, s28, s10, $0xb8;
	[tilespmem:$0x11620] =	vst v63  }
0x110: {  	s29 =	sadd.s32 $0x27B0, s25  }
0x111: {  	[tilespmem:s16], [sflag:$0x1] =	stream.indirect.gather [hbm4b:s4+s10], $0x40, s29, s10, $0xb8;
	[tilespmem:$0x11620] =	vst v63  }
0x112: {  	s30 =	sadd.s32 $0xF0, s25  }
0x113: {  	[tilespmem:s17], [sflag:$0x1] =	stream.indirect.gather [hbm4b:s1+s10], $0x40, s30, s10, $0xb8;
	[tilespmem:$0x11620] =	vst v63  }
0x114: {  	s31 =	sadd.s32 $0x2800, s25  }
0x115: {  	[tilespmem:s18], [sflag:$0x1] =	stream.indirect.gather [hbm4b:s4+s10], $0x40, s31, s10, $0xb8;
	[tilespmem:$0x11620] =	vst v63  }
0x116: {  	s28 =	sadd.s32 $0x140, s25  }
0x117: {  	[tilespmem:s19], [sflag:$0x1] =	stream.indirect.gather [hbm4b:s1+s10], $0x40, s28, s10, $0xb8;
	[tilespmem:$0x11620] =	vst v63  }
0x118: {  	s25 =	sadd.s32 $0x2850, s25  }
0x119: {  	[tilespmem:s20], [sflag:$0x1] =	stream.indirect.gather [hbm4b:s4+s10], $0x40, s25, s10, $0xb8;
	[tilespmem:$0x11620] =	vst v63  }
0x11a: {  	_ =	swait.ge [sflag:s21], $0x1400  }
0x11b: {  	[sflag:s21] =	ssyncset.done $0x0  }
0x11c: {  	[sflag:s21] =	ssyncadd.s32 $0xFFFFEC00  }
0x11d: {  	_ =	swait.ge [sflag:s21], $0x1400  }
0x11e: {  	[sflag:s21] =	ssyncset.done $0x0  }
0x11f: {  	[sflag:s21] =	ssyncadd.s32 $0xFFFFEC00  }
0x120: {  	_ =	swait.ge [sflag:s21], $0x1400  }
0x121: {  	[sflag:s21] =	ssyncset.done $0x0  }
0x122: {  	[sflag:s21] =	ssyncadd.s32 $0xFFFFEC00  }
0x123: {  	_ =	swait.ge [sflag:s21], $0x1400  }
0x124: {  	[sflag:s21] =	ssyncset.done $0x0  }
0x125: {  	[sflag:s21] =	ssyncadd.s32 $0xFFFFEC00  }
0x126: {  	_ =	swait.ge [sflag:s21], $0x1400  }
0x127: {  	[sflag:s21] =	ssyncset.done $0x0  }
0x128: {  	[sflag:s21] =	ssyncadd.s32 $0xFFFFEC00  }
0x129: {  	_ =	swait.ge [sflag:s21], $0x1400  }
0x12a: {  	[sflag:s21] =	ssyncset.done $0x0  }
0x12b: {  	[sflag:s21] =	ssyncadd.s32 $0xFFFFEC00  }
0x12c: {  	_ =	swait.ge [sflag:s21], $0x1400  }
0x12d: {  	[sflag:s21] =	ssyncset.done $0x0  }
0x12e: {  	[sflag:s21] =	ssyncadd.s32 $0xFFFFEC00  }
0x12f: {  	_ =	swait.ge [sflag:s21], $0x1400  }
0x130: {  	[sflag:s21] =	ssyncset.done $0x0  }
0x131: {  	[sflag:s21] =	ssyncadd.s32 $0xFFFFEC00  }
0x132: {  	_ =	swait.ge [sflag:s21], $0x1400  }
0x133: {  	[sflag:s21] =	ssyncset.done $0x0  }
0x134: {  	[sflag:s21] =	ssyncadd.s32 $0xFFFFEC00  }
0x135: {  	_ =	swait.ge [sflag:s21], $0x1400  }
0x136: {  	s29 =	rddreg [dreg:$0xd];
	[sflag:s21] =	ssyncset.done $0x0  }
0x137: {  	s30 =	rddreg [dreg:$0xc];
	[sflag:s21] =	ssyncadd.s32 $0xFFFFEC00;
	s25 =	sadd.s32 s24, s29  }
0x138: {  	[hbm4b:s25+s3] =	stream.linear.scatter [tilespmem:s11], [sflag:$0x2], $0x1400, $0x38;
	[tilespmem:$0x11620] =	vst v63  }
0x139: {  	s31 =	rddreg [dreg:$0xa];
	s26 =	sadd.s32 s24, s30  }
0x13a: {  	[hbm4b:s26+s3] =	stream.linear.scatter [tilespmem:s12], [sflag:$0x2], $0x1400, $0x38;
	[tilespmem:$0x11620] =	vst v63  }
0x13b: {  	s29 =	rddreg [dreg:$0xb];
	s28 =	sadd.s32 s24, s31  }
0x13c: {  	[hbm4b:s28+s3] =	stream.linear.scatter [tilespmem:s13], [sflag:$0x2], $0x1400, $0x38;
	[tilespmem:$0x11620] =	vst v63  }
0x13d: {  	s30 =	rddreg [dreg:$0x8];
	s25 =	sadd.s32 s24, s29  }
0x13e: {  	[hbm4b:s25+s3] =	stream.linear.scatter [tilespmem:s14], [sflag:$0x2], $0x1400, $0x38;
	[tilespmem:$0x11620] =	vst v63  }
0x13f: {  	s31 =	rddreg [dreg:$0x9];
	s26 =	sadd.s32 s24, s30  }
0x140: {  	[hbm4b:s26+s3] =	stream.linear.scatter [tilespmem:s15], [sflag:$0x2], $0x1400, $0x38;
	[tilespmem:$0x11620] =	vst v63  }
0x141: {  	s29 =	rddreg [dreg:$0x6];
	s28 =	sadd.s32 s24, s31  }
0x142: {  	[hbm4b:s28+s3] =	stream.linear.scatter [tilespmem:s16], [sflag:$0x2], $0x1400, $0x38;
	[tilespmem:$0x11620] =	vst v63  }
0x143: {  	s30 =	rddreg [dreg:$0x7];
	s25 =	sadd.s32 s24, s29  }
0x144: {  	[hbm4b:s25+s3] =	stream.linear.scatter [tilespmem:s17], [sflag:$0x2], $0x1400, $0x38;
	[tilespmem:$0x11620] =	vst v63  }
0x145: {  	s31 =	rddreg [dreg:$0x4];
	s26 =	sadd.s32 s24, s30  }
0x146: {  	[hbm4b:s26+s3] =	stream.linear.scatter [tilespmem:s18], [sflag:$0x2], $0x1400, $0x38;
	[tilespmem:$0x11620] =	vst v63  }
0x147: {  	s29 =	rddreg [dreg:$0x5];
	s30 =	sadd.s32 s24, s31  }
0x148: {  	[hbm4b:s30+s3] =	stream.linear.scatter [tilespmem:s19], [sflag:$0x2], $0x1400, $0x38;
	[tilespmem:$0x11620] =	vst v63  }
0x149: {  	s31 =	sadd.s32 s24, s29  }
0x14a: {  	[hbm4b:s31+s3] =	stream.linear.scatter [tilespmem:s20], [sflag:$0x2], $0x1400, $0x38;
	[tilespmem:$0x11620] =	vst v63  }
0x14b: {  	_ =	swait.ge [sflag:s22], $0x1400  }
0x14c: {  	[sflag:s22] =	ssyncset.done $0x0  }
0x14d: {  	[sflag:s22] =	ssyncadd.s32 $0xFFFFEC00  }
0x14e: {  	_ =	swait.ge [sflag:s22], $0x1400  }
0x14f: {  	[sflag:s22] =	ssyncset.done $0x0  }
0x150: {  	[sflag:s22] =	ssyncadd.s32 $0xFFFFEC00  }
0x151: {  	_ =	swait.ge [sflag:s22], $0x1400  }
0x152: {  	[sflag:s22] =	ssyncset.done $0x0  }
0x153: {  	[sflag:s22] =	ssyncadd.s32 $0xFFFFEC00  }
0x154: {  	_ =	swait.ge [sflag:s22], $0x1400  }
0x155: {  	[sflag:s22] =	ssyncset.done $0x0  }
0x156: {  	[sflag:s22] =	ssyncadd.s32 $0xFFFFEC00  }
0x157: {  	_ =	swait.ge [sflag:s22], $0x1400  }
0x158: {  	[sflag:s22] =	ssyncset.done $0x0  }
0x159: {  	[sflag:s22] =	ssyncadd.s32 $0xFFFFEC00  }
0x15a: {  	_ =	swait.ge [sflag:s22], $0x1400  }
0x15b: {  	[sflag:s22] =	ssyncset.done $0x0  }
0x15c: {  	[sflag:s22] =	ssyncadd.s32 $0xFFFFEC00  }
0x15d: {  	_ =	swait.ge [sflag:s22], $0x1400  }
0x15e: {  	[sflag:s22] =	ssyncset.done $0x0  }
0x15f: {  	[sflag:s22] =	ssyncadd.s32 $0xFFFFEC00  }
0x160: {  	_ =	swait.ge [sflag:s22], $0x1400  }
0x161: {  	[sflag:s22] =	ssyncset.done $0x0  }
0x162: {  	s23 =	sadd.s32 $0x1, s23;
	[sflag:s22] =	ssyncadd.s32 $0xFFFFEC00  }
0x163: {  	p0 =	sne.s32 s23, s7;
	_ =	swait.ge [sflag:s22], $0x1400  }
.Ltmp1:
0x164: {  	[sflag:s22] =	ssyncset.done $0x0;
	(pc) =	sbr.rel @p0 .LBB2_1-.Ltmp1, $4  }
0x165: {  	[sflag:s22] =	ssyncadd.s32 $0xFFFFEC00  }
0x166: {  	_ =	swait.ge [sflag:s22], $0x1400  }
0x167: {  	[sflag:s22] =	ssyncset.done $0x0  }
0x168: {  	[sflag:s22] =	ssyncadd.s32 $0xFFFFEC00  }
0x169: {  	_ =	sfence.sel $0x180000  }
0x16a: {  	[bflag:$0x0] =	sbarrier.arrive $0xFFFF  }
0x16b: {  	p0 =	sne.s32 s0, $0x0;
	_ =	strace $0x90000047  }
0x16c: {  	s0 =	sadd.s32 @!p0 $0x100000, s2;
	[bflag:$0x2] =	sbarrier.arrive $0xFFFF  }
0x16d: {  	[sflag:s0] =	ssyncadd.tile.s32 @!p0 $0x1;
	_ =	shalt  }
.Lfunc_end2:
_tile_overlayer_lowered:
.L_overlay_start_2:
0x16e: {  	(tag) =	ssettag $0x2  }
0x16f: {  	s0 =	rddreg [dreg:$0x0];
	s2 =	stileid.u32  }
0x170: {  	s1 =	rddreg [dreg:$0x1];
	p0 =	sne.s32 s2, $0x0  }
0x171: {  	s3 =	rddreg [dreg:$0x2];
	[bflag:$0x3] =	sbarrier.arrive $0xFFFF;
	s2 =	simm.s32 @!p0 $0x1C03  }
0x172: {  	[timem:s3], [sflag:s2] =	dma.local @!p0 [hbm:s0], s1  }
0x173: {  	s0 =	simm.s32 @!p0 $0x3  }
0x174: {  	_ =	swait.ge @!p0 [sflag:s0], s1  }
0x175: {  	s1 =	ssub.s32 @!p0 $0x0, s1;
	[sflag:s0] =	ssyncset.done @!p0 $0x0  }
0x176: {  	[sflag:s0] =	ssyncadd.s32 @!p0 s1  }
0x177: {  	[bflag:$0x3] =	sbarrier.arrive $0xFFFF  }
0x178: {  	_ =	shalt  }

</sc_bundles>
